<compile_context>
chip_gen: v7x
topology: tpu7x:2x2x1
jax: 0.10.2.dev20260603
libtpu: 0.0.44.dev20260713+nightly
codegen_flags: <defaults>
</compile_context>

<pallas_src>
import functools

import jax
import jax.numpy as jnp
from jax import lax
from jax.experimental import pallas as pl
from jax.experimental.pallas import tpu as pltpu
from jax.experimental.pallas import tpu_sc as plsc

NC = 2
NS = 16
NW = NC * NS
L = 16

B_CLS = 4
NBINS = 512
HIST = 2 * NBINS
N_PIX = 64 * 128 * 128
SLICE = N_PIX * 2 // NW
CHUNK = 4096
BANKED = 0
NLANE = L if BANKED else 1
HWORDS = B_CLS * NLANE * HIST


def _sc_body(lg_hbm, tg_hbm, out_hbm, lgb0, lgb1, tgb0, tgb1, hist, red,
             sem0, sem1):
    wid = lax.axis_index("s") * NC + lax.axis_index("c")
    batch = wid // NS
    sl = wid % NS
    pix0 = sl * SLICE

    zeros = jnp.zeros((L,), jnp.int32)
    ones = jnp.ones((L,), jnp.int32)
    lanebase = lax.iota(jnp.int32, L) * (HIST * BANKED)

    def _z(i, _):
        for k in range(8):
            hist[pl.ds(i * (8 * L) + k * L, L)] = zeros
        return 0
    lax.fori_loop(0, HWORDS // (8 * L), _z, 0)

    rows = CHUNK // 128

    def _issue(ci, lgb, tgb, sem):
        r0 = pl.multiple_of((pix0 + ci * CHUNK) // 128, 8)
        for c in range(B_CLS):
            pltpu.async_copy(lg_hbm.at[batch * B_CLS + c, pl.ds(r0, rows), :],
                             lgb.at[c], sem)
        pltpu.async_copy(tg_hbm.at[batch, pl.ds(r0, rows), :], tgb, sem)

    def _drain(ci, lgb, tgb, sem):
        r0 = pl.multiple_of((pix0 + ci * CHUNK) // 128, 8)
        for c in range(B_CLS):
            pltpu.make_async_copy(
                lg_hbm.at[batch * B_CLS + c, pl.ds(r0, rows), :],
                lgb.at[c], sem).wait()
        pltpu.make_async_copy(tg_hbm.at[batch, pl.ds(r0, rows), :],
                              tgb, sem).wait()

    def _compute(lgb, tgb):
        unroll = 8
        cbase = [lanebase + c * (NLANE * HIST) for c in range(B_CLS)]

        def _vec(i, _):
            offs = [k * L for k in range(unroll)]
            us = [[jnp.exp(lgb[c, i, pl.ds(off, L)]) for c in range(B_CLS)]
                  for off in offs]
            ts = [tgb[i, pl.ds(off, L)] for off in offs]
            rs = [float(NBINS) / ((u[0] + u[1]) + (u[2] + u[3])) for u in us]
            for u, t, r in zip(us, ts, rs):
                for c in range(B_CLS):
                    pn = u[c] * r
                    fg = t == c
                    v = jnp.where(fg, float(HIST) - pn, pn)
                    plsc.addupdate_scatter(
                        hist, [v.astype(jnp.int32) + cbase[c]], ones)
            return 0
        lax.fori_loop(0, rows, _vec, 0)

    nstep = SLICE // CHUNK // 2
    _issue(0, lgb0, tgb0, sem0)

    def _step(j, _):
        ci = 2 * j
        _drain(ci, lgb0, tgb0, sem0)
        _issue(ci + 1, lgb1, tgb1, sem1)
        _compute(lgb0, tgb0)
        _drain(ci + 1, lgb1, tgb1, sem1)

        @pl.when(j < nstep - 1)
        def _():
            _issue(ci + 2, lgb0, tgb0, sem0)
        _compute(lgb1, tgb1)
        return 0
    lax.fori_loop(0, nstep, _step, 0)

    if BANKED:
        for c in range(B_CLS):
            def _r(j, _):
                base = c * (L * HIST)
                acc = hist[pl.ds(base + j * L, L)]
                for l in range(1, L):
                    acc = acc + hist[pl.ds(base + l * HIST + j * L, L)]
                red[c, pl.ds(j * L, L)] = acc
                return 0
            lax.fori_loop(0, HIST // L, _r, 0)
        pltpu.sync_copy(red, out_hbm.at[wid])
    else:
        for c in range(B_CLS):
            pltpu.sync_copy(hist.at[pl.ds(c * HIST, HIST)], out_hbm.at[wid, c])


@functools.cache
def _sc_hist():
    return pl.kernel(
        _sc_body,
        out_type=jax.ShapeDtypeStruct((NW, B_CLS, HIST), jnp.int32),
        mesh=plsc.VectorSubcoreMesh(core_axis_name="c", subcore_axis_name="s",
                                    num_cores=NC, num_subcores=NS),
        scratch_types=[
            pltpu.VMEM((B_CLS, CHUNK // 128, 128), jnp.float32),
            pltpu.VMEM((B_CLS, CHUNK // 128, 128), jnp.float32),
            pltpu.VMEM((CHUNK // 128, 128), jnp.int32),
            pltpu.VMEM((CHUNK // 128, 128), jnp.int32),
            pltpu.VMEM((HWORDS,), jnp.int32),
            pltpu.VMEM((B_CLS, HIST), jnp.int32),
            pltpu.SemaphoreType.DMA,
            pltpu.SemaphoreType.DMA,
        ],
        compiler_params=pltpu.CompilerParams(needs_layout_passes=False),
    )


def _tc_finish_body(h_ref, out_ref):
    h = h_ref[...].astype(jnp.float32)
    h = h.reshape(2, NS, B_CLS, HIST)
    h = jnp.sum(h, axis=1)
    pf = h[:, :, NBINS:].reshape(2 * B_CLS, NBINS)
    n = h[:, :, :NBINS].reshape(2 * B_CLS, NBINS) + pf
    bi = lax.broadcasted_iota(jnp.int32, (NBINS, NBINS), 0)
    ki = lax.broadcasted_iota(jnp.int32, (NBINS, NBINS), 1)
    tri = (bi >= ki).astype(jnp.float32)
    x = jnp.concatenate([n, pf], axis=0)
    s = jax.lax.dot_general(x, tri, (((1,), (0,)), ((), ())),
                            preferred_element_type=jnp.float32)
    nk = s[:2 * B_CLS]
    pk = s[2 * B_CLS:]
    g = pk[:, :1]
    union = jnp.maximum(g + nk - pk, 1.0)
    jac = 1.0 - (g - pk) / union
    j_end = 1.0 - g / jnp.maximum(g, 1.0)
    j0 = jac[:, :1]
    trap = (jnp.sum(jac, axis=1, keepdims=True) + j_end
            - 0.5 * (j0 + j_end)) / float(NBINS)
    present = (g > 0.0).astype(jnp.float32)
    trap = trap.reshape(2, B_CLS)
    present = present.reshape(2, B_CLS)
    per_batch = jnp.sum(trap * present, axis=1) / jnp.maximum(
        jnp.sum(present, axis=1), 1.0)
    out_ref[...] = (0.5 * (per_batch[0] + per_batch[1])).reshape(1, 1)


_tc_finish = pl.pallas_call(
    _tc_finish_body,
    out_shape=jax.ShapeDtypeStruct((1, 1), jnp.float32),
)


def kernel(logits, target):
    lg = logits.reshape(2 * B_CLS, N_PIX // 128, 128)
    tg = target.reshape(2, N_PIX // 128, 128)
    hist = _sc_hist()(lg, tg)
    out = _tc_finish(hist.reshape(NW * B_CLS, HIST))
    return out[0, 0]

# --- scband reference (transcript-rebuilt; emitter-appended) ---
"""Pipeline reference for scband-lovasz-softmax-loss-14431090115202 (READ-ONLY COPY).

The authoritative reference and input builder live on the scoring server;
editing this copy changes nothing except your own understanding.
"""

import jax, jax.numpy as jnp
import numpy as np


def lovasz_grad(fg_sorted):
    gts = fg_sorted.sum()
    intersection = gts - jnp.cumsum(fg_sorted)
    union = gts + jnp.cumsum(1.0 - fg_sorted)
    jaccard = 1.0 - intersection / union
    grad = jnp.concatenate([jaccard[:1], jaccard[1:] - jaccard[:-1]])
    return grad


def lovasz_softmax_flat(probs, labels):
    # probs: [C, N], labels: [N]
    C = probs.shape[0]
    losses = []
    present = []
    for c in range(C):
        fg = (labels == c).astype(jnp.float32)
        prob = probs[c]
        errors = jnp.abs(fg - prob)
        perm = jnp.argsort(-errors)  # descending sort of errors
        errors_sorted = errors[perm]
        fg_sorted = fg[perm]
        grad = lovasz_grad(fg_sorted)
        losses.append(jnp.sum(errors_sorted * grad))
        present.append((fg.sum() > 0).astype(jnp.float32))
    losses = jnp.stack(losses)
    present = jnp.stack(present)
    # masked mean over classes that are present (matches torch skip-if-absent)
    denom = jnp.maximum(present.sum(), 1.0)
    return jnp.sum(losses * present) / denom


def setup_inputs(seed: int = 0) -> dict:
    key = jax.random.key(seed)
    k1, k2 = jax.random.split(key)
    logits = jax.random.normal(k1, (2, 4, 64, 128, 128), dtype=jnp.float32)
    target = jax.random.randint(k2, (2, 64, 128, 128), 0, 4, dtype=jnp.int32)
    return {"logits": logits, "target": target}


def reference(logits, target):
    probs = jax.nn.softmax(logits, axis=1)
    B, C = probs.shape[:2]
    losses = []
    for i in range(B):
        prob_i = probs[i].reshape(C, -1)
        target_i = target[i].reshape(-1)
        losses.append(lovasz_softmax_flat(prob_i, target_i))
    return jnp.mean(jnp.stack(losses))

if __name__ == "__main__":
    import jax
    _d = setup_inputs()
    print(jax.jit(kernel)(*tuple(_d.values())))

</pallas_src>

<mosaic_0001>
#map = affine_map<(d0, d1) -> (0, 0, 0)>
module attributes {stable_mosaic.version = 14 : i64} {
  func.func @_sc_body(%arg0: i32, %arg1: i32, %arg2: memref<8x8192x128xf32, #tpu.memory_space<hbm>>, %arg3: memref<2x8192x128xi32, #tpu.memory_space<hbm>>, %arg4: memref<32x4x1024xi32, #tpu.memory_space<hbm>>, %arg5: memref<4x32x128xf32, #tpu.memory_space<vmem>>, %arg6: memref<4x32x128xf32, #tpu.memory_space<vmem>>, %arg7: memref<32x128xi32, #tpu.memory_space<vmem>>, %arg8: memref<32x128xi32, #tpu.memory_space<vmem>>, %arg9: memref<4096xi32, #tpu.memory_space<vmem>>, %arg10: memref<4x1024xi32, #tpu.memory_space<vmem>>, %arg11: memref<!tpu.dma_semaphore, #tpu.memory_space<semaphore_mem>>, %arg12: memref<!tpu.dma_semaphore, #tpu.memory_space<semaphore_mem>>) attributes {dimension_semantics = [#tpu.dimension_semantics<core_parallel>, #tpu.dimension_semantics<subcore_parallel>], iteration_bounds = array<i64: 2, 16>, scalar_prefetch = 0 : i64, scratch_operands = 8 : i64, tpu.core_type = #tpu.core_type<sc_vector_subcore>, window_params = [{transform_indices = #map}, {transform_indices = #map}, {transform_indices = #map}]} {
    %mul3A = arith.constant 2 : i32
    %mul3A_0 = arith.muli %arg1, %mul3A : i32
    %add3A = arith.addi %mul3A_0, %arg0 : i32
    %jit3A = arith.constant 16 : i32
    %div3A = arith.divsi %add3A, %jit3A : i32
    %sign3A = arith.constant 0 : i32
    %sign3A_1 = arith.cmpi sgt, %add3A, %sign3A : i32
    %sign3A_2 = arith.extui %sign3A_1 : i1 to i32
    %sign3A_3 = arith.constant 0 : i32
    %sign3A_4 = arith.cmpi slt, %add3A, %sign3A_3 : i32
    %sign3A_5 = arith.extui %sign3A_4 : i1 to i32
    %sign3A_6 = arith.subi %sign3A_2, %sign3A_5 : i32
    %sign3A_7 = arith.constant 0 : i32
    %sign3A_8 = arith.cmpi sgt, %jit3A, %sign3A_7 : i32
    %sign3A_9 = arith.extui %sign3A_8 : i1 to i32
    %sign3A_10 = arith.constant 0 : i32
    %sign3A_11 = arith.cmpi slt, %jit3A, %sign3A_10 : i32
    %sign3A_12 = arith.extui %sign3A_11 : i1 to i32
    %sign3A_13 = arith.subi %sign3A_9, %sign3A_12 : i32
    %ne3A = arith.cmpi ne, %sign3A_6, %sign3A_13 : i32
    %rem3A = arith.remsi %add3A, %jit3A : i32
    %ne3A_14 = arith.constant 0 : i32
    %ne3A_15 = arith.cmpi ne, %rem3A, %ne3A_14 : i32
    %and3A = arith.andi %ne3A, %ne3A_15 : i1
    %sub3A = arith.constant 1 : i32
    %sub3A_16 = arith.subi %div3A, %sub3A : i32
    %select_n3A = arith.select %and3A, %sub3A_16, %div3A : i32
    %jit3A_17 = arith.constant 16 : i32
    %eq3A = arith.constant 0 : i32
    %eq3A_18 = arith.cmpi eq, %jit3A_17, %eq3A : i32
    %jit3A_19 = arith.constant 1 : i32
    %select_n3A_20 = arith.select %eq3A_18, %jit3A_19, %jit3A_17 : i32
    %rem3A_21 = arith.remsi %add3A, %select_n3A_20 : i32
    %ne3A_22 = arith.constant 0 : i32
    %ne3A_23 = arith.cmpi ne, %rem3A_21, %ne3A_22 : i32
    %lt3A = arith.constant 0 : i32
    %lt3A_24 = arith.cmpi slt, %rem3A_21, %lt3A : i32
    %lt3A_25 = arith.constant 0 : i32
    %lt3A_26 = arith.cmpi slt, %select_n3A_20, %lt3A_25 : i32
    %ne3A_27 = arith.xori %lt3A_24, %lt3A_26 : i1
    %and3A_28 = arith.andi %ne3A_27, %ne3A_23 : i1
    %add3A_29 = arith.addi %rem3A_21, %select_n3A_20 : i32
    %select_n3A_30 = arith.select %and3A_28, %add3A_29, %rem3A_21 : i32
    %mul3A_31 = arith.constant 65536 : i32
    %mul3A_32 = arith.muli %select_n3A_30, %mul3A_31 : i32
    %broadcast_in_dim3A = arith.constant 0 : i32
    %broadcast_in_dim3A_33 = vector.broadcast %broadcast_in_dim3A : i32 to vector<16xi32>
    %broadcast_in_dim3A_34 = arith.constant 1 : i32
    %broadcast_in_dim3A_35 = vector.broadcast %broadcast_in_dim3A_34 : i32 to vector<16xi32>
    %iota3A = tpu.iota {dimensions = array<i32: 0>} : vector<16xi32>
    %mul3A_36 = arith.constant 0 : i32
    %mul3A_37 = vector.broadcast %mul3A_36 : i32 to vector<16xi32>
    %mul3A_38 = arith.muli %iota3A, %mul3A_37 : vector<16xi32>
    %scan3A = arith.constant 0 : i32
    %scan3A_39 = arith.constant 0 : i32
    %scan3A_40 = arith.constant 32 : i32
    %scan3A_41 = arith.addi %scan3A_39, %scan3A_40 : i32
    %scan3A_42 = arith.constant 1 : i32
    %scan3A_43 = scf.for %scan3A_162 = %scan3A_39 to %scan3A_41 step %scan3A_42 iter_args(%scan3A_163 = %scan3A) -> (i32)  : i32 {
      %mul3A_164 = arith.constant 128 : i32
      %mul3A_165 = arith.muli %scan3A_162, %mul3A_164 : i32
      %add3A_166 = arith.constant 0 : i32
      %add3A_167 = arith.addi %mul3A_165, %add3A_166 : i32
      %swap3A = arith.index_cast %add3A_167 : i32 to index
      %swap3A_168 = tpu.vector_load %arg9[%swap3A] {strides = array<i32>} : memref<4096xi32, #tpu.memory_space<vmem>>, vector<16xi32>,
      tpu.vector_store %arg9[%swap3A], %broadcast_in_dim3A_33 {strides = array<i32>} : memref<4096xi32, #tpu.memory_space<vmem>>, vector<16xi32>,
      %mul3A_169 = arith.constant 128 : i32
      %mul3A_170 = arith.muli %scan3A_162, %mul3A_169 : i32
      %add3A_171 = arith.constant 16 : i32
      %add3A_172 = arith.addi %mul3A_170, %add3A_171 : i32
      %swap3A_173 = arith.index_cast %add3A_172 : i32 to index
      %swap3A_174 = tpu.vector_load %arg9[%swap3A_173] {strides = array<i32>} : memref<4096xi32, #tpu.memory_space<vmem>>, vector<16xi32>,
      tpu.vector_store %arg9[%swap3A_173], %broadcast_in_dim3A_33 {strides = array<i32>} : memref<4096xi32, #tpu.memory_space<vmem>>, vector<16xi32>,
      %mul3A_175 = arith.constant 128 : i32
      %mul3A_176 = arith.muli %scan3A_162, %mul3A_175 : i32
      %add3A_177 = arith.constant 32 : i32
      %add3A_178 = arith.addi %mul3A_176, %add3A_177 : i32
      %swap3A_179 = arith.index_cast %add3A_178 : i32 to index
      %swap3A_180 = tpu.vector_load %arg9[%swap3A_179] {strides = array<i32>} : memref<4096xi32, #tpu.memory_space<vmem>>, vector<16xi32>,
      tpu.vector_store %arg9[%swap3A_179], %broadcast_in_dim3A_33 {strides = array<i32>} : memref<4096xi32, #tpu.memory_space<vmem>>, vector<16xi32>,
      %mul3A_181 = arith.constant 128 : i32
      %mul3A_182 = arith.muli %scan3A_162, %mul3A_181 : i32
      %add3A_183 = arith.constant 48 : i32
      %add3A_184 = arith.addi %mul3A_182, %add3A_183 : i32
      %swap3A_185 = arith.index_cast %add3A_184 : i32 to index
      %swap3A_186 = tpu.vector_load %arg9[%swap3A_185] {strides = array<i32>} : memref<4096xi32, #tpu.memory_space<vmem>>, vector<16xi32>,
      tpu.vector_store %arg9[%swap3A_185], %broadcast_in_dim3A_33 {strides = array<i32>} : memref<4096xi32, #tpu.memory_space<vmem>>, vector<16xi32>,
      %mul3A_187 = arith.constant 128 : i32
      %mul3A_188 = arith.muli %scan3A_162, %mul3A_187 : i32
      %add3A_189 = arith.constant 64 : i32
      %add3A_190 = arith.addi %mul3A_188, %add3A_189 : i32
      %swap3A_191 = arith.index_cast %add3A_190 : i32 to index
      %swap3A_192 = tpu.vector_load %arg9[%swap3A_191] {strides = array<i32>} : memref<4096xi32, #tpu.memory_space<vmem>>, vector<16xi32>,
      tpu.vector_store %arg9[%swap3A_191], %broadcast_in_dim3A_33 {strides = array<i32>} : memref<4096xi32, #tpu.memory_space<vmem>>, vector<16xi32>,
      %mul3A_193 = arith.constant 128 : i32
      %mul3A_194 = arith.muli %scan3A_162, %mul3A_193 : i32
      %add3A_195 = arith.constant 80 : i32
      %add3A_196 = arith.addi %mul3A_194, %add3A_195 : i32
      %swap3A_197 = arith.index_cast %add3A_196 : i32 to index
      %swap3A_198 = tpu.vector_load %arg9[%swap3A_197] {strides = array<i32>} : memref<4096xi32, #tpu.memory_space<vmem>>, vector<16xi32>,
      tpu.vector_store %arg9[%swap3A_197], %broadcast_in_dim3A_33 {strides = array<i32>} : memref<4096xi32, #tpu.memory_space<vmem>>, vector<16xi32>,
      %mul3A_199 = arith.constant 128 : i32
      %mul3A_200 = arith.muli %scan3A_162, %mul3A_199 : i32
      %add3A_201 = arith.constant 96 : i32
      %add3A_202 = arith.addi %mul3A_200, %add3A_201 : i32
      %swap3A_203 = arith.index_cast %add3A_202 : i32 to index
      %swap3A_204 = tpu.vector_load %arg9[%swap3A_203] {strides = array<i32>} : memref<4096xi32, #tpu.memory_space<vmem>>, vector<16xi32>,
      tpu.vector_store %arg9[%swap3A_203], %broadcast_in_dim3A_33 {strides = array<i32>} : memref<4096xi32, #tpu.memory_space<vmem>>, vector<16xi32>,
      %mul3A_205 = arith.constant 128 : i32
      %mul3A_206 = arith.muli %scan3A_162, %mul3A_205 : i32
      %add3A_207 = arith.constant 112 : i32
      %add3A_208 = arith.addi %mul3A_206, %add3A_207 : i32
      %swap3A_209 = arith.index_cast %add3A_208 : i32 to index
      %swap3A_210 = tpu.vector_load %arg9[%swap3A_209] {strides = array<i32>} : memref<4096xi32, #tpu.memory_space<vmem>>, vector<16xi32>,
      tpu.vector_store %arg9[%swap3A_209], %broadcast_in_dim3A_33 {strides = array<i32>} : memref<4096xi32, #tpu.memory_space<vmem>>, vector<16xi32>,
      %scan3A_211 = arith.constant 0 : i32
      scf.yield %scan3A_211 : i32
    }
    %scan3A_44 = arith.constant 32 : i32
    %add3A_45 = arith.constant 0 : i32
    %add3A_46 = arith.addi %mul3A_32, %add3A_45 : i32
    %jit3A_47 = arith.constant 128 : i32
    %div3A_48 = arith.divsi %add3A_46, %jit3A_47 : i32
    %sign3A_49 = arith.constant 0 : i32
    %sign3A_50 = arith.cmpi sgt, %add3A_46, %sign3A_49 : i32
    %sign3A_51 = arith.extui %sign3A_50 : i1 to i32
    %sign3A_52 = arith.constant 0 : i32
    %sign3A_53 = arith.cmpi slt, %add3A_46, %sign3A_52 : i32
    %sign3A_54 = arith.extui %sign3A_53 : i1 to i32
    %sign3A_55 = arith.subi %sign3A_51, %sign3A_54 : i32
    %sign3A_56 = arith.constant 0 : i32
    %sign3A_57 = arith.cmpi sgt, %jit3A_47, %sign3A_56 : i32
    %sign3A_58 = arith.extui %sign3A_57 : i1 to i32
    %sign3A_59 = arith.constant 0 : i32
    %sign3A_60 = arith.cmpi slt, %jit3A_47, %sign3A_59 : i32
    %sign3A_61 = arith.extui %sign3A_60 : i1 to i32
    %sign3A_62 = arith.subi %sign3A_58, %sign3A_61 : i32
    %ne3A_63 = arith.cmpi ne, %sign3A_55, %sign3A_62 : i32
    %rem3A_64 = arith.remsi %add3A_46, %jit3A_47 : i32
    %ne3A_65 = arith.constant 0 : i32
    %ne3A_66 = arith.cmpi ne, %rem3A_64, %ne3A_65 : i32
    %and3A_67 = arith.andi %ne3A_63, %ne3A_66 : i1
    %sub3A_68 = arith.constant 1 : i32
    %sub3A_69 = arith.subi %div3A_48, %sub3A_68 : i32
    %select_n3A_70 = arith.select %and3A_67, %sub3A_69, %div3A_48 : i32
    %multiple_of3A = tpu.assume_multiple %select_n3A_70, 8 : i32
    %mul3A_71 = arith.constant 4 : i32
    %mul3A_72 = arith.muli %select_n3A, %mul3A_71 : i32
    %add3A_73 = arith.constant 0 : i32
    %add3A_74 = arith.addi %mul3A_72, %add3A_73 : i32
    %dma_start3A = arith.constant 0 : i32
    %dma_start3A_75 = arith.constant 0 : i32
    %dma_start3A_76 = arith.constant 0 : i32
    %dma_start3A_77 = tpu.memref_slice %arg5[%dma_start3A, %dma_start3A_75, %dma_start3A_76] : memref<4x32x128xf32, #tpu.memory_space<vmem>> -> memref<1x32x128xf32, #tpu.memory_space<vmem>>
    %dma_start3A_78 = tpu.memref_squeeze %dma_start3A_77 : memref<1x32x128xf32, #tpu.memory_space<vmem>> -> memref<32x128xf32, #tpu.memory_space<vmem>>
    %dma_start3A_79 = arith.constant 0 : i32
    %dma_start3A_80 = tpu.memref_slice %arg2[%add3A_74, %multiple_of3A, %dma_start3A_79] : memref<8x8192x128xf32, #tpu.memory_space<hbm>> -> memref<1x32x128xf32, #tpu.memory_space<hbm>>
    %dma_start3A_81 = tpu.memref_squeeze %dma_start3A_80 : memref<1x32x128xf32, #tpu.memory_space<hbm>> -> memref<32x128xf32, #tpu.memory_space<hbm>>
    %dma_start3A_82 = arith.constant 0 : i32
    %dma_start3A_83 = arith.constant 0 : i32
    %dma_start3A_84 = tpu.memref_slice %arg5[%dma_start3A, %dma_start3A_82, %dma_start3A_83] : memref<4x32x128xf32, #tpu.memory_space<vmem>> -> memref<1x32x128xf32, #tpu.memory_space<vmem>>
    %dma_start3A_85 = tpu.memref_squeeze %dma_start3A_84 : memref<1x32x128xf32, #tpu.memory_space<vmem>> -> memref<32x128xf32, #tpu.memory_space<vmem>>
    %dma_start3A_86 = arith.constant 0 : i32
    %dma_start3A_87 = tpu.memref_slice %arg2[%add3A_74, %multiple_of3A, %dma_start3A_86] : memref<8x8192x128xf32, #tpu.memory_space<hbm>> -> memref<1x32x128xf32, #tpu.memory_space<hbm>>
    %dma_start3A_88 = tpu.memref_squeeze %dma_start3A_87 : memref<1x32x128xf32, #tpu.memory_space<hbm>> -> memref<32x128xf32, #tpu.memory_space<hbm>>
    tpu.enqueue_dma source(%dma_start3A_88 : memref<32x128xf32, #tpu.memory_space<hbm>>) target(%dma_start3A_85 : memref<32x128xf32, #tpu.memory_space<vmem>>) target_semaphore(%arg11 : memref<!tpu.dma_semaphore, #tpu.memory_space<semaphore_mem>>)
    %mul3A_89 = arith.constant 4 : i32
    %mul3A_90 = arith.muli %select_n3A, %mul3A_89 : i32
    %add3A_91 = arith.constant 1 : i32
    %add3A_92 = arith.addi %mul3A_90, %add3A_91 : i32
    %dma_start3A_93 = arith.constant 1 : i32
    %dma_start3A_94 = arith.constant 0 : i32
    %dma_start3A_95 = arith.constant 0 : i32
    %dma_start3A_96 = tpu.memref_slice %arg5[%dma_start3A_93, %dma_start3A_94, %dma_start3A_95] : memref<4x32x128xf32, #tpu.memory_space<vmem>> -> memref<1x32x128xf32, #tpu.memory_space<vmem>>
    %dma_start3A_97 = tpu.memref_squeeze %dma_start3A_96 : memref<1x32x128xf32, #tpu.memory_space<vmem>> -> memref<32x128xf32, #tpu.memory_space<vmem>>
    %dma_start3A_98 = arith.constant 0 : i32
    %dma_start3A_99 = tpu.memref_slice %arg2[%add3A_92, %multiple_of3A, %dma_start3A_98] : memref<8x8192x128xf32, #tpu.memory_space<hbm>> -> memref<1x32x128xf32, #tpu.memory_space<hbm>>
    %dma_start3A_100 = tpu.memref_squeeze %dma_start3A_99 : memref<1x32x128xf32, #tpu.memory_space<hbm>> -> memref<32x128xf32, #tpu.memory_space<hbm>>
    %dma_start3A_101 = arith.constant 0 : i32
    %dma_start3A_102 = arith.constant 0 : i32
    %dma_start3A_103 = tpu.memref_slice %arg5[%dma_start3A_93, %dma_start3A_101, %dma_start3A_102] : memref<4x32x128xf32, #tpu.memory_space<vmem>> -> memref<1x32x128xf32, #tpu.memory_space<vmem>>
    %dma_start3A_104 = tpu.memref_squeeze %dma_start3A_103 : memref<1x32x128xf32, #tpu.memory_space<vmem>> -> memref<32x128xf32, #tpu.memory_space<vmem>>
    %dma_start3A_105 = arith.constant 0 : i32
    %dma_start3A_106 = tpu.memref_slice %arg2[%add3A_92, %multiple_of3A, %dma_start3A_105] : memref<8x8192x128xf32, #tpu.memory_space<hbm>> -> memref<1x32x128xf32, #tpu.memory_space<hbm>>
    %dma_start3A_107 = tpu.memref_squeeze %dma_start3A_106 : memref<1x32x128xf32, #tpu.memory_space<hbm>> -> memref<32x128xf32, #tpu.memory_space<hbm>>
    tpu.enqueue_dma source(%dma_start3A_107 : memref<32x128xf32, #tpu.memory_space<hbm>>) target(%dma_start3A_104 : memref<32x128xf32, #tpu.memory_space<vmem>>) target_semaphore(%arg11 : memref<!tpu.dma_semaphore, #tpu.memory_space<semaphore_mem>>)
    %mul3A_108 = arith.constant 4 : i32
    %mul3A_109 = arith.muli %select_n3A, %mul3A_108 : i32
    %add3A_110 = arith.constant 2 : i32
    %add3A_111 = arith.addi %mul3A_109, %add3A_110 : i32
    %dma_start3A_112 = arith.constant 2 : i32
    %dma_start3A_113 = arith.constant 0 : i32
    %dma_start3A_114 = arith.constant 0 : i32
    %dma_start3A_115 = tpu.memref_slice %arg5[%dma_start3A_112, %dma_start3A_113, %dma_start3A_114] : memref<4x32x128xf32, #tpu.memory_space<vmem>> -> memref<1x32x128xf32, #tpu.memory_space<vmem>>
    %dma_start3A_116 = tpu.memref_squeeze %dma_start3A_115 : memref<1x32x128xf32, #tpu.memory_space<vmem>> -> memref<32x128xf32, #tpu.memory_space<vmem>>
    %dma_start3A_117 = arith.constant 0 : i32
    %dma_start3A_118 = tpu.memref_slice %arg2[%add3A_111, %multiple_of3A, %dma_start3A_117] : memref<8x8192x128xf32, #tpu.memory_space<hbm>> -> memref<1x32x128xf32, #tpu.memory_space<hbm>>
    %dma_start3A_119 = tpu.memref_squeeze %dma_start3A_118 : memref<1x32x128xf32, #tpu.memory_space<hbm>> -> memref<32x128xf32, #tpu.memory_space<hbm>>
    %dma_start3A_120 = arith.constant 0 : i32
    %dma_start3A_121 = arith.constant 0 : i32
    %dma_start3A_122 = tpu.memref_slice %arg5[%dma_start3A_112, %dma_start3A_120, %dma_start3A_121] : memref<4x32x128xf32, #tpu.memory_space<vmem>> -> memref<1x32x128xf32, #tpu.memory_space<vmem>>
    %dma_start3A_123 = tpu.memref_squeeze %dma_start3A_122 : memref<1x32x128xf32, #tpu.memory_space<vmem>> -> memref<32x128xf32, #tpu.memory_space<vmem>>
    %dma_start3A_124 = arith.constant 0 : i32
    %dma_start3A_125 = tpu.memref_slice %arg2[%add3A_111, %multiple_of3A, %dma_start3A_124] : memref<8x8192x128xf32, #tpu.memory_space<hbm>> -> memref<1x32x128xf32, #tpu.memory_space<hbm>>
    %dma_start3A_126 = tpu.memref_squeeze %dma_start3A_125 : memref<1x32x128xf32, #tpu.memory_space<hbm>> -> memref<32x128xf32, #tpu.memory_space<hbm>>
    tpu.enqueue_dma source(%dma_start3A_126 : memref<32x128xf32, #tpu.memory_space<hbm>>) target(%dma_start3A_123 : memref<32x128xf32, #tpu.memory_space<vmem>>) target_semaphore(%arg11 : memref<!tpu.dma_semaphore, #tpu.memory_space<semaphore_mem>>)
    %mul3A_127 = arith.constant 4 : i32
    %mul3A_128 = arith.muli %select_n3A, %mul3A_127 : i32
    %add3A_129 = arith.constant 3 : i32
    %add3A_130 = arith.addi %mul3A_128, %add3A_129 : i32
    %dma_start3A_131 = arith.constant 3 : i32
    %dma_start3A_132 = arith.constant 0 : i32
    %dma_start3A_133 = arith.constant 0 : i32
    %dma_start3A_134 = tpu.memref_slice %arg5[%dma_start3A_131, %dma_start3A_132, %dma_start3A_133] : memref<4x32x128xf32, #tpu.memory_space<vmem>> -> memref<1x32x128xf32, #tpu.memory_space<vmem>>
    %dma_start3A_135 = tpu.memref_squeeze %dma_start3A_134 : memref<1x32x128xf32, #tpu.memory_space<vmem>> -> memref<32x128xf32, #tpu.memory_space<vmem>>
    %dma_start3A_136 = arith.constant 0 : i32
    %dma_start3A_137 = tpu.memref_slice %arg2[%add3A_130, %multiple_of3A, %dma_start3A_136] : memref<8x8192x128xf32, #tpu.memory_space<hbm>> -> memref<1x32x128xf32, #tpu.memory_space<hbm>>
    %dma_start3A_138 = tpu.memref_squeeze %dma_start3A_137 : memref<1x32x128xf32, #tpu.memory_space<hbm>> -> memref<32x128xf32, #tpu.memory_space<hbm>>
    %dma_start3A_139 = arith.constant 0 : i32
    %dma_start3A_140 = arith.constant 0 : i32
    %dma_start3A_141 = tpu.memref_slice %arg5[%dma_start3A_131, %dma_start3A_139, %dma_start3A_140] : memref<4x32x128xf32, #tpu.memory_space<vmem>> -> memref<1x32x128xf32, #tpu.memory_space<vmem>>
    %dma_start3A_142 = tpu.memref_squeeze %dma_start3A_141 : memref<1x32x128xf32, #tpu.memory_space<vmem>> -> memref<32x128xf32, #tpu.memory_space<vmem>>
    %dma_start3A_143 = arith.constant 0 : i32
    %dma_start3A_144 = tpu.memref_slice %arg2[%add3A_130, %multiple_of3A, %dma_start3A_143] : memref<8x8192x128xf32, #tpu.memory_space<hbm>> -> memref<1x32x128xf32, #tpu.memory_space<hbm>>
    %dma_start3A_145 = tpu.memref_squeeze %dma_start3A_144 : memref<1x32x128xf32, #tpu.memory_space<hbm>> -> memref<32x128xf32, #tpu.memory_space<hbm>>
    tpu.enqueue_dma source(%dma_start3A_145 : memref<32x128xf32, #tpu.memory_space<hbm>>) target(%dma_start3A_142 : memref<32x128xf32, #tpu.memory_space<vmem>>) target_semaphore(%arg11 : memref<!tpu.dma_semaphore, #tpu.memory_space<semaphore_mem>>)
    %dma_start3A_146 = arith.constant 0 : i32
    %dma_start3A_147 = tpu.memref_slice %arg3[%select_n3A, %multiple_of3A, %dma_start3A_146] : memref<2x8192x128xi32, #tpu.memory_space<hbm>> -> memref<1x32x128xi32, #tpu.memory_space<hbm>>
    %dma_start3A_148 = tpu.memref_squeeze %dma_start3A_147 : memref<1x32x128xi32, #tpu.memory_space<hbm>> -> memref<32x128xi32, #tpu.memory_space<hbm>>
    %dma_start3A_149 = arith.constant 0 : i32
    %dma_start3A_150 = tpu.memref_slice %arg3[%select_n3A, %multiple_of3A, %dma_start3A_149] : memref<2x8192x128xi32, #tpu.memory_space<hbm>> -> memref<1x32x128xi32, #tpu.memory_space<hbm>>
    %dma_start3A_151 = tpu.memref_squeeze %dma_start3A_150 : memref<1x32x128xi32, #tpu.memory_space<hbm>> -> memref<32x128xi32, #tpu.memory_space<hbm>>
    tpu.enqueue_dma source(%dma_start3A_151 : memref<32x128xi32, #tpu.memory_space<hbm>>) target(%arg7 : memref<32x128xi32, #tpu.memory_space<vmem>>) target_semaphore(%arg11 : memref<!tpu.dma_semaphore, #tpu.memory_space<semaphore_mem>>)
    %scan3A_152 = arith.constant 0 : i32
    %scan3A_153 = arith.constant 0 : i32
    %scan3A_154 = arith.constant 8 : i32
    %scan3A_155 = arith.addi %scan3A_153, %scan3A_154 : i32
    %scan3A_156 = arith.constant 1 : i32
    %scan3A_157 = scf.for %scan3A_162 = %scan3A_153 to %scan3A_155 step %scan3A_156 iter_args(%scan3A_163 = %scan3A_152) -> (i32)  : i32 {
      %mul3A_164 = arith.constant 2 : i32
      %mul3A_165 = arith.muli %mul3A_164, %scan3A_162 : i32
      %mul3A_166 = arith.constant 4096 : i32
      %mul3A_167 = arith.muli %mul3A_165, %mul3A_166 : i32
      %add3A_168 = arith.addi %mul3A_32, %mul3A_167 : i32
      %jit3A_169 = arith.constant 128 : i32
      %div3A_170 = arith.divsi %add3A_168, %jit3A_169 : i32
      %sign3A_171 = arith.constant 0 : i32
      %sign3A_172 = arith.cmpi sgt, %add3A_168, %sign3A_171 : i32
      %sign3A_173 = arith.extui %sign3A_172 : i1 to i32
      %sign3A_174 = arith.constant 0 : i32
      %sign3A_175 = arith.cmpi slt, %add3A_168, %sign3A_174 : i32
      %sign3A_176 = arith.extui %sign3A_175 : i1 to i32
      %sign3A_177 = arith.subi %sign3A_173, %sign3A_176 : i32
      %sign3A_178 = arith.constant 0 : i32
      %sign3A_179 = arith.cmpi sgt, %jit3A_169, %sign3A_178 : i32
      %sign3A_180 = arith.extui %sign3A_179 : i1 to i32
      %sign3A_181 = arith.constant 0 : i32
      %sign3A_182 = arith.cmpi slt, %jit3A_169, %sign3A_181 : i32
      %sign3A_183 = arith.extui %sign3A_182 : i1 to i32
      %sign3A_184 = arith.subi %sign3A_180, %sign3A_183 : i32
      %ne3A_185 = arith.cmpi ne, %sign3A_177, %sign3A_184 : i32
      %rem3A_186 = arith.remsi %add3A_168, %jit3A_169 : i32
      %ne3A_187 = arith.constant 0 : i32
      %ne3A_188 = arith.cmpi ne, %rem3A_186, %ne3A_187 : i32
      %and3A_189 = arith.andi %ne3A_185, %ne3A_188 : i1
      %sub3A_190 = arith.constant 1 : i32
      %sub3A_191 = arith.subi %div3A_170, %sub3A_190 : i32
      %select_n3A_192 = arith.select %and3A_189, %sub3A_191, %div3A_170 : i32
      %multiple_of3A_193 = tpu.assume_multiple %select_n3A_192, 8 : i32
      %mul3A_194 = arith.constant 4 : i32
      %mul3A_195 = arith.muli %select_n3A, %mul3A_194 : i32
      %add3A_196 = arith.constant 0 : i32
      %add3A_197 = arith.addi %mul3A_195, %add3A_196 : i32
      %dma_wait3A = arith.constant 0 : i32
      %dma_wait3A_198 = arith.constant 0 : i32
      %dma_wait3A_199 = arith.constant 0 : i32
      %dma_wait3A_200 = tpu.memref_slice %arg5[%dma_wait3A, %dma_wait3A_198, %dma_wait3A_199] : memref<4x32x128xf32, #tpu.memory_space<vmem>> -> memref<1x32x128xf32, #tpu.memory_space<vmem>>
      %dma_wait3A_201 = tpu.memref_squeeze %dma_wait3A_200 : memref<1x32x128xf32, #tpu.memory_space<vmem>> -> memref<32x128xf32, #tpu.memory_space<vmem>>
      %dma_wait3A_202 = arith.constant 0 : i32
      %dma_wait3A_203 = tpu.memref_slice %arg2[%add3A_197, %multiple_of3A_193, %dma_wait3A_202] : memref<8x8192x128xf32, #tpu.memory_space<hbm>> -> memref<1x32x128xf32, #tpu.memory_space<hbm>>
      %dma_wait3A_204 = tpu.memref_squeeze %dma_wait3A_203 : memref<1x32x128xf32, #tpu.memory_space<hbm>> -> memref<32x128xf32, #tpu.memory_space<hbm>>
      %dma_wait3A_205 = arith.constant 0 : i32
      %dma_wait3A_206 = arith.constant 0 : i32
      %dma_wait3A_207 = tpu.memref_slice %arg5[%dma_wait3A, %dma_wait3A_205, %dma_wait3A_206] : memref<4x32x128xf32, #tpu.memory_space<vmem>> -> memref<1x32x128xf32, #tpu.memory_space<vmem>>
      %dma_wait3A_208 = tpu.memref_squeeze %dma_wait3A_207 : memref<1x32x128xf32, #tpu.memory_space<vmem>> -> memref<32x128xf32, #tpu.memory_space<vmem>>
      %dma_wait3A_209 = arith.constant 0 : i32
      %dma_wait3A_210 = tpu.memref_slice %arg2[%add3A_197, %multiple_of3A_193, %dma_wait3A_209] : memref<8x8192x128xf32, #tpu.memory_space<hbm>> -> memref<1x32x128xf32, #tpu.memory_space<hbm>>
      %dma_wait3A_211 = tpu.memref_squeeze %dma_wait3A_210 : memref<1x32x128xf32, #tpu.memory_space<hbm>> -> memref<32x128xf32, #tpu.memory_space<hbm>>
      tpu.wait_dma2 semaphore(%arg11 : memref<!tpu.dma_semaphore, #tpu.memory_space<semaphore_mem>>) src(%dma_wait3A_211 : memref<32x128xf32, #tpu.memory_space<hbm>>) dst(%dma_wait3A_208 : memref<32x128xf32, #tpu.memory_space<vmem>>)
      %mul3A_212 = arith.constant 4 : i32
      %mul3A_213 = arith.muli %select_n3A, %mul3A_212 : i32
      %add3A_214 = arith.constant 1 : i32
      %add3A_215 = arith.addi %mul3A_213, %add3A_214 : i32
      %dma_wait3A_216 = arith.constant 1 : i32
      %dma_wait3A_217 = arith.constant 0 : i32
      %dma_wait3A_218 = arith.constant 0 : i32
      %dma_wait3A_219 = tpu.memref_slice %arg5[%dma_wait3A_216, %dma_wait3A_217, %dma_wait3A_218] : memref<4x32x128xf32, #tpu.memory_space<vmem>> -> memref<1x32x128xf32, #tpu.memory_space<vmem>>
      %dma_wait3A_220 = tpu.memref_squeeze %dma_wait3A_219 : memref<1x32x128xf32, #tpu.memory_space<vmem>> -> memref<32x128xf32, #tpu.memory_space<vmem>>
      %dma_wait3A_221 = arith.constant 0 : i32
      %dma_wait3A_222 = tpu.memref_slice %arg2[%add3A_215, %multiple_of3A_193, %dma_wait3A_221] : memref<8x8192x128xf32, #tpu.memory_space<hbm>> -> memref<1x32x128xf32, #tpu.memory_space<hbm>>
      %dma_wait3A_223 = tpu.memref_squeeze %dma_wait3A_222 : memref<1x32x128xf32, #tpu.memory_space<hbm>> -> memref<32x128xf32, #tpu.memory_space<hbm>>
      %dma_wait3A_224 = arith.constant 0 : i32
      %dma_wait3A_225 = arith.constant 0 : i32
      %dma_wait3A_226 = tpu.memref_slice %arg5[%dma_wait3A_216, %dma_wait3A_224, %dma_wait3A_225] : memref<4x32x128xf32, #tpu.memory_space<vmem>> -> memref<1x32x128xf32, #tpu.memory_space<vmem>>
      %dma_wait3A_227 = tpu.memref_squeeze %dma_wait3A_226 : memref<1x32x128xf32, #tpu.memory_space<vmem>> -> memref<32x128xf32, #tpu.memory_space<vmem>>
      %dma_wait3A_228 = arith.constant 0 : i32
      %dma_wait3A_229 = tpu.memref_slice %arg2[%add3A_215, %multiple_of3A_193, %dma_wait3A_228] : memref<8x8192x128xf32, #tpu.memory_space<hbm>> -> memref<1x32x128xf32, #tpu.memory_space<hbm>>
      %dma_wait3A_230 = tpu.memref_squeeze %dma_wait3A_229 : memref<1x32x128xf32, #tpu.memory_space<hbm>> -> memref<32x128xf32, #tpu.memory_space<hbm>>
      tpu.wait_dma2 semaphore(%arg11 : memref<!tpu.dma_semaphore, #tpu.memory_space<semaphore_mem>>) src(%dma_wait3A_230 : memref<32x128xf32, #tpu.memory_space<hbm>>) dst(%dma_wait3A_227 : memref<32x128xf32, #tpu.memory_space<vmem>>)
      %mul3A_231 = arith.constant 4 : i32
      %mul3A_232 = arith.muli %select_n3A, %mul3A_231 : i32
      %add3A_233 = arith.constant 2 : i32
      %add3A_234 = arith.addi %mul3A_232, %add3A_233 : i32
      %dma_wait3A_235 = arith.constant 2 : i32
      %dma_wait3A_236 = arith.constant 0 : i32
      %dma_wait3A_237 = arith.constant 0 : i32
      %dma_wait3A_238 = tpu.memref_slice %arg5[%dma_wait3A_235, %dma_wait3A_236, %dma_wait3A_237] : memref<4x32x128xf32, #tpu.memory_space<vmem>> -> memref<1x32x128xf32, #tpu.memory_space<vmem>>
      %dma_wait3A_239 = tpu.memref_squeeze %dma_wait3A_238 : memref<1x32x128xf32, #tpu.memory_space<vmem>> -> memref<32x128xf32, #tpu.memory_space<vmem>>
      %dma_wait3A_240 = arith.constant 0 : i32
      %dma_wait3A_241 = tpu.memref_slice %arg2[%add3A_234, %multiple_of3A_193, %dma_wait3A_240] : memref<8x8192x128xf32, #tpu.memory_space<hbm>> -> memref<1x32x128xf32, #tpu.memory_space<hbm>>
      %dma_wait3A_242 = tpu.memref_squeeze %dma_wait3A_241 : memref<1x32x128xf32, #tpu.memory_space<hbm>> -> memref<32x128xf32, #tpu.memory_space<hbm>>
      %dma_wait3A_243 = arith.constant 0 : i32
      %dma_wait3A_244 = arith.constant 0 : i32
      %dma_wait3A_245 = tpu.memref_slice %arg5[%dma_wait3A_235, %dma_wait3A_243, %dma_wait3A_244] : memref<4x32x128xf32, #tpu.memory_space<vmem>> -> memref<1x32x128xf32, #tpu.memory_space<vmem>>
      %dma_wait3A_246 = tpu.memref_squeeze %dma_wait3A_245 : memref<1x32x128xf32, #tpu.memory_space<vmem>> -> memref<32x128xf32, #tpu.memory_space<vmem>>
      %dma_wait3A_247 = arith.constant 0 : i32
      %dma_wait3A_248 = tpu.memref_slice %arg2[%add3A_234, %multiple_of3A_193, %dma_wait3A_247] : memref<8x8192x128xf32, #tpu.memory_space<hbm>> -> memref<1x32x128xf32, #tpu.memory_space<hbm>>
      %dma_wait3A_249 = tpu.memref_squeeze %dma_wait3A_248 : memref<1x32x128xf32, #tpu.memory_space<hbm>> -> memref<32x128xf32, #tpu.memory_space<hbm>>
      tpu.wait_dma2 semaphore(%arg11 : memref<!tpu.dma_semaphore, #tpu.memory_space<semaphore_mem>>) src(%dma_wait3A_249 : memref<32x128xf32, #tpu.memory_space<hbm>>) dst(%dma_wait3A_246 : memref<32x128xf32, #tpu.memory_space<vmem>>)
      %mul3A_250 = arith.constant 4 : i32
      %mul3A_251 = arith.muli %select_n3A, %mul3A_250 : i32
      %add3A_252 = arith.constant 3 : i32
      %add3A_253 = arith.addi %mul3A_251, %add3A_252 : i32
      %dma_wait3A_254 = arith.constant 3 : i32
      %dma_wait3A_255 = arith.constant 0 : i32
      %dma_wait3A_256 = arith.constant 0 : i32
      %dma_wait3A_257 = tpu.memref_slice %arg5[%dma_wait3A_254, %dma_wait3A_255, %dma_wait3A_256] : memref<4x32x128xf32, #tpu.memory_space<vmem>> -> memref<1x32x128xf32, #tpu.memory_space<vmem>>
      %dma_wait3A_258 = tpu.memref_squeeze %dma_wait3A_257 : memref<1x32x128xf32, #tpu.memory_space<vmem>> -> memref<32x128xf32, #tpu.memory_space<vmem>>
      %dma_wait3A_259 = arith.constant 0 : i32
      %dma_wait3A_260 = tpu.memref_slice %arg2[%add3A_253, %multiple_of3A_193, %dma_wait3A_259] : memref<8x8192x128xf32, #tpu.memory_space<hbm>> -> memref<1x32x128xf32, #tpu.memory_space<hbm>>
      %dma_wait3A_261 = tpu.memref_squeeze %dma_wait3A_260 : memref<1x32x128xf32, #tpu.memory_space<hbm>> -> memref<32x128xf32, #tpu.memory_space<hbm>>
      %dma_wait3A_262 = arith.constant 0 : i32
      %dma_wait3A_263 = arith.constant 0 : i32
      %dma_wait3A_264 = tpu.memref_slice %arg5[%dma_wait3A_254, %dma_wait3A_262, %dma_wait3A_263] : memref<4x32x128xf32, #tpu.memory_space<vmem>> -> memref<1x32x128xf32, #tpu.memory_space<vmem>>
      %dma_wait3A_265 = tpu.memref_squeeze %dma_wait3A_264 : memref<1x32x128xf32, #tpu.memory_space<vmem>> -> memref<32x128xf32, #tpu.memory_space<vmem>>
      %dma_wait3A_266 = arith.constant 0 : i32
      %dma_wait3A_267 = tpu.memref_slice %arg2[%add3A_253, %multiple_of3A_193, %dma_wait3A_266] : memref<8x8192x128xf32, #tpu.memory_space<hbm>> -> memref<1x32x128xf32, #tpu.memory_space<hbm>>
      %dma_wait3A_268 = tpu.memref_squeeze %dma_wait3A_267 : memref<1x32x128xf32, #tpu.memory_space<hbm>> -> memref<32x128xf32, #tpu.memory_space<hbm>>
      tpu.wait_dma2 semaphore(%arg11 : memref<!tpu.dma_semaphore, #tpu.memory_space<semaphore_mem>>) src(%dma_wait3A_268 : memref<32x128xf32, #tpu.memory_space<hbm>>) dst(%dma_wait3A_265 : memref<32x128xf32, #tpu.memory_space<vmem>>)
      %dma_wait3A_269 = arith.constant 0 : i32
      %dma_wait3A_270 = tpu.memref_slice %arg3[%select_n3A, %multiple_of3A_193, %dma_wait3A_269] : memref<2x8192x128xi32, #tpu.memory_space<hbm>> -> memref<1x32x128xi32, #tpu.memory_space<hbm>>
      %dma_wait3A_271 = tpu.memref_squeeze %dma_wait3A_270 : memref<1x32x128xi32, #tpu.memory_space<hbm>> -> memref<32x128xi32, #tpu.memory_space<hbm>>
      %dma_wait3A_272 = arith.constant 0 : i32
      %dma_wait3A_273 = tpu.memref_slice %arg3[%select_n3A, %multiple_of3A_193, %dma_wait3A_272] : memref<2x8192x128xi32, #tpu.memory_space<hbm>> -> memref<1x32x128xi32, #tpu.memory_space<hbm>>
      %dma_wait3A_274 = tpu.memref_squeeze %dma_wait3A_273 : memref<1x32x128xi32, #tpu.memory_space<hbm>> -> memref<32x128xi32, #tpu.memory_space<hbm>>
      tpu.wait_dma2 semaphore(%arg11 : memref<!tpu.dma_semaphore, #tpu.memory_space<semaphore_mem>>) src(%dma_wait3A_274 : memref<32x128xi32, #tpu.memory_space<hbm>>) dst(%arg7 : memref<32x128xi32, #tpu.memory_space<vmem>>)
      %add3A_275 = arith.constant 1 : i32
      %add3A_276 = arith.addi %mul3A_165, %add3A_275 : i32
      %mul3A_277 = arith.constant 4096 : i32
      %mul3A_278 = arith.muli %add3A_276, %mul3A_277 : i32
      %add3A_279 = arith.addi %mul3A_32, %mul3A_278 : i32
      %jit3A_280 = arith.constant 128 : i32
      %div3A_281 = arith.divsi %add3A_279, %jit3A_280 : i32
      %sign3A_282 = arith.constant 0 : i32
      %sign3A_283 = arith.cmpi sgt, %add3A_279, %sign3A_282 : i32
      %sign3A_284 = arith.extui %sign3A_283 : i1 to i32
      %sign3A_285 = arith.constant 0 : i32
      %sign3A_286 = arith.cmpi slt, %add3A_279, %sign3A_285 : i32
      %sign3A_287 = arith.extui %sign3A_286 : i1 to i32
      %sign3A_288 = arith.subi %sign3A_284, %sign3A_287 : i32
      %sign3A_289 = arith.constant 0 : i32
      %sign3A_290 = arith.cmpi sgt, %jit3A_280, %sign3A_289 : i32
      %sign3A_291 = arith.extui %sign3A_290 : i1 to i32
      %sign3A_292 = arith.constant 0 : i32
      %sign3A_293 = arith.cmpi slt, %jit3A_280, %sign3A_292 : i32
      %sign3A_294 = arith.extui %sign3A_293 : i1 to i32
      %sign3A_295 = arith.subi %sign3A_291, %sign3A_294 : i32
      %ne3A_296 = arith.cmpi ne, %sign3A_288, %sign3A_295 : i32
      %rem3A_297 = arith.remsi %add3A_279, %jit3A_280 : i32
      %ne3A_298 = arith.constant 0 : i32
      %ne3A_299 = arith.cmpi ne, %rem3A_297, %ne3A_298 : i32
      %and3A_300 = arith.andi %ne3A_296, %ne3A_299 : i1
      %sub3A_301 = arith.constant 1 : i32
      %sub3A_302 = arith.subi %div3A_281, %sub3A_301 : i32
      %select_n3A_303 = arith.select %and3A_300, %sub3A_302, %div3A_281 : i32
      %multiple_of3A_304 = tpu.assume_multiple %select_n3A_303, 8 : i32
      %mul3A_305 = arith.constant 4 : i32
      %mul3A_306 = arith.muli %select_n3A, %mul3A_305 : i32
      %add3A_307 = arith.constant 0 : i32
      %add3A_308 = arith.addi %mul3A_306, %add3A_307 : i32
      %dma_start3A_309 = arith.constant 0 : i32
      %dma_start3A_310 = arith.constant 0 : i32
      %dma_start3A_311 = arith.constant 0 : i32
      %dma_start3A_312 = tpu.memref_slice %arg6[%dma_start3A_309, %dma_start3A_310, %dma_start3A_311] : memref<4x32x128xf32, #tpu.memory_space<vmem>> -> memref<1x32x128xf32, #tpu.memory_space<vmem>>
      %dma_start3A_313 = tpu.memref_squeeze %dma_start3A_312 : memref<1x32x128xf32, #tpu.memory_space<vmem>> -> memref<32x128xf32, #tpu.memory_space<vmem>>
      %dma_start3A_314 = arith.constant 0 : i32
      %dma_start3A_315 = tpu.memref_slice %arg2[%add3A_308, %multiple_of3A_304, %dma_start3A_314] : memref<8x8192x128xf32, #tpu.memory_space<hbm>> -> memref<1x32x128xf32, #tpu.memory_space<hbm>>
      %dma_start3A_316 = tpu.memref_squeeze %dma_start3A_315 : memref<1x32x128xf32, #tpu.memory_space<hbm>> -> memref<32x128xf32, #tpu.memory_space<hbm>>
      %dma_start3A_317 = arith.constant 0 : i32
      %dma_start3A_318 = arith.constant 0 : i32
      %dma_start3A_319 = tpu.memref_slice %arg6[%dma_start3A_309, %dma_start3A_317, %dma_start3A_318] : memref<4x32x128xf32, #tpu.memory_space<vmem>> -> memref<1x32x128xf32, #tpu.memory_space<vmem>>
      %dma_start3A_320 = tpu.memref_squeeze %dma_start3A_319 : memref<1x32x128xf32, #tpu.memory_space<vmem>> -> memref<32x128xf32, #tpu.memory_space<vmem>>
      %dma_start3A_321 = arith.constant 0 : i32
      %dma_start3A_322 = tpu.memref_slice %arg2[%add3A_308, %multiple_of3A_304, %dma_start3A_321] : memref<8x8192x128xf32, #tpu.memory_space<hbm>> -> memref<1x32x128xf32, #tpu.memory_space<hbm>>
      %dma_start3A_323 = tpu.memref_squeeze %dma_start3A_322 : memref<1x32x128xf32, #tpu.memory_space<hbm>> -> memref<32x128xf32, #tpu.memory_space<hbm>>
      tpu.enqueue_dma source(%dma_start3A_323 : memref<32x128xf32, #tpu.memory_space<hbm>>) target(%dma_start3A_320 : memref<32x128xf32, #tpu.memory_space<vmem>>) target_semaphore(%arg12 : memref<!tpu.dma_semaphore, #tpu.memory_space<semaphore_mem>>)
      %mul3A_324 = arith.constant 4 : i32
      %mul3A_325 = arith.muli %select_n3A, %mul3A_324 : i32
      %add3A_326 = arith.constant 1 : i32
      %add3A_327 = arith.addi %mul3A_325, %add3A_326 : i32
      %dma_start3A_328 = arith.constant 1 : i32
      %dma_start3A_329 = arith.constant 0 : i32
      %dma_start3A_330 = arith.constant 0 : i32
      %dma_start3A_331 = tpu.memref_slice %arg6[%dma_start3A_328, %dma_start3A_329, %dma_start3A_330] : memref<4x32x128xf32, #tpu.memory_space<vmem>> -> memref<1x32x128xf32, #tpu.memory_space<vmem>>
      %dma_start3A_332 = tpu.memref_squeeze %dma_start3A_331 : memref<1x32x128xf32, #tpu.memory_space<vmem>> -> memref<32x128xf32, #tpu.memory_space<vmem>>
      %dma_start3A_333 = arith.constant 0 : i32
      %dma_start3A_334 = tpu.memref_slice %arg2[%add3A_327, %multiple_of3A_304, %dma_start3A_333] : memref<8x8192x128xf32, #tpu.memory_space<hbm>> -> memref<1x32x128xf32, #tpu.memory_space<hbm>>
      %dma_start3A_335 = tpu.memref_squeeze %dma_start3A_334 : memref<1x32x128xf32, #tpu.memory_space<hbm>> -> memref<32x128xf32, #tpu.memory_space<hbm>>
      %dma_start3A_336 = arith.constant 0 : i32
      %dma_start3A_337 = arith.constant 0 : i32
      %dma_start3A_338 = tpu.memref_slice %arg6[%dma_start3A_328, %dma_start3A_336, %dma_start3A_337] : memref<4x32x128xf32, #tpu.memory_space<vmem>> -> memref<1x32x128xf32, #tpu.memory_space<vmem>>
      %dma_start3A_339 = tpu.memref_squeeze %dma_start3A_338 : memref<1x32x128xf32, #tpu.memory_space<vmem>> -> memref<32x128xf32, #tpu.memory_space<vmem>>
      %dma_start3A_340 = arith.constant 0 : i32
      %dma_start3A_341 = tpu.memref_slice %arg2[%add3A_327, %multiple_of3A_304, %dma_start3A_340] : memref<8x8192x128xf32, #tpu.memory_space<hbm>> -> memref<1x32x128xf32, #tpu.memory_space<hbm>>
      %dma_start3A_342 = tpu.memref_squeeze %dma_start3A_341 : memref<1x32x128xf32, #tpu.memory_space<hbm>> -> memref<32x128xf32, #tpu.memory_space<hbm>>
      tpu.enqueue_dma source(%dma_start3A_342 : memref<32x128xf32, #tpu.memory_space<hbm>>) target(%dma_start3A_339 : memref<32x128xf32, #tpu.memory_space<vmem>>) target_semaphore(%arg12 : memref<!tpu.dma_semaphore, #tpu.memory_space<semaphore_mem>>)
      %mul3A_343 = arith.constant 4 : i32
      %mul3A_344 = arith.muli %select_n3A, %mul3A_343 : i32
      %add3A_345 = arith.constant 2 : i32
      %add3A_346 = arith.addi %mul3A_344, %add3A_345 : i32
      %dma_start3A_347 = arith.constant 2 : i32
      %dma_start3A_348 = arith.constant 0 : i32
      %dma_start3A_349 = arith.constant 0 : i32
      %dma_start3A_350 = tpu.memref_slice %arg6[%dma_start3A_347, %dma_start3A_348, %dma_start3A_349] : memref<4x32x128xf32, #tpu.memory_space<vmem>> -> memref<1x32x128xf32, #tpu.memory_space<vmem>>
      %dma_start3A_351 = tpu.memref_squeeze %dma_start3A_350 : memref<1x32x128xf32, #tpu.memory_space<vmem>> -> memref<32x128xf32, #tpu.memory_space<vmem>>
      %dma_start3A_352 = arith.constant 0 : i32
      %dma_start3A_353 = tpu.memref_slice %arg2[%add3A_346, %multiple_of3A_304, %dma_start3A_352] : memref<8x8192x128xf32, #tpu.memory_space<hbm>> -> memref<1x32x128xf32, #tpu.memory_space<hbm>>
      %dma_start3A_354 = tpu.memref_squeeze %dma_start3A_353 : memref<1x32x128xf32, #tpu.memory_space<hbm>> -> memref<32x128xf32, #tpu.memory_space<hbm>>
      %dma_start3A_355 = arith.constant 0 : i32
      %dma_start3A_356 = arith.constant 0 : i32
      %dma_start3A_357 = tpu.memref_slice %arg6[%dma_start3A_347, %dma_start3A_355, %dma_start3A_356] : memref<4x32x128xf32, #tpu.memory_space<vmem>> -> memref<1x32x128xf32, #tpu.memory_space<vmem>>
      %dma_start3A_358 = tpu.memref_squeeze %dma_start3A_357 : memref<1x32x128xf32, #tpu.memory_space<vmem>> -> memref<32x128xf32, #tpu.memory_space<vmem>>
      %dma_start3A_359 = arith.constant 0 : i32
      %dma_start3A_360 = tpu.memref_slice %arg2[%add3A_346, %multiple_of3A_304, %dma_start3A_359] : memref<8x8192x128xf32, #tpu.memory_space<hbm>> -> memref<1x32x128xf32, #tpu.memory_space<hbm>>
      %dma_start3A_361 = tpu.memref_squeeze %dma_start3A_360 : memref<1x32x128xf32, #tpu.memory_space<hbm>> -> memref<32x128xf32, #tpu.memory_space<hbm>>
      tpu.enqueue_dma source(%dma_start3A_361 : memref<32x128xf32, #tpu.memory_space<hbm>>) target(%dma_start3A_358 : memref<32x128xf32, #tpu.memory_space<vmem>>) target_semaphore(%arg12 : memref<!tpu.dma_semaphore, #tpu.memory_space<semaphore_mem>>)
      %mul3A_362 = arith.constant 4 : i32
      %mul3A_363 = arith.muli %select_n3A, %mul3A_362 : i32
      %add3A_364 = arith.constant 3 : i32
      %add3A_365 = arith.addi %mul3A_363, %add3A_364 : i32
      %dma_start3A_366 = arith.constant 3 : i32
      %dma_start3A_367 = arith.constant 0 : i32
      %dma_start3A_368 = arith.constant 0 : i32
      %dma_start3A_369 = tpu.memref_slice %arg6[%dma_start3A_366, %dma_start3A_367, %dma_start3A_368] : memref<4x32x128xf32, #tpu.memory_space<vmem>> -> memref<1x32x128xf32, #tpu.memory_space<vmem>>
      %dma_start3A_370 = tpu.memref_squeeze %dma_start3A_369 : memref<1x32x128xf32, #tpu.memory_space<vmem>> -> memref<32x128xf32, #tpu.memory_space<vmem>>
      %dma_start3A_371 = arith.constant 0 : i32
      %dma_start3A_372 = tpu.memref_slice %arg2[%add3A_365, %multiple_of3A_304, %dma_start3A_371] : memref<8x8192x128xf32, #tpu.memory_space<hbm>> -> memref<1x32x128xf32, #tpu.memory_space<hbm>>
      %dma_start3A_373 = tpu.memref_squeeze %dma_start3A_372 : memref<1x32x128xf32, #tpu.memory_space<hbm>> -> memref<32x128xf32, #tpu.memory_space<hbm>>
      %dma_start3A_374 = arith.constant 0 : i32
      %dma_start3A_375 = arith.constant 0 : i32
      %dma_start3A_376 = tpu.memref_slice %arg6[%dma_start3A_366, %dma_start3A_374, %dma_start3A_375] : memref<4x32x128xf32, #tpu.memory_space<vmem>> -> memref<1x32x128xf32, #tpu.memory_space<vmem>>
      %dma_start3A_377 = tpu.memref_squeeze %dma_start3A_376 : memref<1x32x128xf32, #tpu.memory_space<vmem>> -> memref<32x128xf32, #tpu.memory_space<vmem>>
      %dma_start3A_378 = arith.constant 0 : i32
      %dma_start3A_379 = tpu.memref_slice %arg2[%add3A_365, %multiple_of3A_304, %dma_start3A_378] : memref<8x8192x128xf32, #tpu.memory_space<hbm>> -> memref<1x32x128xf32, #tpu.memory_space<hbm>>
      %dma_start3A_380 = tpu.memref_squeeze %dma_start3A_379 : memref<1x32x128xf32, #tpu.memory_space<hbm>> -> memref<32x128xf32, #tpu.memory_space<hbm>>
      tpu.enqueue_dma source(%dma_start3A_380 : memref<32x128xf32, #tpu.memory_space<hbm>>) target(%dma_start3A_377 : memref<32x128xf32, #tpu.memory_space<vmem>>) target_semaphore(%arg12 : memref<!tpu.dma_semaphore, #tpu.memory_space<semaphore_mem>>)
      %dma_start3A_381 = arith.constant 0 : i32
      %dma_start3A_382 = tpu.memref_slice %arg3[%select_n3A, %multiple_of3A_304, %dma_start3A_381] : memref<2x8192x128xi32, #tpu.memory_space<hbm>> -> memref<1x32x128xi32, #tpu.memory_space<hbm>>
      %dma_start3A_383 = tpu.memref_squeeze %dma_start3A_382 : memref<1x32x128xi32, #tpu.memory_space<hbm>> -> memref<32x128xi32, #tpu.memory_space<hbm>>
      %dma_start3A_384 = arith.constant 0 : i32
      %dma_start3A_385 = tpu.memref_slice %arg3[%select_n3A, %multiple_of3A_304, %dma_start3A_384] : memref<2x8192x128xi32, #tpu.memory_space<hbm>> -> memref<1x32x128xi32, #tpu.memory_space<hbm>>
      %dma_start3A_386 = tpu.memref_squeeze %dma_start3A_385 : memref<1x32x128xi32, #tpu.memory_space<hbm>> -> memref<32x128xi32, #tpu.memory_space<hbm>>
      tpu.enqueue_dma source(%dma_start3A_386 : memref<32x128xi32, #tpu.memory_space<hbm>>) target(%arg8 : memref<32x128xi32, #tpu.memory_space<vmem>>) target_semaphore(%arg12 : memref<!tpu.dma_semaphore, #tpu.memory_space<semaphore_mem>>)
      %add3A_387 = arith.constant 0 : i32
      %add3A_388 = vector.broadcast %add3A_387 : i32 to vector<16xi32>
      %add3A_389 = arith.addi %mul3A_38, %add3A_388 : vector<16xi32>
      %add3A_390 = arith.constant 1024 : i32
      %add3A_391 = vector.broadcast %add3A_390 : i32 to vector<16xi32>
      %add3A_392 = arith.addi %mul3A_38, %add3A_391 : vector<16xi32>
      %add3A_393 = arith.constant 2048 : i32
      %add3A_394 = vector.broadcast %add3A_393 : i32 to vector<16xi32>
      %add3A_395 = arith.addi %mul3A_38, %add3A_394 : vector<16xi32>
      %add3A_396 = arith.constant 3072 : i32
      %add3A_397 = vector.broadcast %add3A_396 : i32 to vector<16xi32>
      %add3A_398 = arith.addi %mul3A_38, %add3A_397 : vector<16xi32>
      %scan3A_399 = arith.constant 0 : i32
      %scan3A_400 = arith.constant 0 : i32
      %scan3A_401 = arith.constant 32 : i32
      %scan3A_402 = arith.addi %scan3A_400, %scan3A_401 : i32
      %scan3A_403 = arith.constant 1 : i32
      %scan3A_404 = scf.for %scan3A_541 = %scan3A_400 to %scan3A_402 step %scan3A_403 iter_args(%scan3A_542 = %scan3A_399) -> (i32)  : i32 {
        %get3A = arith.constant 0 : i32
        %get3A_543 = arith.index_cast %get3A : i32 to index
        %get3A_544 = arith.index_cast %scan3A_541 : i32 to index
        %get3A_545 = arith.constant 0 : index
        %get3A_546 = tpu.vector_load %arg5[%get3A_543, %get3A_544, %get3A_545] {strides = array<i32>} : memref<4x32x128xf32, #tpu.memory_space<vmem>>, vector<16xf32>,
        %exp3A = math.exp %get3A_546 : vector<16xf32>
        %get3A_547 = arith.constant 1 : i32
        %get3A_548 = arith.index_cast %get3A_547 : i32 to index
        %get3A_549 = arith.index_cast %scan3A_541 : i32 to index
        %get3A_550 = arith.constant 0 : index
        %get3A_551 = tpu.vector_load %arg5[%get3A_548, %get3A_549, %get3A_550] {strides = array<i32>} : memref<4x32x128xf32, #tpu.memory_space<vmem>>, vector<16xf32>,
        %exp3A_552 = math.exp %get3A_551 : vector<16xf32>
        %get3A_553 = arith.constant 2 : i32
        %get3A_554 = arith.index_cast %get3A_553 : i32 to index
        %get3A_555 = arith.index_cast %scan3A_541 : i32 to index
        %get3A_556 = arith.constant 0 : index
        %get3A_557 = tpu.vector_load %arg5[%get3A_554, %get3A_555, %get3A_556] {strides = array<i32>} : memref<4x32x128xf32, #tpu.memory_space<vmem>>, vector<16xf32>,
        %exp3A_558 = math.exp %get3A_557 : vector<16xf32>
        %get3A_559 = arith.constant 3 : i32
        %get3A_560 = arith.index_cast %get3A_559 : i32 to index
        %get3A_561 = arith.index_cast %scan3A_541 : i32 to index
        %get3A_562 = arith.constant 0 : index
        %get3A_563 = tpu.vector_load %arg5[%get3A_560, %get3A_561, %get3A_562] {strides = array<i32>} : memref<4x32x128xf32, #tpu.memory_space<vmem>>, vector<16xf32>,
        %exp3A_564 = math.exp %get3A_563 : vector<16xf32>
        %get3A_565 = arith.constant 0 : i32
        %get3A_566 = arith.index_cast %get3A_565 : i32 to index
        %get3A_567 = arith.index_cast %scan3A_541 : i32 to index
        %get3A_568 = arith.constant 16 : index
        %get3A_569 = tpu.vector_load %arg5[%get3A_566, %get3A_567, %get3A_568] {strides = array<i32>} : memref<4x32x128xf32, #tpu.memory_space<vmem>>, vector<16xf32>,
        %exp3A_570 = math.exp %get3A_569 : vector<16xf32>
        %get3A_571 = arith.constant 1 : i32
        %get3A_572 = arith.index_cast %get3A_571 : i32 to index
        %get3A_573 = arith.index_cast %scan3A_541 : i32 to index
        %get3A_574 = arith.constant 16 : index
        %get3A_575 = tpu.vector_load %arg5[%get3A_572, %get3A_573, %get3A_574] {strides = array<i32>} : memref<4x32x128xf32, #tpu.memory_space<vmem>>, vector<16xf32>,
        %exp3A_576 = math.exp %get3A_575 : vector<16xf32>
        %get3A_577 = arith.constant 2 : i32
        %get3A_578 = arith.index_cast %get3A_577 : i32 to index
        %get3A_579 = arith.index_cast %scan3A_541 : i32 to index
        %get3A_580 = arith.constant 16 : index
        %get3A_581 = tpu.vector_load %arg5[%get3A_578, %get3A_579, %get3A_580] {strides = array<i32>} : memref<4x32x128xf32, #tpu.memory_space<vmem>>, vector<16xf32>,
        %exp3A_582 = math.exp %get3A_581 : vector<16xf32>
        %get3A_583 = arith.constant 3 : i32
        %get3A_584 = arith.index_cast %get3A_583 : i32 to index
        %get3A_585 = arith.index_cast %scan3A_541 : i32 to index
        %get3A_586 = arith.constant 16 : index
        %get3A_587 = tpu.vector_load %arg5[%get3A_584, %get3A_585, %get3A_586] {strides = array<i32>} : memref<4x32x128xf32, #tpu.memory_space<vmem>>, vector<16xf32>,
        %exp3A_588 = math.exp %get3A_587 : vector<16xf32>
        %get3A_589 = arith.constant 0 : i32
        %get3A_590 = arith.index_cast %get3A_589 : i32 to index
        %get3A_591 = arith.index_cast %scan3A_541 : i32 to index
        %get3A_592 = arith.constant 32 : index
        %get3A_593 = tpu.vector_load %arg5[%get3A_590, %get3A_591, %get3A_592] {strides = array<i32>} : memref<4x32x128xf32, #tpu.memory_space<vmem>>, vector<16xf32>,
        %exp3A_594 = math.exp %get3A_593 : vector<16xf32>
        %get3A_595 = arith.constant 1 : i32
        %get3A_596 = arith.index_cast %get3A_595 : i32 to index
        %get3A_597 = arith.index_cast %scan3A_541 : i32 to index
        %get3A_598 = arith.constant 32 : index
        %get3A_599 = tpu.vector_load %arg5[%get3A_596, %get3A_597, %get3A_598] {strides = array<i32>} : memref<4x32x128xf32, #tpu.memory_space<vmem>>, vector<16xf32>,
        %exp3A_600 = math.exp %get3A_599 : vector<16xf32>
        %get3A_601 = arith.constant 2 : i32
        %get3A_602 = arith.index_cast %get3A_601 : i32 to index
        %get3A_603 = arith.index_cast %scan3A_541 : i32 to index
        %get3A_604 = arith.constant 32 : index
        %get3A_605 = tpu.vector_load %arg5[%get3A_602, %get3A_603, %get3A_604] {strides = array<i32>} : memref<4x32x128xf32, #tpu.memory_space<vmem>>, vector<16xf32>,
        %exp3A_606 = math.exp %get3A_605 : vector<16xf32>
        %get3A_607 = arith.constant 3 : i32
        %get3A_608 = arith.index_cast %get3A_607 : i32 to index
        %get3A_609 = arith.index_cast %scan3A_541 : i32 to index
        %get3A_610 = arith.constant 32 : index
        %get3A_611 = tpu.vector_load %arg5[%get3A_608, %get3A_609, %get3A_610] {strides = array<i32>} : memref<4x32x128xf32, #tpu.memory_space<vmem>>, vector<16xf32>,
        %exp3A_612 = math.exp %get3A_611 : vector<16xf32>
        %get3A_613 = arith.constant 0 : i32
        %get3A_614 = arith.index_cast %get3A_613 : i32 to index
        %get3A_615 = arith.index_cast %scan3A_541 : i32 to index
        %get3A_616 = arith.constant 48 : index
        %get3A_617 = tpu.vector_load %arg5[%get3A_614, %get3A_615, %get3A_616] {strides = array<i32>} : memref<4x32x128xf32, #tpu.memory_space<vmem>>, vector<16xf32>,
        %exp3A_618 = math.exp %get3A_617 : vector<16xf32>
        %get3A_619 = arith.constant 1 : i32
        %get3A_620 = arith.index_cast %get3A_619 : i32 to index
        %get3A_621 = arith.index_cast %scan3A_541 : i32 to index
        %get3A_622 = arith.constant 48 : index
        %get3A_623 = tpu.vector_load %arg5[%get3A_620, %get3A_621, %get3A_622] {strides = array<i32>} : memref<4x32x128xf32, #tpu.memory_space<vmem>>, vector<16xf32>,
        %exp3A_624 = math.exp %get3A_623 : vector<16xf32>
        %get3A_625 = arith.constant 2 : i32
        %get3A_626 = arith.index_cast %get3A_625 : i32 to index
        %get3A_627 = arith.index_cast %scan3A_541 : i32 to index
        %get3A_628 = arith.constant 48 : index
        %get3A_629 = tpu.vector_load %arg5[%get3A_626, %get3A_627, %get3A_628] {strides = array<i32>} : memref<4x32x128xf32, #tpu.memory_space<vmem>>, vector<16xf32>,
        %exp3A_630 = math.exp %get3A_629 : vector<16xf32>
        %get3A_631 = arith.constant 3 : i32
        %get3A_632 = arith.index_cast %get3A_631 : i32 to index
        %get3A_633 = arith.index_cast %scan3A_541 : i32 to index
        %get3A_634 = arith.constant 48 : index
        %get3A_635 = tpu.vector_load %arg5[%get3A_632, %get3A_633, %get3A_634] {strides = array<i32>} : memref<4x32x128xf32, #tpu.memory_space<vmem>>, vector<16xf32>,
        %exp3A_636 = math.exp %get3A_635 : vector<16xf32>
        %get3A_637 = arith.constant 0 : i32
        %get3A_638 = arith.index_cast %get3A_637 : i32 to index
        %get3A_639 = arith.index_cast %scan3A_541 : i32 to index
        %get3A_640 = arith.constant 64 : index
        %get3A_641 = tpu.vector_load %arg5[%get3A_638, %get3A_639, %get3A_640] {strides = array<i32>} : memref<4x32x128xf32, #tpu.memory_space<vmem>>, vector<16xf32>,
        %exp3A_642 = math.exp %get3A_641 : vector<16xf32>
        %get3A_643 = arith.constant 1 : i32
        %get3A_644 = arith.index_cast %get3A_643 : i32 to index
        %get3A_645 = arith.index_cast %scan3A_541 : i32 to index
        %get3A_646 = arith.constant 64 : index
        %get3A_647 = tpu.vector_load %arg5[%get3A_644, %get3A_645, %get3A_646] {strides = array<i32>} : memref<4x32x128xf32, #tpu.memory_space<vmem>>, vector<16xf32>,
        %exp3A_648 = math.exp %get3A_647 : vector<16xf32>
        %get3A_649 = arith.constant 2 : i32
        %get3A_650 = arith.index_cast %get3A_649 : i32 to index
        %get3A_651 = arith.index_cast %scan3A_541 : i32 to index
        %get3A_652 = arith.constant 64 : index
        %get3A_653 = tpu.vector_load %arg5[%get3A_650, %get3A_651, %get3A_652] {strides = array<i32>} : memref<4x32x128xf32, #tpu.memory_space<vmem>>, vector<16xf32>,
        %exp3A_654 = math.exp %get3A_653 : vector<16xf32>
        %get3A_655 = arith.constant 3 : i32
        %get3A_656 = arith.index_cast %get3A_655 : i32 to index
        %get3A_657 = arith.index_cast %scan3A_541 : i32 to index
        %get3A_658 = arith.constant 64 : index
        %get3A_659 = tpu.vector_load %arg5[%get3A_656, %get3A_657, %get3A_658] {strides = array<i32>} : memref<4x32x128xf32, #tpu.memory_space<vmem>>, vector<16xf32>,
        %exp3A_660 = math.exp %get3A_659 : vector<16xf32>
        %get3A_661 = arith.constant 0 : i32
        %get3A_662 = arith.index_cast %get3A_661 : i32 to index
        %get3A_663 = arith.index_cast %scan3A_541 : i32 to index
        %get3A_664 = arith.constant 80 : index
        %get3A_665 = tpu.vector_load %arg5[%get3A_662, %get3A_663, %get3A_664] {strides = array<i32>} : memref<4x32x128xf32, #tpu.memory_space<vmem>>, vector<16xf32>,
        %exp3A_666 = math.exp %get3A_665 : vector<16xf32>
        %get3A_667 = arith.constant 1 : i32
        %get3A_668 = arith.index_cast %get3A_667 : i32 to index
        %get3A_669 = arith.index_cast %scan3A_541 : i32 to index
        %get3A_670 = arith.constant 80 : index
        %get3A_671 = tpu.vector_load %arg5[%get3A_668, %get3A_669, %get3A_670] {strides = array<i32>} : memref<4x32x128xf32, #tpu.memory_space<vmem>>, vector<16xf32>,
        %exp3A_672 = math.exp %get3A_671 : vector<16xf32>
        %get3A_673 = arith.constant 2 : i32
        %get3A_674 = arith.index_cast %get3A_673 : i32 to index
        %get3A_675 = arith.index_cast %scan3A_541 : i32 to index
        %get3A_676 = arith.constant 80 : index
        %get3A_677 = tpu.vector_load %arg5[%get3A_674, %get3A_675, %get3A_676] {strides = array<i32>} : memref<4x32x128xf32, #tpu.memory_space<vmem>>, vector<16xf32>,
        %exp3A_678 = math.exp %get3A_677 : vector<16xf32>
        %get3A_679 = arith.constant 3 : i32
        %get3A_680 = arith.index_cast %get3A_679 : i32 to index
        %get3A_681 = arith.index_cast %scan3A_541 : i32 to index
        %get3A_682 = arith.constant 80 : index
        %get3A_683 = tpu.vector_load %arg5[%get3A_680, %get3A_681, %get3A_682] {strides = array<i32>} : memref<4x32x128xf32, #tpu.memory_space<vmem>>, vector<16xf32>,
        %exp3A_684 = math.exp %get3A_683 : vector<16xf32>
        %get3A_685 = arith.constant 0 : i32
        %get3A_686 = arith.index_cast %get3A_685 : i32 to index
        %get3A_687 = arith.index_cast %scan3A_541 : i32 to index
        %get3A_688 = arith.constant 96 : index
        %get3A_689 = tpu.vector_load %arg5[%get3A_686, %get3A_687, %get3A_688] {strides = array<i32>} : memref<4x32x128xf32, #tpu.memory_space<vmem>>, vector<16xf32>,
        %exp3A_690 = math.exp %get3A_689 : vector<16xf32>
        %get3A_691 = arith.constant 1 : i32
        %get3A_692 = arith.index_cast %get3A_691 : i32 to index
        %get3A_693 = arith.index_cast %scan3A_541 : i32 to index
        %get3A_694 = arith.constant 96 : index
        %get3A_695 = tpu.vector_load %arg5[%get3A_692, %get3A_693, %get3A_694] {strides = array<i32>} : memref<4x32x128xf32, #tpu.memory_space<vmem>>, vector<16xf32>,
        %exp3A_696 = math.exp %get3A_695 : vector<16xf32>
        %get3A_697 = arith.constant 2 : i32
        %get3A_698 = arith.index_cast %get3A_697 : i32 to index
        %get3A_699 = arith.index_cast %scan3A_541 : i32 to index
        %get3A_700 = arith.constant 96 : index
        %get3A_701 = tpu.vector_load %arg5[%get3A_698, %get3A_699, %get3A_700] {strides = array<i32>} : memref<4x32x128xf32, #tpu.memory_space<vmem>>, vector<16xf32>,
        %exp3A_702 = math.exp %get3A_701 : vector<16xf32>
        %get3A_703 = arith.constant 3 : i32
        %get3A_704 = arith.index_cast %get3A_703 : i32 to index
        %get3A_705 = arith.index_cast %scan3A_541 : i32 to index
        %get3A_706 = arith.constant 96 : index
        %get3A_707 = tpu.vector_load %arg5[%get3A_704, %get3A_705, %get3A_706] {strides = array<i32>} : memref<4x32x128xf32, #tpu.memory_space<vmem>>, vector<16xf32>,
        %exp3A_708 = math.exp %get3A_707 : vector<16xf32>
        %get3A_709 = arith.constant 0 : i32
        %get3A_710 = arith.index_cast %get3A_709 : i32 to index
        %get3A_711 = arith.index_cast %scan3A_541 : i32 to index
        %get3A_712 = arith.constant 112 : index
        %get3A_713 = tpu.vector_load %arg5[%get3A_710, %get3A_711, %get3A_712] {strides = array<i32>} : memref<4x32x128xf32, #tpu.memory_space<vmem>>, vector<16xf32>,
        %exp3A_714 = math.exp %get3A_713 : vector<16xf32>
        %get3A_715 = arith.constant 1 : i32
        %get3A_716 = arith.index_cast %get3A_715 : i32 to index
        %get3A_717 = arith.index_cast %scan3A_541 : i32 to index
        %get3A_718 = arith.constant 112 : index
        %get3A_719 = tpu.vector_load %arg5[%get3A_716, %get3A_717, %get3A_718] {strides = array<i32>} : memref<4x32x128xf32, #tpu.memory_space<vmem>>, vector<16xf32>,
        %exp3A_720 = math.exp %get3A_719 : vector<16xf32>
        %get3A_721 = arith.constant 2 : i32
        %get3A_722 = arith.index_cast %get3A_721 : i32 to index
        %get3A_723 = arith.index_cast %scan3A_541 : i32 to index
        %get3A_724 = arith.constant 112 : index
        %get3A_725 = tpu.vector_load %arg5[%get3A_722, %get3A_723, %get3A_724] {strides = array<i32>} : memref<4x32x128xf32, #tpu.memory_space<vmem>>, vector<16xf32>,
        %exp3A_726 = math.exp %get3A_725 : vector<16xf32>
        %get3A_727 = arith.constant 3 : i32
        %get3A_728 = arith.index_cast %get3A_727 : i32 to index
        %get3A_729 = arith.index_cast %scan3A_541 : i32 to index
        %get3A_730 = arith.constant 112 : index
        %get3A_731 = tpu.vector_load %arg5[%get3A_728, %get3A_729, %get3A_730] {strides = array<i32>} : memref<4x32x128xf32, #tpu.memory_space<vmem>>, vector<16xf32>,
        %exp3A_732 = math.exp %get3A_731 : vector<16xf32>
        %get3A_733 = arith.index_cast %scan3A_541 : i32 to index
        %get3A_734 = arith.constant 0 : index
        %get3A_735 = tpu.vector_load %arg7[%get3A_733, %get3A_734] {strides = array<i32>} : memref<32x128xi32, #tpu.memory_space<vmem>>, vector<16xi32>,
        %get3A_736 = arith.index_cast %scan3A_541 : i32 to index
        %get3A_737 = arith.constant 16 : index
        %get3A_738 = tpu.vector_load %arg7[%get3A_736, %get3A_737] {strides = array<i32>} : memref<32x128xi32, #tpu.memory_space<vmem>>, vector<16xi32>,
        %get3A_739 = arith.index_cast %scan3A_541 : i32 to index
        %get3A_740 = arith.constant 32 : index
        %get3A_741 = tpu.vector_load %arg7[%get3A_739, %get3A_740] {strides = array<i32>} : memref<32x128xi32, #tpu.memory_space<vmem>>, vector<16xi32>,
        %get3A_742 = arith.index_cast %scan3A_541 : i32 to index
        %get3A_743 = arith.constant 48 : index
        %get3A_744 = tpu.vector_load %arg7[%get3A_742, %get3A_743] {strides = array<i32>} : memref<32x128xi32, #tpu.memory_space<vmem>>, vector<16xi32>,
        %get3A_745 = arith.index_cast %scan3A_541 : i32 to index
        %get3A_746 = arith.constant 64 : index
        %get3A_747 = tpu.vector_load %arg7[%get3A_745, %get3A_746] {strides = array<i32>} : memref<32x128xi32, #tpu.memory_space<vmem>>, vector<16xi32>,
        %get3A_748 = arith.index_cast %scan3A_541 : i32 to index
        %get3A_749 = arith.constant 80 : index
        %get3A_750 = tpu.vector_load %arg7[%get3A_748, %get3A_749] {strides = array<i32>} : memref<32x128xi32, #tpu.memory_space<vmem>>, vector<16xi32>,
        %get3A_751 = arith.index_cast %scan3A_541 : i32 to index
        %get3A_752 = arith.constant 96 : index
        %get3A_753 = tpu.vector_load %arg7[%get3A_751, %get3A_752] {strides = array<i32>} : memref<32x128xi32, #tpu.memory_space<vmem>>, vector<16xi32>,
        %get3A_754 = arith.index_cast %scan3A_541 : i32 to index
        %get3A_755 = arith.constant 112 : index
        %get3A_756 = tpu.vector_load %arg7[%get3A_754, %get3A_755] {strides = array<i32>} : memref<32x128xi32, #tpu.memory_space<vmem>>, vector<16xi32>,
        %add3A_757 = arith.addf %exp3A, %exp3A_552 : vector<16xf32>
        %add3A_758 = arith.addf %exp3A_558, %exp3A_564 : vector<16xf32>
        %add3A_759 = arith.addf %add3A_757, %add3A_758 : vector<16xf32>
        %div3A_760 = arith.constant 5.120000e+02 : f32
        %div3A_761 = vector.broadcast %div3A_760 : f32 to vector<16xf32>
        %div3A_762 = arith.divf %div3A_761, %add3A_759 : vector<16xf32>
        %add3A_763 = arith.addf %exp3A_570, %exp3A_576 : vector<16xf32>
        %add3A_764 = arith.addf %exp3A_582, %exp3A_588 : vector<16xf32>
        %add3A_765 = arith.addf %add3A_763, %add3A_764 : vector<16xf32>
        %div3A_766 = arith.constant 5.120000e+02 : f32
        %div3A_767 = vector.broadcast %div3A_766 : f32 to vector<16xf32>
        %div3A_768 = arith.divf %div3A_767, %add3A_765 : vector<16xf32>
        %add3A_769 = arith.addf %exp3A_594, %exp3A_600 : vector<16xf32>
        %add3A_770 = arith.addf %exp3A_606, %exp3A_612 : vector<16xf32>
        %add3A_771 = arith.addf %add3A_769, %add3A_770 : vector<16xf32>
        %div3A_772 = arith.constant 5.120000e+02 : f32
        %div3A_773 = vector.broadcast %div3A_772 : f32 to vector<16xf32>
        %div3A_774 = arith.divf %div3A_773, %add3A_771 : vector<16xf32>
        %add3A_775 = arith.addf %exp3A_618, %exp3A_624 : vector<16xf32>
        %add3A_776 = arith.addf %exp3A_630, %exp3A_636 : vector<16xf32>
        %add3A_777 = arith.addf %add3A_775, %add3A_776 : vector<16xf32>
        %div3A_778 = arith.constant 5.120000e+02 : f32
        %div3A_779 = vector.broadcast %div3A_778 : f32 to vector<16xf32>
        %div3A_780 = arith.divf %div3A_779, %add3A_777 : vector<16xf32>
        %add3A_781 = arith.addf %exp3A_642, %exp3A_648 : vector<16xf32>
        %add3A_782 = arith.addf %exp3A_654, %exp3A_660 : vector<16xf32>
        %add3A_783 = arith.addf %add3A_781, %add3A_782 : vector<16xf32>
        %div3A_784 = arith.constant 5.120000e+02 : f32
        %div3A_785 = vector.broadcast %div3A_784 : f32 to vector<16xf32>
        %div3A_786 = arith.divf %div3A_785, %add3A_783 : vector<16xf32>
        %add3A_787 = arith.addf %exp3A_666, %exp3A_672 : vector<16xf32>
        %add3A_788 = arith.addf %exp3A_678, %exp3A_684 : vector<16xf32>
        %add3A_789 = arith.addf %add3A_787, %add3A_788 : vector<16xf32>
        %div3A_790 = arith.constant 5.120000e+02 : f32
        %div3A_791 = vector.broadcast %div3A_790 : f32 to vector<16xf32>
        %div3A_792 = arith.divf %div3A_791, %add3A_789 : vector<16xf32>
        %add3A_793 = arith.addf %exp3A_690, %exp3A_696 : vector<16xf32>
        %add3A_794 = arith.addf %exp3A_702, %exp3A_708 : vector<16xf32>
        %add3A_795 = arith.addf %add3A_793, %add3A_794 : vector<16xf32>
        %div3A_796 = arith.constant 5.120000e+02 : f32
        %div3A_797 = vector.broadcast %div3A_796 : f32 to vector<16xf32>
        %div3A_798 = arith.divf %div3A_797, %add3A_795 : vector<16xf32>
        %add3A_799 = arith.addf %exp3A_714, %exp3A_720 : vector<16xf32>
        %add3A_800 = arith.addf %exp3A_726, %exp3A_732 : vector<16xf32>
        %add3A_801 = arith.addf %add3A_799, %add3A_800 : vector<16xf32>
        %div3A_802 = arith.constant 5.120000e+02 : f32
        %div3A_803 = vector.broadcast %div3A_802 : f32 to vector<16xf32>
        %div3A_804 = arith.divf %div3A_803, %add3A_801 : vector<16xf32>
        %mul3A_805 = arith.mulf %exp3A, %div3A_762 : vector<16xf32>
        %eq3A_806 = arith.constant 0 : i32
        %eq3A_807 = vector.broadcast %eq3A_806 : i32 to vector<16xi32>
        %eq3A_808 = arith.cmpi eq, %get3A_735, %eq3A_807 : vector<16xi32>
        %sub3A_809 = arith.constant 1.024000e+03 : f32
        %sub3A_810 = vector.broadcast %sub3A_809 : f32 to vector<16xf32>
        %sub3A_811 = arith.subf %sub3A_810, %mul3A_805 : vector<16xf32>
        %select_n3A_812 = arith.select %eq3A_808, %sub3A_811, %mul3A_805 : vector<16xi1>, vector<16xf32>
        %convert_element_type3A_813 = arith.fptosi %select_n3A_812 : vector<16xf32> to vector<16xi32>
        %add3A_814 = arith.addi %convert_element_type3A_813, %add3A_389 : vector<16xi32>
        tpu.vector_store_idx %arg9[%add3A_814], %broadcast_in_dim3A_35 {add = true} : memref<4096xi32, #tpu.memory_space<vmem>>[vector<16xi32>], vector<16xi32>,
        %mul3A_815 = arith.mulf %exp3A_552, %div3A_762 : vector<16xf32>
        %eq3A_816 = arith.constant 1 : i32
        %eq3A_817 = vector.broadcast %eq3A_816 : i32 to vector<16xi32>
        %eq3A_818 = arith.cmpi eq, %get3A_735, %eq3A_817 : vector<16xi32>
        %sub3A_819 = arith.constant 1.024000e+03 : f32
        %sub3A_820 = vector.broadcast %sub3A_819 : f32 to vector<16xf32>
        %sub3A_821 = arith.subf %sub3A_820, %mul3A_815 : vector<16xf32>
        %select_n3A_822 = arith.select %eq3A_818, %sub3A_821, %mul3A_815 : vector<16xi1>, vector<16xf32>
        %convert_element_type3A_823 = arith.fptosi %select_n3A_822 : vector<16xf32> to vector<16xi32>
        %add3A_824 = arith.addi %convert_element_type3A_823, %add3A_392 : vector<16xi32>
        tpu.vector_store_idx %arg9[%add3A_824], %broadcast_in_dim3A_35 {add = true} : memref<4096xi32, #tpu.memory_space<vmem>>[vector<16xi32>], vector<16xi32>,
        %mul3A_825 = arith.mulf %exp3A_558, %div3A_762 : vector<16xf32>
        %eq3A_826 = arith.constant 2 : i32
        %eq3A_827 = vector.broadcast %eq3A_826 : i32 to vector<16xi32>
        %eq3A_828 = arith.cmpi eq, %get3A_735, %eq3A_827 : vector<16xi32>
        %sub3A_829 = arith.constant 1.024000e+03 : f32
        %sub3A_830 = vector.broadcast %sub3A_829 : f32 to vector<16xf32>
        %sub3A_831 = arith.subf %sub3A_830, %mul3A_825 : vector<16xf32>
        %select_n3A_832 = arith.select %eq3A_828, %sub3A_831, %mul3A_825 : vector<16xi1>, vector<16xf32>
        %convert_element_type3A_833 = arith.fptosi %select_n3A_832 : vector<16xf32> to vector<16xi32>
        %add3A_834 = arith.addi %convert_element_type3A_833, %add3A_395 : vector<16xi32>
        tpu.vector_store_idx %arg9[%add3A_834], %broadcast_in_dim3A_35 {add = true} : memref<4096xi32, #tpu.memory_space<vmem>>[vector<16xi32>], vector<16xi32>,
        %mul3A_835 = arith.mulf %exp3A_564, %div3A_762 : vector<16xf32>
        %eq3A_836 = arith.constant 3 : i32
        %eq3A_837 = vector.broadcast %eq3A_836 : i32 to vector<16xi32>
        %eq3A_838 = arith.cmpi eq, %get3A_735, %eq3A_837 : vector<16xi32>
        %sub3A_839 = arith.constant 1.024000e+03 : f32
        %sub3A_840 = vector.broadcast %sub3A_839 : f32 to vector<16xf32>
        %sub3A_841 = arith.subf %sub3A_840, %mul3A_835 : vector<16xf32>
        %select_n3A_842 = arith.select %eq3A_838, %sub3A_841, %mul3A_835 : vector<16xi1>, vector<16xf32>
        %convert_element_type3A_843 = arith.fptosi %select_n3A_842 : vector<16xf32> to vector<16xi32>
        %add3A_844 = arith.addi %convert_element_type3A_843, %add3A_398 : vector<16xi32>
        tpu.vector_store_idx %arg9[%add3A_844], %broadcast_in_dim3A_35 {add = true} : memref<4096xi32, #tpu.memory_space<vmem>>[vector<16xi32>], vector<16xi32>,
        %mul3A_845 = arith.mulf %exp3A_570, %div3A_768 : vector<16xf32>
        %eq3A_846 = arith.constant 0 : i32
        %eq3A_847 = vector.broadcast %eq3A_846 : i32 to vector<16xi32>
        %eq3A_848 = arith.cmpi eq, %get3A_738, %eq3A_847 : vector<16xi32>
        %sub3A_849 = arith.constant 1.024000e+03 : f32
        %sub3A_850 = vector.broadcast %sub3A_849 : f32 to vector<16xf32>
        %sub3A_851 = arith.subf %sub3A_850, %mul3A_845 : vector<16xf32>
        %select_n3A_852 = arith.select %eq3A_848, %sub3A_851, %mul3A_845 : vector<16xi1>, vector<16xf32>
        %convert_element_type3A_853 = arith.fptosi %select_n3A_852 : vector<16xf32> to vector<16xi32>
        %add3A_854 = arith.addi %convert_element_type3A_853, %add3A_389 : vector<16xi32>
        tpu.vector_store_idx %arg9[%add3A_854], %broadcast_in_dim3A_35 {add = true} : memref<4096xi32, #tpu.memory_space<vmem>>[vector<16xi32>], vector<16xi32>,
        %mul3A_855 = arith.mulf %exp3A_576, %div3A_768 : vector<16xf32>
        %eq3A_856 = arith.constant 1 : i32
        %eq3A_857 = vector.broadcast %eq3A_856 : i32 to vector<16xi32>
        %eq3A_858 = arith.cmpi eq, %get3A_738, %eq3A_857 : vector<16xi32>
        %sub3A_859 = arith.constant 1.024000e+03 : f32
        %sub3A_860 = vector.broadcast %sub3A_859 : f32 to vector<16xf32>
        %sub3A_861 = arith.subf %sub3A_860, %mul3A_855 : vector<16xf32>
        %select_n3A_862 = arith.select %eq3A_858, %sub3A_861, %mul3A_855 : vector<16xi1>, vector<16xf32>
        %convert_element_type3A_863 = arith.fptosi %select_n3A_862 : vector<16xf32> to vector<16xi32>
        %add3A_864 = arith.addi %convert_element_type3A_863, %add3A_392 : vector<16xi32>
        tpu.vector_store_idx %arg9[%add3A_864], %broadcast_in_dim3A_35 {add = true} : memref<4096xi32, #tpu.memory_space<vmem>>[vector<16xi32>], vector<16xi32>,
        %mul3A_865 = arith.mulf %exp3A_582, %div3A_768 : vector<16xf32>
        %eq3A_866 = arith.constant 2 : i32
        %eq3A_867 = vector.broadcast %eq3A_866 : i32 to vector<16xi32>
        %eq3A_868 = arith.cmpi eq, %get3A_738, %eq3A_867 : vector<16xi32>
        %sub3A_869 = arith.constant 1.024000e+03 : f32
        %sub3A_870 = vector.broadcast %sub3A_869 : f32 to vector<16xf32>
        %sub3A_871 = arith.subf %sub3A_870, %mul3A_865 : vector<16xf32>
        %select_n3A_872 = arith.select %eq3A_868, %sub3A_871, %mul3A_865 : vector<16xi1>, vector<16xf32>
        %convert_element_type3A_873 = arith.fptosi %select_n3A_872 : vector<16xf32> to vector<16xi32>
        %add3A_874 = arith.addi %convert_element_type3A_873, %add3A_395 : vector<16xi32>
        tpu.vector_store_idx %arg9[%add3A_874], %broadcast_in_dim3A_35 {add = true} : memref<4096xi32, #tpu.memory_space<vmem>>[vector<16xi32>], vector<16xi32>,
        %mul3A_875 = arith.mulf %exp3A_588, %div3A_768 : vector<16xf32>
        %eq3A_876 = arith.constant 3 : i32
        %eq3A_877 = vector.broadcast %eq3A_876 : i32 to vector<16xi32>
        %eq3A_878 = arith.cmpi eq, %get3A_738, %eq3A_877 : vector<16xi32>
        %sub3A_879 = arith.constant 1.024000e+03 : f32
        %sub3A_880 = vector.broadcast %sub3A_879 : f32 to vector<16xf32>
        %sub3A_881 = arith.subf %sub3A_880, %mul3A_875 : vector<16xf32>
        %select_n3A_882 = arith.select %eq3A_878, %sub3A_881, %mul3A_875 : vector<16xi1>, vector<16xf32>
        %convert_element_type3A_883 = arith.fptosi %select_n3A_882 : vector<16xf32> to vector<16xi32>
        %add3A_884 = arith.addi %convert_element_type3A_883, %add3A_398 : vector<16xi32>
        tpu.vector_store_idx %arg9[%add3A_884], %broadcast_in_dim3A_35 {add = true} : memref<4096xi32, #tpu.memory_space<vmem>>[vector<16xi32>], vector<16xi32>,
        %mul3A_885 = arith.mulf %exp3A_594, %div3A_774 : vector<16xf32>
        %eq3A_886 = arith.constant 0 : i32
        %eq3A_887 = vector.broadcast %eq3A_886 : i32 to vector<16xi32>
        %eq3A_888 = arith.cmpi eq, %get3A_741, %eq3A_887 : vector<16xi32>
        %sub3A_889 = arith.constant 1.024000e+03 : f32
        %sub3A_890 = vector.broadcast %sub3A_889 : f32 to vector<16xf32>
        %sub3A_891 = arith.subf %sub3A_890, %mul3A_885 : vector<16xf32>
        %select_n3A_892 = arith.select %eq3A_888, %sub3A_891, %mul3A_885 : vector<16xi1>, vector<16xf32>
        %convert_element_type3A_893 = arith.fptosi %select_n3A_892 : vector<16xf32> to vector<16xi32>
        %add3A_894 = arith.addi %convert_element_type3A_893, %add3A_389 : vector<16xi32>
        tpu.vector_store_idx %arg9[%add3A_894], %broadcast_in_dim3A_35 {add = true} : memref<4096xi32, #tpu.memory_space<vmem>>[vector<16xi32>], vector<16xi32>,
        %mul3A_895 = arith.mulf %exp3A_600, %div3A_774 : vector<16xf32>
        %eq3A_896 = arith.constant 1 : i32
        %eq3A_897 = vector.broadcast %eq3A_896 : i32 to vector<16xi32>
        %eq3A_898 = arith.cmpi eq, %get3A_741, %eq3A_897 : vector<16xi32>
        %sub3A_899 = arith.constant 1.024000e+03 : f32
        %sub3A_900 = vector.broadcast %sub3A_899 : f32 to vector<16xf32>
        %sub3A_901 = arith.subf %sub3A_900, %mul3A_895 : vector<16xf32>
        %select_n3A_902 = arith.select %eq3A_898, %sub3A_901, %mul3A_895 : vector<16xi1>, vector<16xf32>
        %convert_element_type3A_903 = arith.fptosi %select_n3A_902 : vector<16xf32> to vector<16xi32>
        %add3A_904 = arith.addi %convert_element_type3A_903, %add3A_392 : vector<16xi32>
        tpu.vector_store_idx %arg9[%add3A_904], %broadcast_in_dim3A_35 {add = true} : memref<4096xi32, #tpu.memory_space<vmem>>[vector<16xi32>], vector<16xi32>,
        %mul3A_905 = arith.mulf %exp3A_606, %div3A_774 : vector<16xf32>
        %eq3A_906 = arith.constant 2 : i32
        %eq3A_907 = vector.broadcast %eq3A_906 : i32 to vector<16xi32>
        %eq3A_908 = arith.cmpi eq, %get3A_741, %eq3A_907 : vector<16xi32>
        %sub3A_909 = arith.constant 1.024000e+03 : f32
        %sub3A_910 = vector.broadcast %sub3A_909 : f32 to vector<16xf32>
        %sub3A_911 = arith.subf %sub3A_910, %mul3A_905 : vector<16xf32>
        %select_n3A_912 = arith.select %eq3A_908, %sub3A_911, %mul3A_905 : vector<16xi1>, vector<16xf32>
        %convert_element_type3A_913 = arith.fptosi %select_n3A_912 : vector<16xf32> to vector<16xi32>
        %add3A_914 = arith.addi %convert_element_type3A_913, %add3A_395 : vector<16xi32>
        tpu.vector_store_idx %arg9[%add3A_914], %broadcast_in_dim3A_35 {add = true} : memref<4096xi32, #tpu.memory_space<vmem>>[vector<16xi32>], vector<16xi32>,
        %mul3A_915 = arith.mulf %exp3A_612, %div3A_774 : vector<16xf32>
        %eq3A_916 = arith.constant 3 : i32
        %eq3A_917 = vector.broadcast %eq3A_916 : i32 to vector<16xi32>
        %eq3A_918 = arith.cmpi eq, %get3A_741, %eq3A_917 : vector<16xi32>
        %sub3A_919 = arith.constant 1.024000e+03 : f32
        %sub3A_920 = vector.broadcast %sub3A_919 : f32 to vector<16xf32>
        %sub3A_921 = arith.subf %sub3A_920, %mul3A_915 : vector<16xf32>
        %select_n3A_922 = arith.select %eq3A_918, %sub3A_921, %mul3A_915 : vector<16xi1>, vector<16xf32>
        %convert_element_type3A_923 = arith.fptosi %select_n3A_922 : vector<16xf32> to vector<16xi32>
        %add3A_924 = arith.addi %convert_element_type3A_923, %add3A_398 : vector<16xi32>
        tpu.vector_store_idx %arg9[%add3A_924], %broadcast_in_dim3A_35 {add = true} : memref<4096xi32, #tpu.memory_space<vmem>>[vector<16xi32>], vector<16xi32>,
        %mul3A_925 = arith.mulf %exp3A_618, %div3A_780 : vector<16xf32>
        %eq3A_926 = arith.constant 0 : i32
        %eq3A_927 = vector.broadcast %eq3A_926 : i32 to vector<16xi32>
        %eq3A_928 = arith.cmpi eq, %get3A_744, %eq3A_927 : vector<16xi32>
        %sub3A_929 = arith.constant 1.024000e+03 : f32
        %sub3A_930 = vector.broadcast %sub3A_929 : f32 to vector<16xf32>
        %sub3A_931 = arith.subf %sub3A_930, %mul3A_925 : vector<16xf32>
        %select_n3A_932 = arith.select %eq3A_928, %sub3A_931, %mul3A_925 : vector<16xi1>, vector<16xf32>
        %convert_element_type3A_933 = arith.fptosi %select_n3A_932 : vector<16xf32> to vector<16xi32>
        %add3A_934 = arith.addi %convert_element_type3A_933, %add3A_389 : vector<16xi32>
        tpu.vector_store_idx %arg9[%add3A_934], %broadcast_in_dim3A_35 {add = true} : memref<4096xi32, #tpu.memory_space<vmem>>[vector<16xi32>], vector<16xi32>,
        %mul3A_935 = arith.mulf %exp3A_624, %div3A_780 : vector<16xf32>
        %eq3A_936 = arith.constant 1 : i32
        %eq3A_937 = vector.broadcast %eq3A_936 : i32 to vector<16xi32>
        %eq3A_938 = arith.cmpi eq, %get3A_744, %eq3A_937 : vector<16xi32>
        %sub3A_939 = arith.constant 1.024000e+03 : f32
        %sub3A_940 = vector.broadcast %sub3A_939 : f32 to vector<16xf32>
        %sub3A_941 = arith.subf %sub3A_940, %mul3A_935 : vector<16xf32>
        %select_n3A_942 = arith.select %eq3A_938, %sub3A_941, %mul3A_935 : vector<16xi1>, vector<16xf32>
        %convert_element_type3A_943 = arith.fptosi %select_n3A_942 : vector<16xf32> to vector<16xi32>
        %add3A_944 = arith.addi %convert_element_type3A_943, %add3A_392 : vector<16xi32>
        tpu.vector_store_idx %arg9[%add3A_944], %broadcast_in_dim3A_35 {add = true} : memref<4096xi32, #tpu.memory_space<vmem>>[vector<16xi32>], vector<16xi32>,
        %mul3A_945 = arith.mulf %exp3A_630, %div3A_780 : vector<16xf32>
        %eq3A_946 = arith.constant 2 : i32
        %eq3A_947 = vector.broadcast %eq3A_946 : i32 to vector<16xi32>
        %eq3A_948 = arith.cmpi eq, %get3A_744, %eq3A_947 : vector<16xi32>
        %sub3A_949 = arith.constant 1.024000e+03 : f32
        %sub3A_950 = vector.broadcast %sub3A_949 : f32 to vector<16xf32>
        %sub3A_951 = arith.subf %sub3A_950, %mul3A_945 : vector<16xf32>
        %select_n3A_952 = arith.select %eq3A_948, %sub3A_951, %mul3A_945 : vector<16xi1>, vector<16xf32>
        %convert_element_type3A_953 = arith.fptosi %select_n3A_952 : vector<16xf32> to vector<16xi32>
        %add3A_954 = arith.addi %convert_element_type3A_953, %add3A_395 : vector<16xi32>
        tpu.vector_store_idx %arg9[%add3A_954], %broadcast_in_dim3A_35 {add = true} : memref<4096xi32, #tpu.memory_space<vmem>>[vector<16xi32>], vector<16xi32>,
        %mul3A_955 = arith.mulf %exp3A_636, %div3A_780 : vector<16xf32>
        %eq3A_956 = arith.constant 3 : i32
        %eq3A_957 = vector.broadcast %eq3A_956 : i32 to vector<16xi32>
        %eq3A_958 = arith.cmpi eq, %get3A_744, %eq3A_957 : vector<16xi32>
        %sub3A_959 = arith.constant 1.024000e+03 : f32
        %sub3A_960 = vector.broadcast %sub3A_959 : f32 to vector<16xf32>
        %sub3A_961 = arith.subf %sub3A_960, %mul3A_955 : vector<16xf32>
        %select_n3A_962 = arith.select %eq3A_958, %sub3A_961, %mul3A_955 : vector<16xi1>, vector<16xf32>
        %convert_element_type3A_963 = arith.fptosi %select_n3A_962 : vector<16xf32> to vector<16xi32>
        %add3A_964 = arith.addi %convert_element_type3A_963, %add3A_398 : vector<16xi32>
        tpu.vector_store_idx %arg9[%add3A_964], %broadcast_in_dim3A_35 {add = true} : memref<4096xi32, #tpu.memory_space<vmem>>[vector<16xi32>], vector<16xi32>,
        %mul3A_965 = arith.mulf %exp3A_642, %div3A_786 : vector<16xf32>
        %eq3A_966 = arith.constant 0 : i32
        %eq3A_967 = vector.broadcast %eq3A_966 : i32 to vector<16xi32>
        %eq3A_968 = arith.cmpi eq, %get3A_747, %eq3A_967 : vector<16xi32>
        %sub3A_969 = arith.constant 1.024000e+03 : f32
        %sub3A_970 = vector.broadcast %sub3A_969 : f32 to vector<16xf32>
        %sub3A_971 = arith.subf %sub3A_970, %mul3A_965 : vector<16xf32>
        %select_n3A_972 = arith.select %eq3A_968, %sub3A_971, %mul3A_965 : vector<16xi1>, vector<16xf32>
        %convert_element_type3A_973 = arith.fptosi %select_n3A_972 : vector<16xf32> to vector<16xi32>
        %add3A_974 = arith.addi %convert_element_type3A_973, %add3A_389 : vector<16xi32>
        tpu.vector_store_idx %arg9[%add3A_974], %broadcast_in_dim3A_35 {add = true} : memref<4096xi32, #tpu.memory_space<vmem>>[vector<16xi32>], vector<16xi32>,
        %mul3A_975 = arith.mulf %exp3A_648, %div3A_786 : vector<16xf32>
        %eq3A_976 = arith.constant 1 : i32
        %eq3A_977 = vector.broadcast %eq3A_976 : i32 to vector<16xi32>
        %eq3A_978 = arith.cmpi eq, %get3A_747, %eq3A_977 : vector<16xi32>
        %sub3A_979 = arith.constant 1.024000e+03 : f32
        %sub3A_980 = vector.broadcast %sub3A_979 : f32 to vector<16xf32>
        %sub3A_981 = arith.subf %sub3A_980, %mul3A_975 : vector<16xf32>
        %select_n3A_982 = arith.select %eq3A_978, %sub3A_981, %mul3A_975 : vector<16xi1>, vector<16xf32>
        %convert_element_type3A_983 = arith.fptosi %select_n3A_982 : vector<16xf32> to vector<16xi32>
        %add3A_984 = arith.addi %convert_element_type3A_983, %add3A_392 : vector<16xi32>
        tpu.vector_store_idx %arg9[%add3A_984], %broadcast_in_dim3A_35 {add = true} : memref<4096xi32, #tpu.memory_space<vmem>>[vector<16xi32>], vector<16xi32>,
        %mul3A_985 = arith.mulf %exp3A_654, %div3A_786 : vector<16xf32>
        %eq3A_986 = arith.constant 2 : i32
        %eq3A_987 = vector.broadcast %eq3A_986 : i32 to vector<16xi32>
        %eq3A_988 = arith.cmpi eq, %get3A_747, %eq3A_987 : vector<16xi32>
        %sub3A_989 = arith.constant 1.024000e+03 : f32
        %sub3A_990 = vector.broadcast %sub3A_989 : f32 to vector<16xf32>
        %sub3A_991 = arith.subf %sub3A_990, %mul3A_985 : vector<16xf32>
        %select_n3A_992 = arith.select %eq3A_988, %sub3A_991, %mul3A_985 : vector<16xi1>, vector<16xf32>
        %convert_element_type3A_993 = arith.fptosi %select_n3A_992 : vector<16xf32> to vector<16xi32>
        %add3A_994 = arith.addi %convert_element_type3A_993, %add3A_395 : vector<16xi32>
        tpu.vector_store_idx %arg9[%add3A_994], %broadcast_in_dim3A_35 {add = true} : memref<4096xi32, #tpu.memory_space<vmem>>[vector<16xi32>], vector<16xi32>,
        %mul3A_995 = arith.mulf %exp3A_660, %div3A_786 : vector<16xf32>
        %eq3A_996 = arith.constant 3 : i32
        %eq3A_997 = vector.broadcast %eq3A_996 : i32 to vector<16xi32>
        %eq3A_998 = arith.cmpi eq, %get3A_747, %eq3A_997 : vector<16xi32>
        %sub3A_999 = arith.constant 1.024000e+03 : f32
        %sub3A_1000 = vector.broadcast %sub3A_999 : f32 to vector<16xf32>
        %sub3A_1001 = arith.subf %sub3A_1000, %mul3A_995 : vector<16xf32>
        %select_n3A_1002 = arith.select %eq3A_998, %sub3A_1001, %mul3A_995 : vector<16xi1>, vector<16xf32>
        %convert_element_type3A_1003 = arith.fptosi %select_n3A_1002 : vector<16xf32> to vector<16xi32>
        %add3A_1004 = arith.addi %convert_element_type3A_1003, %add3A_398 : vector<16xi32>
        tpu.vector_store_idx %arg9[%add3A_1004], %broadcast_in_dim3A_35 {add = true} : memref<4096xi32, #tpu.memory_space<vmem>>[vector<16xi32>], vector<16xi32>,
        %mul3A_1005 = arith.mulf %exp3A_666, %div3A_792 : vector<16xf32>
        %eq3A_1006 = arith.constant 0 : i32
        %eq3A_1007 = vector.broadcast %eq3A_1006 : i32 to vector<16xi32>
        %eq3A_1008 = arith.cmpi eq, %get3A_750, %eq3A_1007 : vector<16xi32>
        %sub3A_1009 = arith.constant 1.024000e+03 : f32
        %sub3A_1010 = vector.broadcast %sub3A_1009 : f32 to vector<16xf32>
        %sub3A_1011 = arith.subf %sub3A_1010, %mul3A_1005 : vector<16xf32>
        %select_n3A_1012 = arith.select %eq3A_1008, %sub3A_1011, %mul3A_1005 : vector<16xi1>, vector<16xf32>
        %convert_element_type3A_1013 = arith.fptosi %select_n3A_1012 : vector<16xf32> to vector<16xi32>
        %add3A_1014 = arith.addi %convert_element_type3A_1013, %add3A_389 : vector<16xi32>
        tpu.vector_store_idx %arg9[%add3A_1014], %broadcast_in_dim3A_35 {add = true} : memref<4096xi32, #tpu.memory_space<vmem>>[vector<16xi32>], vector<16xi32>,
        %mul3A_1015 = arith.mulf %exp3A_672, %div3A_792 : vector<16xf32>
        %eq3A_1016 = arith.constant 1 : i32
        %eq3A_1017 = vector.broadcast %eq3A_1016 : i32 to vector<16xi32>
        %eq3A_1018 = arith.cmpi eq, %get3A_750, %eq3A_1017 : vector<16xi32>
        %sub3A_1019 = arith.constant 1.024000e+03 : f32
        %sub3A_1020 = vector.broadcast %sub3A_1019 : f32 to vector<16xf32>
        %sub3A_1021 = arith.subf %sub3A_1020, %mul3A_1015 : vector<16xf32>
        %select_n3A_1022 = arith.select %eq3A_1018, %sub3A_1021, %mul3A_1015 : vector<16xi1>, vector<16xf32>
        %convert_element_type3A_1023 = arith.fptosi %select_n3A_1022 : vector<16xf32> to vector<16xi32>
        %add3A_1024 = arith.addi %convert_element_type3A_1023, %add3A_392 : vector<16xi32>
        tpu.vector_store_idx %arg9[%add3A_1024], %broadcast_in_dim3A_35 {add = true} : memref<4096xi32, #tpu.memory_space<vmem>>[vector<16xi32>], vector<16xi32>,
        %mul3A_1025 = arith.mulf %exp3A_678, %div3A_792 : vector<16xf32>
        %eq3A_1026 = arith.constant 2 : i32
        %eq3A_1027 = vector.broadcast %eq3A_1026 : i32 to vector<16xi32>
        %eq3A_1028 = arith.cmpi eq, %get3A_750, %eq3A_1027 : vector<16xi32>
        %sub3A_1029 = arith.constant 1.024000e+03 : f32
        %sub3A_1030 = vector.broadcast %sub3A_1029 : f32 to vector<16xf32>
        %sub3A_1031 = arith.subf %sub3A_1030, %mul3A_1025 : vector<16xf32>
        %select_n3A_1032 = arith.select %eq3A_1028, %sub3A_1031, %mul3A_1025 : vector<16xi1>, vector<16xf32>
        %convert_element_type3A_1033 = arith.fptosi %select_n3A_1032 : vector<16xf32> to vector<16xi32>
        %add3A_1034 = arith.addi %convert_element_type3A_1033, %add3A_395 : vector<16xi32>
        tpu.vector_store_idx %arg9[%add3A_1034], %broadcast_in_dim3A_35 {add = true} : memref<4096xi32, #tpu.memory_space<vmem>>[vector<16xi32>], vector<16xi32>,
        %mul3A_1035 = arith.mulf %exp3A_684, %div3A_792 : vector<16xf32>
        %eq3A_1036 = arith.constant 3 : i32
        %eq3A_1037 = vector.broadcast %eq3A_1036 : i32 to vector<16xi32>
        %eq3A_1038 = arith.cmpi eq, %get3A_750, %eq3A_1037 : vector<16xi32>
        %sub3A_1039 = arith.constant 1.024000e+03 : f32
        %sub3A_1040 = vector.broadcast %sub3A_1039 : f32 to vector<16xf32>
        %sub3A_1041 = arith.subf %sub3A_1040, %mul3A_1035 : vector<16xf32>
        %select_n3A_1042 = arith.select %eq3A_1038, %sub3A_1041, %mul3A_1035 : vector<16xi1>, vector<16xf32>
        %convert_element_type3A_1043 = arith.fptosi %select_n3A_1042 : vector<16xf32> to vector<16xi32>
        %add3A_1044 = arith.addi %convert_element_type3A_1043, %add3A_398 : vector<16xi32>
        tpu.vector_store_idx %arg9[%add3A_1044], %broadcast_in_dim3A_35 {add = true} : memref<4096xi32, #tpu.memory_space<vmem>>[vector<16xi32>], vector<16xi32>,
        %mul3A_1045 = arith.mulf %exp3A_690, %div3A_798 : vector<16xf32>
        %eq3A_1046 = arith.constant 0 : i32
        %eq3A_1047 = vector.broadcast %eq3A_1046 : i32 to vector<16xi32>
        %eq3A_1048 = arith.cmpi eq, %get3A_753, %eq3A_1047 : vector<16xi32>
        %sub3A_1049 = arith.constant 1.024000e+03 : f32
        %sub3A_1050 = vector.broadcast %sub3A_1049 : f32 to vector<16xf32>
        %sub3A_1051 = arith.subf %sub3A_1050, %mul3A_1045 : vector<16xf32>
        %select_n3A_1052 = arith.select %eq3A_1048, %sub3A_1051, %mul3A_1045 : vector<16xi1>, vector<16xf32>
        %convert_element_type3A_1053 = arith.fptosi %select_n3A_1052 : vector<16xf32> to vector<16xi32>
        %add3A_1054 = arith.addi %convert_element_type3A_1053, %add3A_389 : vector<16xi32>
        tpu.vector_store_idx %arg9[%add3A_1054], %broadcast_in_dim3A_35 {add = true} : memref<4096xi32, #tpu.memory_space<vmem>>[vector<16xi32>], vector<16xi32>,
        %mul3A_1055 = arith.mulf %exp3A_696, %div3A_798 : vector<16xf32>
        %eq3A_1056 = arith.constant 1 : i32
        %eq3A_1057 = vector.broadcast %eq3A_1056 : i32 to vector<16xi32>
        %eq3A_1058 = arith.cmpi eq, %get3A_753, %eq3A_1057 : vector<16xi32>
        %sub3A_1059 = arith.constant 1.024000e+03 : f32
        %sub3A_1060 = vector.broadcast %sub3A_1059 : f32 to vector<16xf32>
        %sub3A_1061 = arith.subf %sub3A_1060, %mul3A_1055 : vector<16xf32>
        %select_n3A_1062 = arith.select %eq3A_1058, %sub3A_1061, %mul3A_1055 : vector<16xi1>, vector<16xf32>
        %convert_element_type3A_1063 = arith.fptosi %select_n3A_1062 : vector<16xf32> to vector<16xi32>
        %add3A_1064 = arith.addi %convert_element_type3A_1063, %add3A_392 : vector<16xi32>
        tpu.vector_store_idx %arg9[%add3A_1064], %broadcast_in_dim3A_35 {add = true} : memref<4096xi32, #tpu.memory_space<vmem>>[vector<16xi32>], vector<16xi32>,
        %mul3A_1065 = arith.mulf %exp3A_702, %div3A_798 : vector<16xf32>
        %eq3A_1066 = arith.constant 2 : i32
        %eq3A_1067 = vector.broadcast %eq3A_1066 : i32 to vector<16xi32>
        %eq3A_1068 = arith.cmpi eq, %get3A_753, %eq3A_1067 : vector<16xi32>
        %sub3A_1069 = arith.constant 1.024000e+03 : f32
        %sub3A_1070 = vector.broadcast %sub3A_1069 : f32 to vector<16xf32>
        %sub3A_1071 = arith.subf %sub3A_1070, %mul3A_1065 : vector<16xf32>
        %select_n3A_1072 = arith.select %eq3A_1068, %sub3A_1071, %mul3A_1065 : vector<16xi1>, vector<16xf32>
        %convert_element_type3A_1073 = arith.fptosi %select_n3A_1072 : vector<16xf32> to vector<16xi32>
        %add3A_1074 = arith.addi %convert_element_type3A_1073, %add3A_395 : vector<16xi32>
        tpu.vector_store_idx %arg9[%add3A_1074], %broadcast_in_dim3A_35 {add = true} : memref<4096xi32, #tpu.memory_space<vmem>>[vector<16xi32>], vector<16xi32>,
        %mul3A_1075 = arith.mulf %exp3A_708, %div3A_798 : vector<16xf32>
        %eq3A_1076 = arith.constant 3 : i32
        %eq3A_1077 = vector.broadcast %eq3A_1076 : i32 to vector<16xi32>
        %eq3A_1078 = arith.cmpi eq, %get3A_753, %eq3A_1077 : vector<16xi32>
        %sub3A_1079 = arith.constant 1.024000e+03 : f32
        %sub3A_1080 = vector.broadcast %sub3A_1079 : f32 to vector<16xf32>
        %sub3A_1081 = arith.subf %sub3A_1080, %mul3A_1075 : vector<16xf32>
        %select_n3A_1082 = arith.select %eq3A_1078, %sub3A_1081, %mul3A_1075 : vector<16xi1>, vector<16xf32>
        %convert_element_type3A_1083 = arith.fptosi %select_n3A_1082 : vector<16xf32> to vector<16xi32>
        %add3A_1084 = arith.addi %convert_element_type3A_1083, %add3A_398 : vector<16xi32>
        tpu.vector_store_idx %arg9[%add3A_1084], %broadcast_in_dim3A_35 {add = true} : memref<4096xi32, #tpu.memory_space<vmem>>[vector<16xi32>], vector<16xi32>,
        %mul3A_1085 = arith.mulf %exp3A_714, %div3A_804 : vector<16xf32>
        %eq3A_1086 = arith.constant 0 : i32
        %eq3A_1087 = vector.broadcast %eq3A_1086 : i32 to vector<16xi32>
        %eq3A_1088 = arith.cmpi eq, %get3A_756, %eq3A_1087 : vector<16xi32>
        %sub3A_1089 = arith.constant 1.024000e+03 : f32
        %sub3A_1090 = vector.broadcast %sub3A_1089 : f32 to vector<16xf32>
        %sub3A_1091 = arith.subf %sub3A_1090, %mul3A_1085 : vector<16xf32>
        %select_n3A_1092 = arith.select %eq3A_1088, %sub3A_1091, %mul3A_1085 : vector<16xi1>, vector<16xf32>
        %convert_element_type3A_1093 = arith.fptosi %select_n3A_1092 : vector<16xf32> to vector<16xi32>
        %add3A_1094 = arith.addi %convert_element_type3A_1093, %add3A_389 : vector<16xi32>
        tpu.vector_store_idx %arg9[%add3A_1094], %broadcast_in_dim3A_35 {add = true} : memref<4096xi32, #tpu.memory_space<vmem>>[vector<16xi32>], vector<16xi32>,
        %mul3A_1095 = arith.mulf %exp3A_720, %div3A_804 : vector<16xf32>
        %eq3A_1096 = arith.constant 1 : i32
        %eq3A_1097 = vector.broadcast %eq3A_1096 : i32 to vector<16xi32>
        %eq3A_1098 = arith.cmpi eq, %get3A_756, %eq3A_1097 : vector<16xi32>
        %sub3A_1099 = arith.constant 1.024000e+03 : f32
        %sub3A_1100 = vector.broadcast %sub3A_1099 : f32 to vector<16xf32>
        %sub3A_1101 = arith.subf %sub3A_1100, %mul3A_1095 : vector<16xf32>
        %select_n3A_1102 = arith.select %eq3A_1098, %sub3A_1101, %mul3A_1095 : vector<16xi1>, vector<16xf32>
        %convert_element_type3A_1103 = arith.fptosi %select_n3A_1102 : vector<16xf32> to vector<16xi32>
        %add3A_1104 = arith.addi %convert_element_type3A_1103, %add3A_392 : vector<16xi32>
        tpu.vector_store_idx %arg9[%add3A_1104], %broadcast_in_dim3A_35 {add = true} : memref<4096xi32, #tpu.memory_space<vmem>>[vector<16xi32>], vector<16xi32>,
        %mul3A_1105 = arith.mulf %exp3A_726, %div3A_804 : vector<16xf32>
        %eq3A_1106 = arith.constant 2 : i32
        %eq3A_1107 = vector.broadcast %eq3A_1106 : i32 to vector<16xi32>
        %eq3A_1108 = arith.cmpi eq, %get3A_756, %eq3A_1107 : vector<16xi32>
        %sub3A_1109 = arith.constant 1.024000e+03 : f32
        %sub3A_1110 = vector.broadcast %sub3A_1109 : f32 to vector<16xf32>
        %sub3A_1111 = arith.subf %sub3A_1110, %mul3A_1105 : vector<16xf32>
        %select_n3A_1112 = arith.select %eq3A_1108, %sub3A_1111, %mul3A_1105 : vector<16xi1>, vector<16xf32>
        %convert_element_type3A_1113 = arith.fptosi %select_n3A_1112 : vector<16xf32> to vector<16xi32>
        %add3A_1114 = arith.addi %convert_element_type3A_1113, %add3A_395 : vector<16xi32>
        tpu.vector_store_idx %arg9[%add3A_1114], %broadcast_in_dim3A_35 {add = true} : memref<4096xi32, #tpu.memory_space<vmem>>[vector<16xi32>], vector<16xi32>,
        %mul3A_1115 = arith.mulf %exp3A_732, %div3A_804 : vector<16xf32>
        %eq3A_1116 = arith.constant 3 : i32
        %eq3A_1117 = vector.broadcast %eq3A_1116 : i32 to vector<16xi32>
        %eq3A_1118 = arith.cmpi eq, %get3A_756, %eq3A_1117 : vector<16xi32>
        %sub3A_1119 = arith.constant 1.024000e+03 : f32
        %sub3A_1120 = vector.broadcast %sub3A_1119 : f32 to vector<16xf32>
        %sub3A_1121 = arith.subf %sub3A_1120, %mul3A_1115 : vector<16xf32>
        %select_n3A_1122 = arith.select %eq3A_1118, %sub3A_1121, %mul3A_1115 : vector<16xi1>, vector<16xf32>
        %convert_element_type3A_1123 = arith.fptosi %select_n3A_1122 : vector<16xf32> to vector<16xi32>
        %add3A_1124 = arith.addi %convert_element_type3A_1123, %add3A_398 : vector<16xi32>
        tpu.vector_store_idx %arg9[%add3A_1124], %broadcast_in_dim3A_35 {add = true} : memref<4096xi32, #tpu.memory_space<vmem>>[vector<16xi32>], vector<16xi32>,
        %scan3A_1125 = arith.constant 0 : i32
        scf.yield %scan3A_1125 : i32
      }
      %scan3A_405 = arith.constant 32 : i32
      %add3A_406 = arith.constant 1 : i32
      %add3A_407 = arith.addi %mul3A_165, %add3A_406 : i32
      %mul3A_408 = arith.constant 4096 : i32
      %mul3A_409 = arith.muli %add3A_407, %mul3A_408 : i32
      %add3A_410 = arith.addi %mul3A_32, %mul3A_409 : i32
      %jit3A_411 = arith.constant 128 : i32
      %div3A_412 = arith.divsi %add3A_410, %jit3A_411 : i32
      %sign3A_413 = arith.constant 0 : i32
      %sign3A_414 = arith.cmpi sgt, %add3A_410, %sign3A_413 : i32
      %sign3A_415 = arith.extui %sign3A_414 : i1 to i32
      %sign3A_416 = arith.constant 0 : i32
      %sign3A_417 = arith.cmpi slt, %add3A_410, %sign3A_416 : i32
      %sign3A_418 = arith.extui %sign3A_417 : i1 to i32
      %sign3A_419 = arith.subi %sign3A_415, %sign3A_418 : i32
      %sign3A_420 = arith.constant 0 : i32
      %sign3A_421 = arith.cmpi sgt, %jit3A_411, %sign3A_420 : i32
      %sign3A_422 = arith.extui %sign3A_421 : i1 to i32
      %sign3A_423 = arith.constant 0 : i32
      %sign3A_424 = arith.cmpi slt, %jit3A_411, %sign3A_423 : i32
      %sign3A_425 = arith.extui %sign3A_424 : i1 to i32
      %sign3A_426 = arith.subi %sign3A_422, %sign3A_425 : i32
      %ne3A_427 = arith.cmpi ne, %sign3A_419, %sign3A_426 : i32
      %rem3A_428 = arith.remsi %add3A_410, %jit3A_411 : i32
      %ne3A_429 = arith.constant 0 : i32
      %ne3A_430 = arith.cmpi ne, %rem3A_428, %ne3A_429 : i32
      %and3A_431 = arith.andi %ne3A_427, %ne3A_430 : i1
      %sub3A_432 = arith.constant 1 : i32
      %sub3A_433 = arith.subi %div3A_412, %sub3A_432 : i32
      %select_n3A_434 = arith.select %and3A_431, %sub3A_433, %div3A_412 : i32
      %multiple_of3A_435 = tpu.assume_multiple %select_n3A_434, 8 : i32
      %mul3A_436 = arith.constant 4 : i32
      %mul3A_437 = arith.muli %select_n3A, %mul3A_436 : i32
      %add3A_438 = arith.constant 0 : i32
      %add3A_439 = arith.addi %mul3A_437, %add3A_438 : i32
      %dma_wait3A_440 = arith.constant 0 : i32
      %dma_wait3A_441 = arith.constant 0 : i32
      %dma_wait3A_442 = arith.constant 0 : i32
      %dma_wait3A_443 = tpu.memref_slice %arg6[%dma_wait3A_440, %dma_wait3A_441, %dma_wait3A_442] : memref<4x32x128xf32, #tpu.memory_space<vmem>> -> memref<1x32x128xf32, #tpu.memory_space<vmem>>
      %dma_wait3A_444 = tpu.memref_squeeze %dma_wait3A_443 : memref<1x32x128xf32, #tpu.memory_space<vmem>> -> memref<32x128xf32, #tpu.memory_space<vmem>>
      %dma_wait3A_445 = arith.constant 0 : i32
      %dma_wait3A_446 = tpu.memref_slice %arg2[%add3A_439, %multiple_of3A_435, %dma_wait3A_445] : memref<8x8192x128xf32, #tpu.memory_space<hbm>> -> memref<1x32x128xf32, #tpu.memory_space<hbm>>
      %dma_wait3A_447 = tpu.memref_squeeze %dma_wait3A_446 : memref<1x32x128xf32, #tpu.memory_space<hbm>> -> memref<32x128xf32, #tpu.memory_space<hbm>>
      %dma_wait3A_448 = arith.constant 0 : i32
      %dma_wait3A_449 = arith.constant 0 : i32
      %dma_wait3A_450 = tpu.memref_slice %arg6[%dma_wait3A_440, %dma_wait3A_448, %dma_wait3A_449] : memref<4x32x128xf32, #tpu.memory_space<vmem>> -> memref<1x32x128xf32, #tpu.memory_space<vmem>>
      %dma_wait3A_451 = tpu.memref_squeeze %dma_wait3A_450 : memref<1x32x128xf32, #tpu.memory_space<vmem>> -> memref<32x128xf32, #tpu.memory_space<vmem>>
      %dma_wait3A_452 = arith.constant 0 : i32
      %dma_wait3A_453 = tpu.memref_slice %arg2[%add3A_439, %multiple_of3A_435, %dma_wait3A_452] : memref<8x8192x128xf32, #tpu.memory_space<hbm>> -> memref<1x32x128xf32, #tpu.memory_space<hbm>>
      %dma_wait3A_454 = tpu.memref_squeeze %dma_wait3A_453 : memref<1x32x128xf32, #tpu.memory_space<hbm>> -> memref<32x128xf32, #tpu.memory_space<hbm>>
      tpu.wait_dma2 semaphore(%arg12 : memref<!tpu.dma_semaphore, #tpu.memory_space<semaphore_mem>>) src(%dma_wait3A_454 : memref<32x128xf32, #tpu.memory_space<hbm>>) dst(%dma_wait3A_451 : memref<32x128xf32, #tpu.memory_space<vmem>>)
      %mul3A_455 = arith.constant 4 : i32
      %mul3A_456 = arith.muli %select_n3A, %mul3A_455 : i32
      %add3A_457 = arith.constant 1 : i32
      %add3A_458 = arith.addi %mul3A_456, %add3A_457 : i32
      %dma_wait3A_459 = arith.constant 1 : i32
      %dma_wait3A_460 = arith.constant 0 : i32
      %dma_wait3A_461 = arith.constant 0 : i32
      %dma_wait3A_462 = tpu.memref_slice %arg6[%dma_wait3A_459, %dma_wait3A_460, %dma_wait3A_461] : memref<4x32x128xf32, #tpu.memory_space<vmem>> -> memref<1x32x128xf32, #tpu.memory_space<vmem>>
      %dma_wait3A_463 = tpu.memref_squeeze %dma_wait3A_462 : memref<1x32x128xf32, #tpu.memory_space<vmem>> -> memref<32x128xf32, #tpu.memory_space<vmem>>
      %dma_wait3A_464 = arith.constant 0 : i32
      %dma_wait3A_465 = tpu.memref_slice %arg2[%add3A_458, %multiple_of3A_435, %dma_wait3A_464] : memref<8x8192x128xf32, #tpu.memory_space<hbm>> -> memref<1x32x128xf32, #tpu.memory_space<hbm>>
      %dma_wait3A_466 = tpu.memref_squeeze %dma_wait3A_465 : memref<1x32x128xf32, #tpu.memory_space<hbm>> -> memref<32x128xf32, #tpu.memory_space<hbm>>
      %dma_wait3A_467 = arith.constant 0 : i32
      %dma_wait3A_468 = arith.constant 0 : i32
      %dma_wait3A_469 = tpu.memref_slice %arg6[%dma_wait3A_459, %dma_wait3A_467, %dma_wait3A_468] : memref<4x32x128xf32, #tpu.memory_space<vmem>> -> memref<1x32x128xf32, #tpu.memory_space<vmem>>
      %dma_wait3A_470 = tpu.memref_squeeze %dma_wait3A_469 : memref<1x32x128xf32, #tpu.memory_space<vmem>> -> memref<32x128xf32, #tpu.memory_space<vmem>>
      %dma_wait3A_471 = arith.constant 0 : i32
      %dma_wait3A_472 = tpu.memref_slice %arg2[%add3A_458, %multiple_of3A_435, %dma_wait3A_471] : memref<8x8192x128xf32, #tpu.memory_space<hbm>> -> memref<1x32x128xf32, #tpu.memory_space<hbm>>
      %dma_wait3A_473 = tpu.memref_squeeze %dma_wait3A_472 : memref<1x32x128xf32, #tpu.memory_space<hbm>> -> memref<32x128xf32, #tpu.memory_space<hbm>>
      tpu.wait_dma2 semaphore(%arg12 : memref<!tpu.dma_semaphore, #tpu.memory_space<semaphore_mem>>) src(%dma_wait3A_473 : memref<32x128xf32, #tpu.memory_space<hbm>>) dst(%dma_wait3A_470 : memref<32x128xf32, #tpu.memory_space<vmem>>)
      %mul3A_474 = arith.constant 4 : i32
      %mul3A_475 = arith.muli %select_n3A, %mul3A_474 : i32
      %add3A_476 = arith.constant 2 : i32
      %add3A_477 = arith.addi %mul3A_475, %add3A_476 : i32
      %dma_wait3A_478 = arith.constant 2 : i32
      %dma_wait3A_479 = arith.constant 0 : i32
      %dma_wait3A_480 = arith.constant 0 : i32
      %dma_wait3A_481 = tpu.memref_slice %arg6[%dma_wait3A_478, %dma_wait3A_479, %dma_wait3A_480] : memref<4x32x128xf32, #tpu.memory_space<vmem>> -> memref<1x32x128xf32, #tpu.memory_space<vmem>>
      %dma_wait3A_482 = tpu.memref_squeeze %dma_wait3A_481 : memref<1x32x128xf32, #tpu.memory_space<vmem>> -> memref<32x128xf32, #tpu.memory_space<vmem>>
      %dma_wait3A_483 = arith.constant 0 : i32
      %dma_wait3A_484 = tpu.memref_slice %arg2[%add3A_477, %multiple_of3A_435, %dma_wait3A_483] : memref<8x8192x128xf32, #tpu.memory_space<hbm>> -> memref<1x32x128xf32, #tpu.memory_space<hbm>>
      %dma_wait3A_485 = tpu.memref_squeeze %dma_wait3A_484 : memref<1x32x128xf32, #tpu.memory_space<hbm>> -> memref<32x128xf32, #tpu.memory_space<hbm>>
      %dma_wait3A_486 = arith.constant 0 : i32
      %dma_wait3A_487 = arith.constant 0 : i32
      %dma_wait3A_488 = tpu.memref_slice %arg6[%dma_wait3A_478, %dma_wait3A_486, %dma_wait3A_487] : memref<4x32x128xf32, #tpu.memory_space<vmem>> -> memref<1x32x128xf32, #tpu.memory_space<vmem>>
      %dma_wait3A_489 = tpu.memref_squeeze %dma_wait3A_488 : memref<1x32x128xf32, #tpu.memory_space<vmem>> -> memref<32x128xf32, #tpu.memory_space<vmem>>
      %dma_wait3A_490 = arith.constant 0 : i32
      %dma_wait3A_491 = tpu.memref_slice %arg2[%add3A_477, %multiple_of3A_435, %dma_wait3A_490] : memref<8x8192x128xf32, #tpu.memory_space<hbm>> -> memref<1x32x128xf32, #tpu.memory_space<hbm>>
      %dma_wait3A_492 = tpu.memref_squeeze %dma_wait3A_491 : memref<1x32x128xf32, #tpu.memory_space<hbm>> -> memref<32x128xf32, #tpu.memory_space<hbm>>
      tpu.wait_dma2 semaphore(%arg12 : memref<!tpu.dma_semaphore, #tpu.memory_space<semaphore_mem>>) src(%dma_wait3A_492 : memref<32x128xf32, #tpu.memory_space<hbm>>) dst(%dma_wait3A_489 : memref<32x128xf32, #tpu.memory_space<vmem>>)
      %mul3A_493 = arith.constant 4 : i32
      %mul3A_494 = arith.muli %select_n3A, %mul3A_493 : i32
      %add3A_495 = arith.constant 3 : i32
      %add3A_496 = arith.addi %mul3A_494, %add3A_495 : i32
      %dma_wait3A_497 = arith.constant 3 : i32
      %dma_wait3A_498 = arith.constant 0 : i32
      %dma_wait3A_499 = arith.constant 0 : i32
      %dma_wait3A_500 = tpu.memref_slice %arg6[%dma_wait3A_497, %dma_wait3A_498, %dma_wait3A_499] : memref<4x32x128xf32, #tpu.memory_space<vmem>> -> memref<1x32x128xf32, #tpu.memory_space<vmem>>
      %dma_wait3A_501 = tpu.memref_squeeze %dma_wait3A_500 : memref<1x32x128xf32, #tpu.memory_space<vmem>> -> memref<32x128xf32, #tpu.memory_space<vmem>>
      %dma_wait3A_502 = arith.constant 0 : i32
      %dma_wait3A_503 = tpu.memref_slice %arg2[%add3A_496, %multiple_of3A_435, %dma_wait3A_502] : memref<8x8192x128xf32, #tpu.memory_space<hbm>> -> memref<1x32x128xf32, #tpu.memory_space<hbm>>
      %dma_wait3A_504 = tpu.memref_squeeze %dma_wait3A_503 : memref<1x32x128xf32, #tpu.memory_space<hbm>> -> memref<32x128xf32, #tpu.memory_space<hbm>>
      %dma_wait3A_505 = arith.constant 0 : i32
      %dma_wait3A_506 = arith.constant 0 : i32
      %dma_wait3A_507 = tpu.memref_slice %arg6[%dma_wait3A_497, %dma_wait3A_505, %dma_wait3A_506] : memref<4x32x128xf32, #tpu.memory_space<vmem>> -> memref<1x32x128xf32, #tpu.memory_space<vmem>>
      %dma_wait3A_508 = tpu.memref_squeeze %dma_wait3A_507 : memref<1x32x128xf32, #tpu.memory_space<vmem>> -> memref<32x128xf32, #tpu.memory_space<vmem>>
      %dma_wait3A_509 = arith.constant 0 : i32
      %dma_wait3A_510 = tpu.memref_slice %arg2[%add3A_496, %multiple_of3A_435, %dma_wait3A_509] : memref<8x8192x128xf32, #tpu.memory_space<hbm>> -> memref<1x32x128xf32, #tpu.memory_space<hbm>>
      %dma_wait3A_511 = tpu.memref_squeeze %dma_wait3A_510 : memref<1x32x128xf32, #tpu.memory_space<hbm>> -> memref<32x128xf32, #tpu.memory_space<hbm>>
      tpu.wait_dma2 semaphore(%arg12 : memref<!tpu.dma_semaphore, #tpu.memory_space<semaphore_mem>>) src(%dma_wait3A_511 : memref<32x128xf32, #tpu.memory_space<hbm>>) dst(%dma_wait3A_508 : memref<32x128xf32, #tpu.memory_space<vmem>>)
      %dma_wait3A_512 = arith.constant 0 : i32
      %dma_wait3A_513 = tpu.memref_slice %arg3[%select_n3A, %multiple_of3A_435, %dma_wait3A_512] : memref<2x8192x128xi32, #tpu.memory_space<hbm>> -> memref<1x32x128xi32, #tpu.memory_space<hbm>>
      %dma_wait3A_514 = tpu.memref_squeeze %dma_wait3A_513 : memref<1x32x128xi32, #tpu.memory_space<hbm>> -> memref<32x128xi32, #tpu.memory_space<hbm>>
      %dma_wait3A_515 = arith.constant 0 : i32
      %dma_wait3A_516 = tpu.memref_slice %arg3[%select_n3A, %multiple_of3A_435, %dma_wait3A_515] : memref<2x8192x128xi32, #tpu.memory_space<hbm>> -> memref<1x32x128xi32, #tpu.memory_space<hbm>>
      %dma_wait3A_517 = tpu.memref_squeeze %dma_wait3A_516 : memref<1x32x128xi32, #tpu.memory_space<hbm>> -> memref<32x128xi32, #tpu.memory_space<hbm>>
      tpu.wait_dma2 semaphore(%arg12 : memref<!tpu.dma_semaphore, #tpu.memory_space<semaphore_mem>>) src(%dma_wait3A_517 : memref<32x128xi32, #tpu.memory_space<hbm>>) dst(%arg8 : memref<32x128xi32, #tpu.memory_space<vmem>>)
      %lt3A_518 = arith.constant 7 : i32
      %lt3A_519 = arith.cmpi slt, %scan3A_162, %lt3A_518 : i32
      %convert_element_type3A = arith.extui %lt3A_519 : i1 to i32
      %cond3A = arith.constant 0 : i32
      %cond3A_520 = arith.cmpi ne, %convert_element_type3A, %cond3A : i32
      scf.if %cond3A_520 {
        %add3A_541 = arith.constant 2 : i32
        %add3A_542 = arith.addi %mul3A_165, %add3A_541 : i32
        %mul3A_543 = arith.constant 4096 : i32
        %mul3A_544 = arith.muli %add3A_542, %mul3A_543 : i32
        %add3A_545 = arith.addi %mul3A_32, %mul3A_544 : i32
        %jit3A_546 = arith.constant 128 : i32
        %div3A_547 = arith.divsi %add3A_545, %jit3A_546 : i32
        %sign3A_548 = arith.constant 0 : i32
        %sign3A_549 = arith.cmpi sgt, %add3A_545, %sign3A_548 : i32
        %sign3A_550 = arith.extui %sign3A_549 : i1 to i32
        %sign3A_551 = arith.constant 0 : i32
        %sign3A_552 = arith.cmpi slt, %add3A_545, %sign3A_551 : i32
        %sign3A_553 = arith.extui %sign3A_552 : i1 to i32
        %sign3A_554 = arith.subi %sign3A_550, %sign3A_553 : i32
        %sign3A_555 = arith.constant 0 : i32
        %sign3A_556 = arith.cmpi sgt, %jit3A_546, %sign3A_555 : i32
        %sign3A_557 = arith.extui %sign3A_556 : i1 to i32
        %sign3A_558 = arith.constant 0 : i32
        %sign3A_559 = arith.cmpi slt, %jit3A_546, %sign3A_558 : i32
        %sign3A_560 = arith.extui %sign3A_559 : i1 to i32
        %sign3A_561 = arith.subi %sign3A_557, %sign3A_560 : i32
        %ne3A_562 = arith.cmpi ne, %sign3A_554, %sign3A_561 : i32
        %rem3A_563 = arith.remsi %add3A_545, %jit3A_546 : i32
        %ne3A_564 = arith.constant 0 : i32
        %ne3A_565 = arith.cmpi ne, %rem3A_563, %ne3A_564 : i32
        %and3A_566 = arith.andi %ne3A_562, %ne3A_565 : i1
        %sub3A_567 = arith.constant 1 : i32
        %sub3A_568 = arith.subi %div3A_547, %sub3A_567 : i32
        %select_n3A_569 = arith.select %and3A_566, %sub3A_568, %div3A_547 : i32
        %multiple_of3A_570 = tpu.assume_multiple %select_n3A_569, 8 : i32
        %mul3A_571 = arith.constant 4 : i32
        %mul3A_572 = arith.muli %select_n3A, %mul3A_571 : i32
        %add3A_573 = arith.constant 0 : i32
        %add3A_574 = arith.addi %mul3A_572, %add3A_573 : i32
        %dma_start3A_575 = arith.constant 0 : i32
        %dma_start3A_576 = arith.constant 0 : i32
        %dma_start3A_577 = arith.constant 0 : i32
        %dma_start3A_578 = tpu.memref_slice %arg5[%dma_start3A_575, %dma_start3A_576, %dma_start3A_577] : memref<4x32x128xf32, #tpu.memory_space<vmem>> -> memref<1x32x128xf32, #tpu.memory_space<vmem>>
        %dma_start3A_579 = tpu.memref_squeeze %dma_start3A_578 : memref<1x32x128xf32, #tpu.memory_space<vmem>> -> memref<32x128xf32, #tpu.memory_space<vmem>>
        %dma_start3A_580 = arith.constant 0 : i32
        %dma_start3A_581 = tpu.memref_slice %arg2[%add3A_574, %multiple_of3A_570, %dma_start3A_580] : memref<8x8192x128xf32, #tpu.memory_space<hbm>> -> memref<1x32x128xf32, #tpu.memory_space<hbm>>
        %dma_start3A_582 = tpu.memref_squeeze %dma_start3A_581 : memref<1x32x128xf32, #tpu.memory_space<hbm>> -> memref<32x128xf32, #tpu.memory_space<hbm>>
        %dma_start3A_583 = arith.constant 0 : i32
        %dma_start3A_584 = arith.constant 0 : i32
        %dma_start3A_585 = tpu.memref_slice %arg5[%dma_start3A_575, %dma_start3A_583, %dma_start3A_584] : memref<4x32x128xf32, #tpu.memory_space<vmem>> -> memref<1x32x128xf32, #tpu.memory_space<vmem>>
        %dma_start3A_586 = tpu.memref_squeeze %dma_start3A_585 : memref<1x32x128xf32, #tpu.memory_space<vmem>> -> memref<32x128xf32, #tpu.memory_space<vmem>>
        %dma_start3A_587 = arith.constant 0 : i32
        %dma_start3A_588 = tpu.memref_slice %arg2[%add3A_574, %multiple_of3A_570, %dma_start3A_587] : memref<8x8192x128xf32, #tpu.memory_space<hbm>> -> memref<1x32x128xf32, #tpu.memory_space<hbm>>
        %dma_start3A_589 = tpu.memref_squeeze %dma_start3A_588 : memref<1x32x128xf32, #tpu.memory_space<hbm>> -> memref<32x128xf32, #tpu.memory_space<hbm>>
        tpu.enqueue_dma source(%dma_start3A_589 : memref<32x128xf32, #tpu.memory_space<hbm>>) target(%dma_start3A_586 : memref<32x128xf32, #tpu.memory_space<vmem>>) target_semaphore(%arg11 : memref<!tpu.dma_semaphore, #tpu.memory_space<semaphore_mem>>)
        %mul3A_590 = arith.constant 4 : i32
        %mul3A_591 = arith.muli %select_n3A, %mul3A_590 : i32
        %add3A_592 = arith.constant 1 : i32
        %add3A_593 = arith.addi %mul3A_591, %add3A_592 : i32
        %dma_start3A_594 = arith.constant 1 : i32
        %dma_start3A_595 = arith.constant 0 : i32
        %dma_start3A_596 = arith.constant 0 : i32
        %dma_start3A_597 = tpu.memref_slice %arg5[%dma_start3A_594, %dma_start3A_595, %dma_start3A_596] : memref<4x32x128xf32, #tpu.memory_space<vmem>> -> memref<1x32x128xf32, #tpu.memory_space<vmem>>
        %dma_start3A_598 = tpu.memref_squeeze %dma_start3A_597 : memref<1x32x128xf32, #tpu.memory_space<vmem>> -> memref<32x128xf32, #tpu.memory_space<vmem>>
        %dma_start3A_599 = arith.constant 0 : i32
        %dma_start3A_600 = tpu.memref_slice %arg2[%add3A_593, %multiple_of3A_570, %dma_start3A_599] : memref<8x8192x128xf32, #tpu.memory_space<hbm>> -> memref<1x32x128xf32, #tpu.memory_space<hbm>>
        %dma_start3A_601 = tpu.memref_squeeze %dma_start3A_600 : memref<1x32x128xf32, #tpu.memory_space<hbm>> -> memref<32x128xf32, #tpu.memory_space<hbm>>
        %dma_start3A_602 = arith.constant 0 : i32
        %dma_start3A_603 = arith.constant 0 : i32
        %dma_start3A_604 = tpu.memref_slice %arg5[%dma_start3A_594, %dma_start3A_602, %dma_start3A_603] : memref<4x32x128xf32, #tpu.memory_space<vmem>> -> memref<1x32x128xf32, #tpu.memory_space<vmem>>
        %dma_start3A_605 = tpu.memref_squeeze %dma_start3A_604 : memref<1x32x128xf32, #tpu.memory_space<vmem>> -> memref<32x128xf32, #tpu.memory_space<vmem>>
        %dma_start3A_606 = arith.constant 0 : i32
        %dma_start3A_607 = tpu.memref_slice %arg2[%add3A_593, %multiple_of3A_570, %dma_start3A_606] : memref<8x8192x128xf32, #tpu.memory_space<hbm>> -> memref<1x32x128xf32, #tpu.memory_space<hbm>>
        %dma_start3A_608 = tpu.memref_squeeze %dma_start3A_607 : memref<1x32x128xf32, #tpu.memory_space<hbm>> -> memref<32x128xf32, #tpu.memory_space<hbm>>
        tpu.enqueue_dma source(%dma_start3A_608 : memref<32x128xf32, #tpu.memory_space<hbm>>) target(%dma_start3A_605 : memref<32x128xf32, #tpu.memory_space<vmem>>) target_semaphore(%arg11 : memref<!tpu.dma_semaphore, #tpu.memory_space<semaphore_mem>>)
        %mul3A_609 = arith.constant 4 : i32
        %mul3A_610 = arith.muli %select_n3A, %mul3A_609 : i32
        %add3A_611 = arith.constant 2 : i32
        %add3A_612 = arith.addi %mul3A_610, %add3A_611 : i32
        %dma_start3A_613 = arith.constant 2 : i32
        %dma_start3A_614 = arith.constant 0 : i32
        %dma_start3A_615 = arith.constant 0 : i32
        %dma_start3A_616 = tpu.memref_slice %arg5[%dma_start3A_613, %dma_start3A_614, %dma_start3A_615] : memref<4x32x128xf32, #tpu.memory_space<vmem>> -> memref<1x32x128xf32, #tpu.memory_space<vmem>>
        %dma_start3A_617 = tpu.memref_squeeze %dma_start3A_616 : memref<1x32x128xf32, #tpu.memory_space<vmem>> -> memref<32x128xf32, #tpu.memory_space<vmem>>
        %dma_start3A_618 = arith.constant 0 : i32
        %dma_start3A_619 = tpu.memref_slice %arg2[%add3A_612, %multiple_of3A_570, %dma_start3A_618] : memref<8x8192x128xf32, #tpu.memory_space<hbm>> -> memref<1x32x128xf32, #tpu.memory_space<hbm>>
        %dma_start3A_620 = tpu.memref_squeeze %dma_start3A_619 : memref<1x32x128xf32, #tpu.memory_space<hbm>> -> memref<32x128xf32, #tpu.memory_space<hbm>>
        %dma_start3A_621 = arith.constant 0 : i32
        %dma_start3A_622 = arith.constant 0 : i32
        %dma_start3A_623 = tpu.memref_slice %arg5[%dma_start3A_613, %dma_start3A_621, %dma_start3A_622] : memref<4x32x128xf32, #tpu.memory_space<vmem>> -> memref<1x32x128xf32, #tpu.memory_space<vmem>>
        %dma_start3A_624 = tpu.memref_squeeze %dma_start3A_623 : memref<1x32x128xf32, #tpu.memory_space<vmem>> -> memref<32x128xf32, #tpu.memory_space<vmem>>
        %dma_start3A_625 = arith.constant 0 : i32
        %dma_start3A_626 = tpu.memref_slice %arg2[%add3A_612, %multiple_of3A_570, %dma_start3A_625] : memref<8x8192x128xf32, #tpu.memory_space<hbm>> -> memref<1x32x128xf32, #tpu.memory_space<hbm>>
        %dma_start3A_627 = tpu.memref_squeeze %dma_start3A_626 : memref<1x32x128xf32, #tpu.memory_space<hbm>> -> memref<32x128xf32, #tpu.memory_space<hbm>>
        tpu.enqueue_dma source(%dma_start3A_627 : memref<32x128xf32, #tpu.memory_space<hbm>>) target(%dma_start3A_624 : memref<32x128xf32, #tpu.memory_space<vmem>>) target_semaphore(%arg11 : memref<!tpu.dma_semaphore, #tpu.memory_space<semaphore_mem>>)
        %mul3A_628 = arith.constant 4 : i32
        %mul3A_629 = arith.muli %select_n3A, %mul3A_628 : i32
        %add3A_630 = arith.constant 3 : i32
        %add3A_631 = arith.addi %mul3A_629, %add3A_630 : i32
        %dma_start3A_632 = arith.constant 3 : i32
        %dma_start3A_633 = arith.constant 0 : i32
        %dma_start3A_634 = arith.constant 0 : i32
        %dma_start3A_635 = tpu.memref_slice %arg5[%dma_start3A_632, %dma_start3A_633, %dma_start3A_634] : memref<4x32x128xf32, #tpu.memory_space<vmem>> -> memref<1x32x128xf32, #tpu.memory_space<vmem>>
        %dma_start3A_636 = tpu.memref_squeeze %dma_start3A_635 : memref<1x32x128xf32, #tpu.memory_space<vmem>> -> memref<32x128xf32, #tpu.memory_space<vmem>>
        %dma_start3A_637 = arith.constant 0 : i32
        %dma_start3A_638 = tpu.memref_slice %arg2[%add3A_631, %multiple_of3A_570, %dma_start3A_637] : memref<8x8192x128xf32, #tpu.memory_space<hbm>> -> memref<1x32x128xf32, #tpu.memory_space<hbm>>
        %dma_start3A_639 = tpu.memref_squeeze %dma_start3A_638 : memref<1x32x128xf32, #tpu.memory_space<hbm>> -> memref<32x128xf32, #tpu.memory_space<hbm>>
        %dma_start3A_640 = arith.constant 0 : i32
        %dma_start3A_641 = arith.constant 0 : i32
        %dma_start3A_642 = tpu.memref_slice %arg5[%dma_start3A_632, %dma_start3A_640, %dma_start3A_641] : memref<4x32x128xf32, #tpu.memory_space<vmem>> -> memref<1x32x128xf32, #tpu.memory_space<vmem>>
        %dma_start3A_643 = tpu.memref_squeeze %dma_start3A_642 : memref<1x32x128xf32, #tpu.memory_space<vmem>> -> memref<32x128xf32, #tpu.memory_space<vmem>>
        %dma_start3A_644 = arith.constant 0 : i32
        %dma_start3A_645 = tpu.memref_slice %arg2[%add3A_631, %multiple_of3A_570, %dma_start3A_644] : memref<8x8192x128xf32, #tpu.memory_space<hbm>> -> memref<1x32x128xf32, #tpu.memory_space<hbm>>
        %dma_start3A_646 = tpu.memref_squeeze %dma_start3A_645 : memref<1x32x128xf32, #tpu.memory_space<hbm>> -> memref<32x128xf32, #tpu.memory_space<hbm>>
        tpu.enqueue_dma source(%dma_start3A_646 : memref<32x128xf32, #tpu.memory_space<hbm>>) target(%dma_start3A_643 : memref<32x128xf32, #tpu.memory_space<vmem>>) target_semaphore(%arg11 : memref<!tpu.dma_semaphore, #tpu.memory_space<semaphore_mem>>)
        %dma_start3A_647 = arith.constant 0 : i32
        %dma_start3A_648 = tpu.memref_slice %arg3[%select_n3A, %multiple_of3A_570, %dma_start3A_647] : memref<2x8192x128xi32, #tpu.memory_space<hbm>> -> memref<1x32x128xi32, #tpu.memory_space<hbm>>
        %dma_start3A_649 = tpu.memref_squeeze %dma_start3A_648 : memref<1x32x128xi32, #tpu.memory_space<hbm>> -> memref<32x128xi32, #tpu.memory_space<hbm>>
        %dma_start3A_650 = arith.constant 0 : i32
        %dma_start3A_651 = tpu.memref_slice %arg3[%select_n3A, %multiple_of3A_570, %dma_start3A_650] : memref<2x8192x128xi32, #tpu.memory_space<hbm>> -> memref<1x32x128xi32, #tpu.memory_space<hbm>>
        %dma_start3A_652 = tpu.memref_squeeze %dma_start3A_651 : memref<1x32x128xi32, #tpu.memory_space<hbm>> -> memref<32x128xi32, #tpu.memory_space<hbm>>
        tpu.enqueue_dma source(%dma_start3A_652 : memref<32x128xi32, #tpu.memory_space<hbm>>) target(%arg7 : memref<32x128xi32, #tpu.memory_space<vmem>>) target_semaphore(%arg11 : memref<!tpu.dma_semaphore, #tpu.memory_space<semaphore_mem>>)
      } else {
      }
      %add3A_521 = arith.constant 0 : i32
      %add3A_522 = vector.broadcast %add3A_521 : i32 to vector<16xi32>
      %add3A_523 = arith.addi %mul3A_38, %add3A_522 : vector<16xi32>
      %add3A_524 = arith.constant 1024 : i32
      %add3A_525 = vector.broadcast %add3A_524 : i32 to vector<16xi32>
      %add3A_526 = arith.addi %mul3A_38, %add3A_525 : vector<16xi32>
      %add3A_527 = arith.constant 2048 : i32
      %add3A_528 = vector.broadcast %add3A_527 : i32 to vector<16xi32>
      %add3A_529 = arith.addi %mul3A_38, %add3A_528 : vector<16xi32>
      %add3A_530 = arith.constant 3072 : i32
      %add3A_531 = vector.broadcast %add3A_530 : i32 to vector<16xi32>
      %add3A_532 = arith.addi %mul3A_38, %add3A_531 : vector<16xi32>
      %scan3A_533 = arith.constant 0 : i32
      %scan3A_534 = arith.constant 0 : i32
      %scan3A_535 = arith.constant 32 : i32
      %scan3A_536 = arith.addi %scan3A_534, %scan3A_535 : i32
      %scan3A_537 = arith.constant 1 : i32
      %scan3A_538 = scf.for %scan3A_541 = %scan3A_534 to %scan3A_536 step %scan3A_537 iter_args(%scan3A_542 = %scan3A_533) -> (i32)  : i32 {
        %get3A = arith.constant 0 : i32
        %get3A_543 = arith.index_cast %get3A : i32 to index
        %get3A_544 = arith.index_cast %scan3A_541 : i32 to index
        %get3A_545 = arith.constant 0 : index
        %get3A_546 = tpu.vector_load %arg6[%get3A_543, %get3A_544, %get3A_545] {strides = array<i32>} : memref<4x32x128xf32, #tpu.memory_space<vmem>>, vector<16xf32>,
        %exp3A = math.exp %get3A_546 : vector<16xf32>
        %get3A_547 = arith.constant 1 : i32
        %get3A_548 = arith.index_cast %get3A_547 : i32 to index
        %get3A_549 = arith.index_cast %scan3A_541 : i32 to index
        %get3A_550 = arith.constant 0 : index
        %get3A_551 = tpu.vector_load %arg6[%get3A_548, %get3A_549, %get3A_550] {strides = array<i32>} : memref<4x32x128xf32, #tpu.memory_space<vmem>>, vector<16xf32>,
        %exp3A_552 = math.exp %get3A_551 : vector<16xf32>
        %get3A_553 = arith.constant 2 : i32
        %get3A_554 = arith.index_cast %get3A_553 : i32 to index
        %get3A_555 = arith.index_cast %scan3A_541 : i32 to index
        %get3A_556 = arith.constant 0 : index
        %get3A_557 = tpu.vector_load %arg6[%get3A_554, %get3A_555, %get3A_556] {strides = array<i32>} : memref<4x32x128xf32, #tpu.memory_space<vmem>>, vector<16xf32>,
        %exp3A_558 = math.exp %get3A_557 : vector<16xf32>
        %get3A_559 = arith.constant 3 : i32
        %get3A_560 = arith.index_cast %get3A_559 : i32 to index
        %get3A_561 = arith.index_cast %scan3A_541 : i32 to index
        %get3A_562 = arith.constant 0 : index
        %get3A_563 = tpu.vector_load %arg6[%get3A_560, %get3A_561, %get3A_562] {strides = array<i32>} : memref<4x32x128xf32, #tpu.memory_space<vmem>>, vector<16xf32>,
        %exp3A_564 = math.exp %get3A_563 : vector<16xf32>
        %get3A_565 = arith.constant 0 : i32
        %get3A_566 = arith.index_cast %get3A_565 : i32 to index
        %get3A_567 = arith.index_cast %scan3A_541 : i32 to index
        %get3A_568 = arith.constant 16 : index
        %get3A_569 = tpu.vector_load %arg6[%get3A_566, %get3A_567, %get3A_568] {strides = array<i32>} : memref<4x32x128xf32, #tpu.memory_space<vmem>>, vector<16xf32>,
        %exp3A_570 = math.exp %get3A_569 : vector<16xf32>
        %get3A_571 = arith.constant 1 : i32
        %get3A_572 = arith.index_cast %get3A_571 : i32 to index
        %get3A_573 = arith.index_cast %scan3A_541 : i32 to index
        %get3A_574 = arith.constant 16 : index
        %get3A_575 = tpu.vector_load %arg6[%get3A_572, %get3A_573, %get3A_574] {strides = array<i32>} : memref<4x32x128xf32, #tpu.memory_space<vmem>>, vector<16xf32>,
        %exp3A_576 = math.exp %get3A_575 : vector<16xf32>
        %get3A_577 = arith.constant 2 : i32
        %get3A_578 = arith.index_cast %get3A_577 : i32 to index
        %get3A_579 = arith.index_cast %scan3A_541 : i32 to index
        %get3A_580 = arith.constant 16 : index
        %get3A_581 = tpu.vector_load %arg6[%get3A_578, %get3A_579, %get3A_580] {strides = array<i32>} : memref<4x32x128xf32, #tpu.memory_space<vmem>>, vector<16xf32>,
        %exp3A_582 = math.exp %get3A_581 : vector<16xf32>
        %get3A_583 = arith.constant 3 : i32
        %get3A_584 = arith.index_cast %get3A_583 : i32 to index
        %get3A_585 = arith.index_cast %scan3A_541 : i32 to index
        %get3A_586 = arith.constant 16 : index
        %get3A_587 = tpu.vector_load %arg6[%get3A_584, %get3A_585, %get3A_586] {strides = array<i32>} : memref<4x32x128xf32, #tpu.memory_space<vmem>>, vector<16xf32>,
        %exp3A_588 = math.exp %get3A_587 : vector<16xf32>
        %get3A_589 = arith.constant 0 : i32
        %get3A_590 = arith.index_cast %get3A_589 : i32 to index
        %get3A_591 = arith.index_cast %scan3A_541 : i32 to index
        %get3A_592 = arith.constant 32 : index
        %get3A_593 = tpu.vector_load %arg6[%get3A_590, %get3A_591, %get3A_592] {strides = array<i32>} : memref<4x32x128xf32, #tpu.memory_space<vmem>>, vector<16xf32>,
        %exp3A_594 = math.exp %get3A_593 : vector<16xf32>
        %get3A_595 = arith.constant 1 : i32
        %get3A_596 = arith.index_cast %get3A_595 : i32 to index
        %get3A_597 = arith.index_cast %scan3A_541 : i32 to index
        %get3A_598 = arith.constant 32 : index
        %get3A_599 = tpu.vector_load %arg6[%get3A_596, %get3A_597, %get3A_598] {strides = array<i32>} : memref<4x32x128xf32, #tpu.memory_space<vmem>>, vector<16xf32>,
        %exp3A_600 = math.exp %get3A_599 : vector<16xf32>
        %get3A_601 = arith.constant 2 : i32
        %get3A_602 = arith.index_cast %get3A_601 : i32 to index
        %get3A_603 = arith.index_cast %scan3A_541 : i32 to index
        %get3A_604 = arith.constant 32 : index
        %get3A_605 = tpu.vector_load %arg6[%get3A_602, %get3A_603, %get3A_604] {strides = array<i32>} : memref<4x32x128xf32, #tpu.memory_space<vmem>>, vector<16xf32>,
        %exp3A_606 = math.exp %get3A_605 : vector<16xf32>
        %get3A_607 = arith.constant 3 : i32
        %get3A_608 = arith.index_cast %get3A_607 : i32 to index
        %get3A_609 = arith.index_cast %scan3A_541 : i32 to index
        %get3A_610 = arith.constant 32 : index
        %get3A_611 = tpu.vector_load %arg6[%get3A_608, %get3A_609, %get3A_610] {strides = array<i32>} : memref<4x32x128xf32, #tpu.memory_space<vmem>>, vector<16xf32>,
        %exp3A_612 = math.exp %get3A_611 : vector<16xf32>
        %get3A_613 = arith.constant 0 : i32
        %get3A_614 = arith.index_cast %get3A_613 : i32 to index
        %get3A_615 = arith.index_cast %scan3A_541 : i32 to index
        %get3A_616 = arith.constant 48 : index
        %get3A_617 = tpu.vector_load %arg6[%get3A_614, %get3A_615, %get3A_616] {strides = array<i32>} : memref<4x32x128xf32, #tpu.memory_space<vmem>>, vector<16xf32>,
        %exp3A_618 = math.exp %get3A_617 : vector<16xf32>
        %get3A_619 = arith.constant 1 : i32
        %get3A_620 = arith.index_cast %get3A_619 : i32 to index
        %get3A_621 = arith.index_cast %scan3A_541 : i32 to index
        %get3A_622 = arith.constant 48 : index
        %get3A_623 = tpu.vector_load %arg6[%get3A_620, %get3A_621, %get3A_622] {strides = array<i32>} : memref<4x32x128xf32, #tpu.memory_space<vmem>>, vector<16xf32>,
        %exp3A_624 = math.exp %get3A_623 : vector<16xf32>
        %get3A_625 = arith.constant 2 : i32
        %get3A_626 = arith.index_cast %get3A_625 : i32 to index
        %get3A_627 = arith.index_cast %scan3A_541 : i32 to index
        %get3A_628 = arith.constant 48 : index
        %get3A_629 = tpu.vector_load %arg6[%get3A_626, %get3A_627, %get3A_628] {strides = array<i32>} : memref<4x32x128xf32, #tpu.memory_space<vmem>>, vector<16xf32>,
        %exp3A_630 = math.exp %get3A_629 : vector<16xf32>
        %get3A_631 = arith.constant 3 : i32
        %get3A_632 = arith.index_cast %get3A_631 : i32 to index
        %get3A_633 = arith.index_cast %scan3A_541 : i32 to index
        %get3A_634 = arith.constant 48 : index
        %get3A_635 = tpu.vector_load %arg6[%get3A_632, %get3A_633, %get3A_634] {strides = array<i32>} : memref<4x32x128xf32, #tpu.memory_space<vmem>>, vector<16xf32>,
        %exp3A_636 = math.exp %get3A_635 : vector<16xf32>
        %get3A_637 = arith.constant 0 : i32
        %get3A_638 = arith.index_cast %get3A_637 : i32 to index
        %get3A_639 = arith.index_cast %scan3A_541 : i32 to index
        %get3A_640 = arith.constant 64 : index
        %get3A_641 = tpu.vector_load %arg6[%get3A_638, %get3A_639, %get3A_640] {strides = array<i32>} : memref<4x32x128xf32, #tpu.memory_space<vmem>>, vector<16xf32>,
        %exp3A_642 = math.exp %get3A_641 : vector<16xf32>
        %get3A_643 = arith.constant 1 : i32
        %get3A_644 = arith.index_cast %get3A_643 : i32 to index
        %get3A_645 = arith.index_cast %scan3A_541 : i32 to index
        %get3A_646 = arith.constant 64 : index
        %get3A_647 = tpu.vector_load %arg6[%get3A_644, %get3A_645, %get3A_646] {strides = array<i32>} : memref<4x32x128xf32, #tpu.memory_space<vmem>>, vector<16xf32>,
        %exp3A_648 = math.exp %get3A_647 : vector<16xf32>
        %get3A_649 = arith.constant 2 : i32
        %get3A_650 = arith.index_cast %get3A_649 : i32 to index
        %get3A_651 = arith.index_cast %scan3A_541 : i32 to index
        %get3A_652 = arith.constant 64 : index
        %get3A_653 = tpu.vector_load %arg6[%get3A_650, %get3A_651, %get3A_652] {strides = array<i32>} : memref<4x32x128xf32, #tpu.memory_space<vmem>>, vector<16xf32>,
        %exp3A_654 = math.exp %get3A_653 : vector<16xf32>
        %get3A_655 = arith.constant 3 : i32
        %get3A_656 = arith.index_cast %get3A_655 : i32 to index
        %get3A_657 = arith.index_cast %scan3A_541 : i32 to index
        %get3A_658 = arith.constant 64 : index
        %get3A_659 = tpu.vector_load %arg6[%get3A_656, %get3A_657, %get3A_658] {strides = array<i32>} : memref<4x32x128xf32, #tpu.memory_space<vmem>>, vector<16xf32>,
        %exp3A_660 = math.exp %get3A_659 : vector<16xf32>
        %get3A_661 = arith.constant 0 : i32
        %get3A_662 = arith.index_cast %get3A_661 : i32 to index
        %get3A_663 = arith.index_cast %scan3A_541 : i32 to index
        %get3A_664 = arith.constant 80 : index
        %get3A_665 = tpu.vector_load %arg6[%get3A_662, %get3A_663, %get3A_664] {strides = array<i32>} : memref<4x32x128xf32, #tpu.memory_space<vmem>>, vector<16xf32>,
        %exp3A_666 = math.exp %get3A_665 : vector<16xf32>
        %get3A_667 = arith.constant 1 : i32
        %get3A_668 = arith.index_cast %get3A_667 : i32 to index
        %get3A_669 = arith.index_cast %scan3A_541 : i32 to index
        %get3A_670 = arith.constant 80 : index
        %get3A_671 = tpu.vector_load %arg6[%get3A_668, %get3A_669, %get3A_670] {strides = array<i32>} : memref<4x32x128xf32, #tpu.memory_space<vmem>>, vector<16xf32>,
        %exp3A_672 = math.exp %get3A_671 : vector<16xf32>
        %get3A_673 = arith.constant 2 : i32
        %get3A_674 = arith.index_cast %get3A_673 : i32 to index
        %get3A_675 = arith.index_cast %scan3A_541 : i32 to index
        %get3A_676 = arith.constant 80 : index
        %get3A_677 = tpu.vector_load %arg6[%get3A_674, %get3A_675, %get3A_676] {strides = array<i32>} : memref<4x32x128xf32, #tpu.memory_space<vmem>>, vector<16xf32>,
        %exp3A_678 = math.exp %get3A_677 : vector<16xf32>
        %get3A_679 = arith.constant 3 : i32
        %get3A_680 = arith.index_cast %get3A_679 : i32 to index
        %get3A_681 = arith.index_cast %scan3A_541 : i32 to index
        %get3A_682 = arith.constant 80 : index
        %get3A_683 = tpu.vector_load %arg6[%get3A_680, %get3A_681, %get3A_682] {strides = array<i32>} : memref<4x32x128xf32, #tpu.memory_space<vmem>>, vector<16xf32>,
        %exp3A_684 = math.exp %get3A_683 : vector<16xf32>
        %get3A_685 = arith.constant 0 : i32
        %get3A_686 = arith.index_cast %get3A_685 : i32 to index
        %get3A_687 = arith.index_cast %scan3A_541 : i32 to index
        %get3A_688 = arith.constant 96 : index
        %get3A_689 = tpu.vector_load %arg6[%get3A_686, %get3A_687, %get3A_688] {strides = array<i32>} : memref<4x32x128xf32, #tpu.memory_space<vmem>>, vector<16xf32>,
        %exp3A_690 = math.exp %get3A_689 : vector<16xf32>
        %get3A_691 = arith.constant 1 : i32
        %get3A_692 = arith.index_cast %get3A_691 : i32 to index
        %get3A_693 = arith.index_cast %scan3A_541 : i32 to index
        %get3A_694 = arith.constant 96 : index
        %get3A_695 = tpu.vector_load %arg6[%get3A_692, %get3A_693, %get3A_694] {strides = array<i32>} : memref<4x32x128xf32, #tpu.memory_space<vmem>>, vector<16xf32>,
        %exp3A_696 = math.exp %get3A_695 : vector<16xf32>
        %get3A_697 = arith.constant 2 : i32
        %get3A_698 = arith.index_cast %get3A_697 : i32 to index
        %get3A_699 = arith.index_cast %scan3A_541 : i32 to index
        %get3A_700 = arith.constant 96 : index
        %get3A_701 = tpu.vector_load %arg6[%get3A_698, %get3A_699, %get3A_700] {strides = array<i32>} : memref<4x32x128xf32, #tpu.memory_space<vmem>>, vector<16xf32>,
        %exp3A_702 = math.exp %get3A_701 : vector<16xf32>
        %get3A_703 = arith.constant 3 : i32
        %get3A_704 = arith.index_cast %get3A_703 : i32 to index
        %get3A_705 = arith.index_cast %scan3A_541 : i32 to index
        %get3A_706 = arith.constant 96 : index
        %get3A_707 = tpu.vector_load %arg6[%get3A_704, %get3A_705, %get3A_706] {strides = array<i32>} : memref<4x32x128xf32, #tpu.memory_space<vmem>>, vector<16xf32>,
        %exp3A_708 = math.exp %get3A_707 : vector<16xf32>
        %get3A_709 = arith.constant 0 : i32
        %get3A_710 = arith.index_cast %get3A_709 : i32 to index
        %get3A_711 = arith.index_cast %scan3A_541 : i32 to index
        %get3A_712 = arith.constant 112 : index
        %get3A_713 = tpu.vector_load %arg6[%get3A_710, %get3A_711, %get3A_712] {strides = array<i32>} : memref<4x32x128xf32, #tpu.memory_space<vmem>>, vector<16xf32>,
        %exp3A_714 = math.exp %get3A_713 : vector<16xf32>
        %get3A_715 = arith.constant 1 : i32
        %get3A_716 = arith.index_cast %get3A_715 : i32 to index
        %get3A_717 = arith.index_cast %scan3A_541 : i32 to index
        %get3A_718 = arith.constant 112 : index
        %get3A_719 = tpu.vector_load %arg6[%get3A_716, %get3A_717, %get3A_718] {strides = array<i32>} : memref<4x32x128xf32, #tpu.memory_space<vmem>>, vector<16xf32>,
        %exp3A_720 = math.exp %get3A_719 : vector<16xf32>
        %get3A_721 = arith.constant 2 : i32
        %get3A_722 = arith.index_cast %get3A_721 : i32 to index
        %get3A_723 = arith.index_cast %scan3A_541 : i32 to index
        %get3A_724 = arith.constant 112 : index
        %get3A_725 = tpu.vector_load %arg6[%get3A_722, %get3A_723, %get3A_724] {strides = array<i32>} : memref<4x32x128xf32, #tpu.memory_space<vmem>>, vector<16xf32>,
        %exp3A_726 = math.exp %get3A_725 : vector<16xf32>
        %get3A_727 = arith.constant 3 : i32
        %get3A_728 = arith.index_cast %get3A_727 : i32 to index
        %get3A_729 = arith.index_cast %scan3A_541 : i32 to index
        %get3A_730 = arith.constant 112 : index
        %get3A_731 = tpu.vector_load %arg6[%get3A_728, %get3A_729, %get3A_730] {strides = array<i32>} : memref<4x32x128xf32, #tpu.memory_space<vmem>>, vector<16xf32>,
        %exp3A_732 = math.exp %get3A_731 : vector<16xf32>
        %get3A_733 = arith.index_cast %scan3A_541 : i32 to index
        %get3A_734 = arith.constant 0 : index
        %get3A_735 = tpu.vector_load %arg8[%get3A_733, %get3A_734] {strides = array<i32>} : memref<32x128xi32, #tpu.memory_space<vmem>>, vector<16xi32>,
        %get3A_736 = arith.index_cast %scan3A_541 : i32 to index
        %get3A_737 = arith.constant 16 : index
        %get3A_738 = tpu.vector_load %arg8[%get3A_736, %get3A_737] {strides = array<i32>} : memref<32x128xi32, #tpu.memory_space<vmem>>, vector<16xi32>,
        %get3A_739 = arith.index_cast %scan3A_541 : i32 to index
        %get3A_740 = arith.constant 32 : index
        %get3A_741 = tpu.vector_load %arg8[%get3A_739, %get3A_740] {strides = array<i32>} : memref<32x128xi32, #tpu.memory_space<vmem>>, vector<16xi32>,
        %get3A_742 = arith.index_cast %scan3A_541 : i32 to index
        %get3A_743 = arith.constant 48 : index
        %get3A_744 = tpu.vector_load %arg8[%get3A_742, %get3A_743] {strides = array<i32>} : memref<32x128xi32, #tpu.memory_space<vmem>>, vector<16xi32>,
        %get3A_745 = arith.index_cast %scan3A_541 : i32 to index
        %get3A_746 = arith.constant 64 : index
        %get3A_747 = tpu.vector_load %arg8[%get3A_745, %get3A_746] {strides = array<i32>} : memref<32x128xi32, #tpu.memory_space<vmem>>, vector<16xi32>,
        %get3A_748 = arith.index_cast %scan3A_541 : i32 to index
        %get3A_749 = arith.constant 80 : index
        %get3A_750 = tpu.vector_load %arg8[%get3A_748, %get3A_749] {strides = array<i32>} : memref<32x128xi32, #tpu.memory_space<vmem>>, vector<16xi32>,
        %get3A_751 = arith.index_cast %scan3A_541 : i32 to index
        %get3A_752 = arith.constant 96 : index
        %get3A_753 = tpu.vector_load %arg8[%get3A_751, %get3A_752] {strides = array<i32>} : memref<32x128xi32, #tpu.memory_space<vmem>>, vector<16xi32>,
        %get3A_754 = arith.index_cast %scan3A_541 : i32 to index
        %get3A_755 = arith.constant 112 : index
        %get3A_756 = tpu.vector_load %arg8[%get3A_754, %get3A_755] {strides = array<i32>} : memref<32x128xi32, #tpu.memory_space<vmem>>, vector<16xi32>,
        %add3A_757 = arith.addf %exp3A, %exp3A_552 : vector<16xf32>
        %add3A_758 = arith.addf %exp3A_558, %exp3A_564 : vector<16xf32>
        %add3A_759 = arith.addf %add3A_757, %add3A_758 : vector<16xf32>
        %div3A_760 = arith.constant 5.120000e+02 : f32
        %div3A_761 = vector.broadcast %div3A_760 : f32 to vector<16xf32>
        %div3A_762 = arith.divf %div3A_761, %add3A_759 : vector<16xf32>
        %add3A_763 = arith.addf %exp3A_570, %exp3A_576 : vector<16xf32>
        %add3A_764 = arith.addf %exp3A_582, %exp3A_588 : vector<16xf32>
        %add3A_765 = arith.addf %add3A_763, %add3A_764 : vector<16xf32>
        %div3A_766 = arith.constant 5.120000e+02 : f32
        %div3A_767 = vector.broadcast %div3A_766 : f32 to vector<16xf32>
        %div3A_768 = arith.divf %div3A_767, %add3A_765 : vector<16xf32>
        %add3A_769 = arith.addf %exp3A_594, %exp3A_600 : vector<16xf32>
        %add3A_770 = arith.addf %exp3A_606, %exp3A_612 : vector<16xf32>
        %add3A_771 = arith.addf %add3A_769, %add3A_770 : vector<16xf32>
        %div3A_772 = arith.constant 5.120000e+02 : f32
        %div3A_773 = vector.broadcast %div3A_772 : f32 to vector<16xf32>
        %div3A_774 = arith.divf %div3A_773, %add3A_771 : vector<16xf32>
        %add3A_775 = arith.addf %exp3A_618, %exp3A_624 : vector<16xf32>
        %add3A_776 = arith.addf %exp3A_630, %exp3A_636 : vector<16xf32>
        %add3A_777 = arith.addf %add3A_775, %add3A_776 : vector<16xf32>
        %div3A_778 = arith.constant 5.120000e+02 : f32
        %div3A_779 = vector.broadcast %div3A_778 : f32 to vector<16xf32>
        %div3A_780 = arith.divf %div3A_779, %add3A_777 : vector<16xf32>
        %add3A_781 = arith.addf %exp3A_642, %exp3A_648 : vector<16xf32>
        %add3A_782 = arith.addf %exp3A_654, %exp3A_660 : vector<16xf32>
        %add3A_783 = arith.addf %add3A_781, %add3A_782 : vector<16xf32>
        %div3A_784 = arith.constant 5.120000e+02 : f32
        %div3A_785 = vector.broadcast %div3A_784 : f32 to vector<16xf32>
        %div3A_786 = arith.divf %div3A_785, %add3A_783 : vector<16xf32>
        %add3A_787 = arith.addf %exp3A_666, %exp3A_672 : vector<16xf32>
        %add3A_788 = arith.addf %exp3A_678, %exp3A_684 : vector<16xf32>
        %add3A_789 = arith.addf %add3A_787, %add3A_788 : vector<16xf32>
        %div3A_790 = arith.constant 5.120000e+02 : f32
        %div3A_791 = vector.broadcast %div3A_790 : f32 to vector<16xf32>
        %div3A_792 = arith.divf %div3A_791, %add3A_789 : vector<16xf32>
        %add3A_793 = arith.addf %exp3A_690, %exp3A_696 : vector<16xf32>
        %add3A_794 = arith.addf %exp3A_702, %exp3A_708 : vector<16xf32>
        %add3A_795 = arith.addf %add3A_793, %add3A_794 : vector<16xf32>
        %div3A_796 = arith.constant 5.120000e+02 : f32
        %div3A_797 = vector.broadcast %div3A_796 : f32 to vector<16xf32>
        %div3A_798 = arith.divf %div3A_797, %add3A_795 : vector<16xf32>
        %add3A_799 = arith.addf %exp3A_714, %exp3A_720 : vector<16xf32>
        %add3A_800 = arith.addf %exp3A_726, %exp3A_732 : vector<16xf32>
        %add3A_801 = arith.addf %add3A_799, %add3A_800 : vector<16xf32>
        %div3A_802 = arith.constant 5.120000e+02 : f32
        %div3A_803 = vector.broadcast %div3A_802 : f32 to vector<16xf32>
        %div3A_804 = arith.divf %div3A_803, %add3A_801 : vector<16xf32>
        %mul3A_805 = arith.mulf %exp3A, %div3A_762 : vector<16xf32>
        %eq3A_806 = arith.constant 0 : i32
        %eq3A_807 = vector.broadcast %eq3A_806 : i32 to vector<16xi32>
        %eq3A_808 = arith.cmpi eq, %get3A_735, %eq3A_807 : vector<16xi32>
        %sub3A_809 = arith.constant 1.024000e+03 : f32
        %sub3A_810 = vector.broadcast %sub3A_809 : f32 to vector<16xf32>
        %sub3A_811 = arith.subf %sub3A_810, %mul3A_805 : vector<16xf32>
        %select_n3A_812 = arith.select %eq3A_808, %sub3A_811, %mul3A_805 : vector<16xi1>, vector<16xf32>
        %convert_element_type3A_813 = arith.fptosi %select_n3A_812 : vector<16xf32> to vector<16xi32>
        %add3A_814 = arith.addi %convert_element_type3A_813, %add3A_523 : vector<16xi32>
        tpu.vector_store_idx %arg9[%add3A_814], %broadcast_in_dim3A_35 {add = true} : memref<4096xi32, #tpu.memory_space<vmem>>[vector<16xi32>], vector<16xi32>,
        %mul3A_815 = arith.mulf %exp3A_552, %div3A_762 : vector<16xf32>
        %eq3A_816 = arith.constant 1 : i32
        %eq3A_817 = vector.broadcast %eq3A_816 : i32 to vector<16xi32>
        %eq3A_818 = arith.cmpi eq, %get3A_735, %eq3A_817 : vector<16xi32>
        %sub3A_819 = arith.constant 1.024000e+03 : f32
        %sub3A_820 = vector.broadcast %sub3A_819 : f32 to vector<16xf32>
        %sub3A_821 = arith.subf %sub3A_820, %mul3A_815 : vector<16xf32>
        %select_n3A_822 = arith.select %eq3A_818, %sub3A_821, %mul3A_815 : vector<16xi1>, vector<16xf32>
        %convert_element_type3A_823 = arith.fptosi %select_n3A_822 : vector<16xf32> to vector<16xi32>
        %add3A_824 = arith.addi %convert_element_type3A_823, %add3A_526 : vector<16xi32>
        tpu.vector_store_idx %arg9[%add3A_824], %broadcast_in_dim3A_35 {add = true} : memref<4096xi32, #tpu.memory_space<vmem>>[vector<16xi32>], vector<16xi32>,
        %mul3A_825 = arith.mulf %exp3A_558, %div3A_762 : vector<16xf32>
        %eq3A_826 = arith.constant 2 : i32
        %eq3A_827 = vector.broadcast %eq3A_826 : i32 to vector<16xi32>
        %eq3A_828 = arith.cmpi eq, %get3A_735, %eq3A_827 : vector<16xi32>
        %sub3A_829 = arith.constant 1.024000e+03 : f32
        %sub3A_830 = vector.broadcast %sub3A_829 : f32 to vector<16xf32>
        %sub3A_831 = arith.subf %sub3A_830, %mul3A_825 : vector<16xf32>
        %select_n3A_832 = arith.select %eq3A_828, %sub3A_831, %mul3A_825 : vector<16xi1>, vector<16xf32>
        %convert_element_type3A_833 = arith.fptosi %select_n3A_832 : vector<16xf32> to vector<16xi32>
        %add3A_834 = arith.addi %convert_element_type3A_833, %add3A_529 : vector<16xi32>
        tpu.vector_store_idx %arg9[%add3A_834], %broadcast_in_dim3A_35 {add = true} : memref<4096xi32, #tpu.memory_space<vmem>>[vector<16xi32>], vector<16xi32>,
        %mul3A_835 = arith.mulf %exp3A_564, %div3A_762 : vector<16xf32>
        %eq3A_836 = arith.constant 3 : i32
        %eq3A_837 = vector.broadcast %eq3A_836 : i32 to vector<16xi32>
        %eq3A_838 = arith.cmpi eq, %get3A_735, %eq3A_837 : vector<16xi32>
        %sub3A_839 = arith.constant 1.024000e+03 : f32
        %sub3A_840 = vector.broadcast %sub3A_839 : f32 to vector<16xf32>
        %sub3A_841 = arith.subf %sub3A_840, %mul3A_835 : vector<16xf32>
        %select_n3A_842 = arith.select %eq3A_838, %sub3A_841, %mul3A_835 : vector<16xi1>, vector<16xf32>
        %convert_element_type3A_843 = arith.fptosi %select_n3A_842 : vector<16xf32> to vector<16xi32>
        %add3A_844 = arith.addi %convert_element_type3A_843, %add3A_532 : vector<16xi32>
        tpu.vector_store_idx %arg9[%add3A_844], %broadcast_in_dim3A_35 {add = true} : memref<4096xi32, #tpu.memory_space<vmem>>[vector<16xi32>], vector<16xi32>,
        %mul3A_845 = arith.mulf %exp3A_570, %div3A_768 : vector<16xf32>
        %eq3A_846 = arith.constant 0 : i32
        %eq3A_847 = vector.broadcast %eq3A_846 : i32 to vector<16xi32>
        %eq3A_848 = arith.cmpi eq, %get3A_738, %eq3A_847 : vector<16xi32>
        %sub3A_849 = arith.constant 1.024000e+03 : f32
        %sub3A_850 = vector.broadcast %sub3A_849 : f32 to vector<16xf32>
        %sub3A_851 = arith.subf %sub3A_850, %mul3A_845 : vector<16xf32>
        %select_n3A_852 = arith.select %eq3A_848, %sub3A_851, %mul3A_845 : vector<16xi1>, vector<16xf32>
        %convert_element_type3A_853 = arith.fptosi %select_n3A_852 : vector<16xf32> to vector<16xi32>
        %add3A_854 = arith.addi %convert_element_type3A_853, %add3A_523 : vector<16xi32>
        tpu.vector_store_idx %arg9[%add3A_854], %broadcast_in_dim3A_35 {add = true} : memref<4096xi32, #tpu.memory_space<vmem>>[vector<16xi32>], vector<16xi32>,
        %mul3A_855 = arith.mulf %exp3A_576, %div3A_768 : vector<16xf32>
        %eq3A_856 = arith.constant 1 : i32
        %eq3A_857 = vector.broadcast %eq3A_856 : i32 to vector<16xi32>
        %eq3A_858 = arith.cmpi eq, %get3A_738, %eq3A_857 : vector<16xi32>
        %sub3A_859 = arith.constant 1.024000e+03 : f32
        %sub3A_860 = vector.broadcast %sub3A_859 : f32 to vector<16xf32>
        %sub3A_861 = arith.subf %sub3A_860, %mul3A_855 : vector<16xf32>
        %select_n3A_862 = arith.select %eq3A_858, %sub3A_861, %mul3A_855 : vector<16xi1>, vector<16xf32>
        %convert_element_type3A_863 = arith.fptosi %select_n3A_862 : vector<16xf32> to vector<16xi32>
        %add3A_864 = arith.addi %convert_element_type3A_863, %add3A_526 : vector<16xi32>
        tpu.vector_store_idx %arg9[%add3A_864], %broadcast_in_dim3A_35 {add = true} : memref<4096xi32, #tpu.memory_space<vmem>>[vector<16xi32>], vector<16xi32>,
        %mul3A_865 = arith.mulf %exp3A_582, %div3A_768 : vector<16xf32>
        %eq3A_866 = arith.constant 2 : i32
        %eq3A_867 = vector.broadcast %eq3A_866 : i32 to vector<16xi32>
        %eq3A_868 = arith.cmpi eq, %get3A_738, %eq3A_867 : vector<16xi32>
        %sub3A_869 = arith.constant 1.024000e+03 : f32
        %sub3A_870 = vector.broadcast %sub3A_869 : f32 to vector<16xf32>
        %sub3A_871 = arith.subf %sub3A_870, %mul3A_865 : vector<16xf32>
        %select_n3A_872 = arith.select %eq3A_868, %sub3A_871, %mul3A_865 : vector<16xi1>, vector<16xf32>
        %convert_element_type3A_873 = arith.fptosi %select_n3A_872 : vector<16xf32> to vector<16xi32>
        %add3A_874 = arith.addi %convert_element_type3A_873, %add3A_529 : vector<16xi32>
        tpu.vector_store_idx %arg9[%add3A_874], %broadcast_in_dim3A_35 {add = true} : memref<4096xi32, #tpu.memory_space<vmem>>[vector<16xi32>], vector<16xi32>,
        %mul3A_875 = arith.mulf %exp3A_588, %div3A_768 : vector<16xf32>
        %eq3A_876 = arith.constant 3 : i32
        %eq3A_877 = vector.broadcast %eq3A_876 : i32 to vector<16xi32>
        %eq3A_878 = arith.cmpi eq, %get3A_738, %eq3A_877 : vector<16xi32>
        %sub3A_879 = arith.constant 1.024000e+03 : f32
        %sub3A_880 = vector.broadcast %sub3A_879 : f32 to vector<16xf32>
        %sub3A_881 = arith.subf %sub3A_880, %mul3A_875 : vector<16xf32>
        %select_n3A_882 = arith.select %eq3A_878, %sub3A_881, %mul3A_875 : vector<16xi1>, vector<16xf32>
        %convert_element_type3A_883 = arith.fptosi %select_n3A_882 : vector<16xf32> to vector<16xi32>
        %add3A_884 = arith.addi %convert_element_type3A_883, %add3A_532 : vector<16xi32>
        tpu.vector_store_idx %arg9[%add3A_884], %broadcast_in_dim3A_35 {add = true} : memref<4096xi32, #tpu.memory_space<vmem>>[vector<16xi32>], vector<16xi32>,
        %mul3A_885 = arith.mulf %exp3A_594, %div3A_774 : vector<16xf32>
        %eq3A_886 = arith.constant 0 : i32
        %eq3A_887 = vector.broadcast %eq3A_886 : i32 to vector<16xi32>
        %eq3A_888 = arith.cmpi eq, %get3A_741, %eq3A_887 : vector<16xi32>
        %sub3A_889 = arith.constant 1.024000e+03 : f32
        %sub3A_890 = vector.broadcast %sub3A_889 : f32 to vector<16xf32>
        %sub3A_891 = arith.subf %sub3A_890, %mul3A_885 : vector<16xf32>
        %select_n3A_892 = arith.select %eq3A_888, %sub3A_891, %mul3A_885 : vector<16xi1>, vector<16xf32>
        %convert_element_type3A_893 = arith.fptosi %select_n3A_892 : vector<16xf32> to vector<16xi32>
        %add3A_894 = arith.addi %convert_element_type3A_893, %add3A_523 : vector<16xi32>
        tpu.vector_store_idx %arg9[%add3A_894], %broadcast_in_dim3A_35 {add = true} : memref<4096xi32, #tpu.memory_space<vmem>>[vector<16xi32>], vector<16xi32>,
        %mul3A_895 = arith.mulf %exp3A_600, %div3A_774 : vector<16xf32>
        %eq3A_896 = arith.constant 1 : i32
        %eq3A_897 = vector.broadcast %eq3A_896 : i32 to vector<16xi32>
        %eq3A_898 = arith.cmpi eq, %get3A_741, %eq3A_897 : vector<16xi32>
        %sub3A_899 = arith.constant 1.024000e+03 : f32
        %sub3A_900 = vector.broadcast %sub3A_899 : f32 to vector<16xf32>
        %sub3A_901 = arith.subf %sub3A_900, %mul3A_895 : vector<16xf32>
        %select_n3A_902 = arith.select %eq3A_898, %sub3A_901, %mul3A_895 : vector<16xi1>, vector<16xf32>
        %convert_element_type3A_903 = arith.fptosi %select_n3A_902 : vector<16xf32> to vector<16xi32>
        %add3A_904 = arith.addi %convert_element_type3A_903, %add3A_526 : vector<16xi32>
        tpu.vector_store_idx %arg9[%add3A_904], %broadcast_in_dim3A_35 {add = true} : memref<4096xi32, #tpu.memory_space<vmem>>[vector<16xi32>], vector<16xi32>,
        %mul3A_905 = arith.mulf %exp3A_606, %div3A_774 : vector<16xf32>
        %eq3A_906 = arith.constant 2 : i32
        %eq3A_907 = vector.broadcast %eq3A_906 : i32 to vector<16xi32>
        %eq3A_908 = arith.cmpi eq, %get3A_741, %eq3A_907 : vector<16xi32>
        %sub3A_909 = arith.constant 1.024000e+03 : f32
        %sub3A_910 = vector.broadcast %sub3A_909 : f32 to vector<16xf32>
        %sub3A_911 = arith.subf %sub3A_910, %mul3A_905 : vector<16xf32>
        %select_n3A_912 = arith.select %eq3A_908, %sub3A_911, %mul3A_905 : vector<16xi1>, vector<16xf32>
        %convert_element_type3A_913 = arith.fptosi %select_n3A_912 : vector<16xf32> to vector<16xi32>
        %add3A_914 = arith.addi %convert_element_type3A_913, %add3A_529 : vector<16xi32>
        tpu.vector_store_idx %arg9[%add3A_914], %broadcast_in_dim3A_35 {add = true} : memref<4096xi32, #tpu.memory_space<vmem>>[vector<16xi32>], vector<16xi32>,
        %mul3A_915 = arith.mulf %exp3A_612, %div3A_774 : vector<16xf32>
        %eq3A_916 = arith.constant 3 : i32
        %eq3A_917 = vector.broadcast %eq3A_916 : i32 to vector<16xi32>
        %eq3A_918 = arith.cmpi eq, %get3A_741, %eq3A_917 : vector<16xi32>
        %sub3A_919 = arith.constant 1.024000e+03 : f32
        %sub3A_920 = vector.broadcast %sub3A_919 : f32 to vector<16xf32>
        %sub3A_921 = arith.subf %sub3A_920, %mul3A_915 : vector<16xf32>
        %select_n3A_922 = arith.select %eq3A_918, %sub3A_921, %mul3A_915 : vector<16xi1>, vector<16xf32>
        %convert_element_type3A_923 = arith.fptosi %select_n3A_922 : vector<16xf32> to vector<16xi32>
        %add3A_924 = arith.addi %convert_element_type3A_923, %add3A_532 : vector<16xi32>
        tpu.vector_store_idx %arg9[%add3A_924], %broadcast_in_dim3A_35 {add = true} : memref<4096xi32, #tpu.memory_space<vmem>>[vector<16xi32>], vector<16xi32>,
        %mul3A_925 = arith.mulf %exp3A_618, %div3A_780 : vector<16xf32>
        %eq3A_926 = arith.constant 0 : i32
        %eq3A_927 = vector.broadcast %eq3A_926 : i32 to vector<16xi32>
        %eq3A_928 = arith.cmpi eq, %get3A_744, %eq3A_927 : vector<16xi32>
        %sub3A_929 = arith.constant 1.024000e+03 : f32
        %sub3A_930 = vector.broadcast %sub3A_929 : f32 to vector<16xf32>
        %sub3A_931 = arith.subf %sub3A_930, %mul3A_925 : vector<16xf32>
        %select_n3A_932 = arith.select %eq3A_928, %sub3A_931, %mul3A_925 : vector<16xi1>, vector<16xf32>
        %convert_element_type3A_933 = arith.fptosi %select_n3A_932 : vector<16xf32> to vector<16xi32>
        %add3A_934 = arith.addi %convert_element_type3A_933, %add3A_523 : vector<16xi32>
        tpu.vector_store_idx %arg9[%add3A_934], %broadcast_in_dim3A_35 {add = true} : memref<4096xi32, #tpu.memory_space<vmem>>[vector<16xi32>], vector<16xi32>,
        %mul3A_935 = arith.mulf %exp3A_624, %div3A_780 : vector<16xf32>
        %eq3A_936 = arith.constant 1 : i32
        %eq3A_937 = vector.broadcast %eq3A_936 : i32 to vector<16xi32>
        %eq3A_938 = arith.cmpi eq, %get3A_744, %eq3A_937 : vector<16xi32>
        %sub3A_939 = arith.constant 1.024000e+03 : f32
        %sub3A_940 = vector.broadcast %sub3A_939 : f32 to vector<16xf32>
        %sub3A_941 = arith.subf %sub3A_940, %mul3A_935 : vector<16xf32>
        %select_n3A_942 = arith.select %eq3A_938, %sub3A_941, %mul3A_935 : vector<16xi1>, vector<16xf32>
        %convert_element_type3A_943 = arith.fptosi %select_n3A_942 : vector<16xf32> to vector<16xi32>
        %add3A_944 = arith.addi %convert_element_type3A_943, %add3A_526 : vector<16xi32>
        tpu.vector_store_idx %arg9[%add3A_944], %broadcast_in_dim3A_35 {add = true} : memref<4096xi32, #tpu.memory_space<vmem>>[vector<16xi32>], vector<16xi32>,
        %mul3A_945 = arith.mulf %exp3A_630, %div3A_780 : vector<16xf32>
        %eq3A_946 = arith.constant 2 : i32
        %eq3A_947 = vector.broadcast %eq3A_946 : i32 to vector<16xi32>
        %eq3A_948 = arith.cmpi eq, %get3A_744, %eq3A_947 : vector<16xi32>
        %sub3A_949 = arith.constant 1.024000e+03 : f32
        %sub3A_950 = vector.broadcast %sub3A_949 : f32 to vector<16xf32>
        %sub3A_951 = arith.subf %sub3A_950, %mul3A_945 : vector<16xf32>
        %select_n3A_952 = arith.select %eq3A_948, %sub3A_951, %mul3A_945 : vector<16xi1>, vector<16xf32>
        %convert_element_type3A_953 = arith.fptosi %select_n3A_952 : vector<16xf32> to vector<16xi32>
        %add3A_954 = arith.addi %convert_element_type3A_953, %add3A_529 : vector<16xi32>
        tpu.vector_store_idx %arg9[%add3A_954], %broadcast_in_dim3A_35 {add = true} : memref<4096xi32, #tpu.memory_space<vmem>>[vector<16xi32>], vector<16xi32>,
        %mul3A_955 = arith.mulf %exp3A_636, %div3A_780 : vector<16xf32>
        %eq3A_956 = arith.constant 3 : i32
        %eq3A_957 = vector.broadcast %eq3A_956 : i32 to vector<16xi32>
        %eq3A_958 = arith.cmpi eq, %get3A_744, %eq3A_957 : vector<16xi32>
        %sub3A_959 = arith.constant 1.024000e+03 : f32
        %sub3A_960 = vector.broadcast %sub3A_959 : f32 to vector<16xf32>
        %sub3A_961 = arith.subf %sub3A_960, %mul3A_955 : vector<16xf32>
        %select_n3A_962 = arith.select %eq3A_958, %sub3A_961, %mul3A_955 : vector<16xi1>, vector<16xf32>
        %convert_element_type3A_963 = arith.fptosi %select_n3A_962 : vector<16xf32> to vector<16xi32>
        %add3A_964 = arith.addi %convert_element_type3A_963, %add3A_532 : vector<16xi32>
        tpu.vector_store_idx %arg9[%add3A_964], %broadcast_in_dim3A_35 {add = true} : memref<4096xi32, #tpu.memory_space<vmem>>[vector<16xi32>], vector<16xi32>,
        %mul3A_965 = arith.mulf %exp3A_642, %div3A_786 : vector<16xf32>
        %eq3A_966 = arith.constant 0 : i32
        %eq3A_967 = vector.broadcast %eq3A_966 : i32 to vector<16xi32>
        %eq3A_968 = arith.cmpi eq, %get3A_747, %eq3A_967 : vector<16xi32>
        %sub3A_969 = arith.constant 1.024000e+03 : f32
        %sub3A_970 = vector.broadcast %sub3A_969 : f32 to vector<16xf32>
        %sub3A_971 = arith.subf %sub3A_970, %mul3A_965 : vector<16xf32>
        %select_n3A_972 = arith.select %eq3A_968, %sub3A_971, %mul3A_965 : vector<16xi1>, vector<16xf32>
        %convert_element_type3A_973 = arith.fptosi %select_n3A_972 : vector<16xf32> to vector<16xi32>
        %add3A_974 = arith.addi %convert_element_type3A_973, %add3A_523 : vector<16xi32>
        tpu.vector_store_idx %arg9[%add3A_974], %broadcast_in_dim3A_35 {add = true} : memref<4096xi32, #tpu.memory_space<vmem>>[vector<16xi32>], vector<16xi32>,
        %mul3A_975 = arith.mulf %exp3A_648, %div3A_786 : vector<16xf32>
        %eq3A_976 = arith.constant 1 : i32
        %eq3A_977 = vector.broadcast %eq3A_976 : i32 to vector<16xi32>
        %eq3A_978 = arith.cmpi eq, %get3A_747, %eq3A_977 : vector<16xi32>
        %sub3A_979 = arith.constant 1.024000e+03 : f32
        %sub3A_980 = vector.broadcast %sub3A_979 : f32 to vector<16xf32>
        %sub3A_981 = arith.subf %sub3A_980, %mul3A_975 : vector<16xf32>
        %select_n3A_982 = arith.select %eq3A_978, %sub3A_981, %mul3A_975 : vector<16xi1>, vector<16xf32>
        %convert_element_type3A_983 = arith.fptosi %select_n3A_982 : vector<16xf32> to vector<16xi32>
        %add3A_984 = arith.addi %convert_element_type3A_983, %add3A_526 : vector<16xi32>
        tpu.vector_store_idx %arg9[%add3A_984], %broadcast_in_dim3A_35 {add = true} : memref<4096xi32, #tpu.memory_space<vmem>>[vector<16xi32>], vector<16xi32>,
        %mul3A_985 = arith.mulf %exp3A_654, %div3A_786 : vector<16xf32>
        %eq3A_986 = arith.constant 2 : i32
        %eq3A_987 = vector.broadcast %eq3A_986 : i32 to vector<16xi32>
        %eq3A_988 = arith.cmpi eq, %get3A_747, %eq3A_987 : vector<16xi32>
        %sub3A_989 = arith.constant 1.024000e+03 : f32
        %sub3A_990 = vector.broadcast %sub3A_989 : f32 to vector<16xf32>
        %sub3A_991 = arith.subf %sub3A_990, %mul3A_985 : vector<16xf32>
        %select_n3A_992 = arith.select %eq3A_988, %sub3A_991, %mul3A_985 : vector<16xi1>, vector<16xf32>
        %convert_element_type3A_993 = arith.fptosi %select_n3A_992 : vector<16xf32> to vector<16xi32>
        %add3A_994 = arith.addi %convert_element_type3A_993, %add3A_529 : vector<16xi32>
        tpu.vector_store_idx %arg9[%add3A_994], %broadcast_in_dim3A_35 {add = true} : memref<4096xi32, #tpu.memory_space<vmem>>[vector<16xi32>], vector<16xi32>,
        %mul3A_995 = arith.mulf %exp3A_660, %div3A_786 : vector<16xf32>
        %eq3A_996 = arith.constant 3 : i32
        %eq3A_997 = vector.broadcast %eq3A_996 : i32 to vector<16xi32>
        %eq3A_998 = arith.cmpi eq, %get3A_747, %eq3A_997 : vector<16xi32>
        %sub3A_999 = arith.constant 1.024000e+03 : f32
        %sub3A_1000 = vector.broadcast %sub3A_999 : f32 to vector<16xf32>
        %sub3A_1001 = arith.subf %sub3A_1000, %mul3A_995 : vector<16xf32>
        %select_n3A_1002 = arith.select %eq3A_998, %sub3A_1001, %mul3A_995 : vector<16xi1>, vector<16xf32>
        %convert_element_type3A_1003 = arith.fptosi %select_n3A_1002 : vector<16xf32> to vector<16xi32>
        %add3A_1004 = arith.addi %convert_element_type3A_1003, %add3A_532 : vector<16xi32>
        tpu.vector_store_idx %arg9[%add3A_1004], %broadcast_in_dim3A_35 {add = true} : memref<4096xi32, #tpu.memory_space<vmem>>[vector<16xi32>], vector<16xi32>,
        %mul3A_1005 = arith.mulf %exp3A_666, %div3A_792 : vector<16xf32>
        %eq3A_1006 = arith.constant 0 : i32
        %eq3A_1007 = vector.broadcast %eq3A_1006 : i32 to vector<16xi32>
        %eq3A_1008 = arith.cmpi eq, %get3A_750, %eq3A_1007 : vector<16xi32>
        %sub3A_1009 = arith.constant 1.024000e+03 : f32
        %sub3A_1010 = vector.broadcast %sub3A_1009 : f32 to vector<16xf32>
        %sub3A_1011 = arith.subf %sub3A_1010, %mul3A_1005 : vector<16xf32>
        %select_n3A_1012 = arith.select %eq3A_1008, %sub3A_1011, %mul3A_1005 : vector<16xi1>, vector<16xf32>
        %convert_element_type3A_1013 = arith.fptosi %select_n3A_1012 : vector<16xf32> to vector<16xi32>
        %add3A_1014 = arith.addi %convert_element_type3A_1013, %add3A_523 : vector<16xi32>
        tpu.vector_store_idx %arg9[%add3A_1014], %broadcast_in_dim3A_35 {add = true} : memref<4096xi32, #tpu.memory_space<vmem>>[vector<16xi32>], vector<16xi32>,
        %mul3A_1015 = arith.mulf %exp3A_672, %div3A_792 : vector<16xf32>
        %eq3A_1016 = arith.constant 1 : i32
        %eq3A_1017 = vector.broadcast %eq3A_1016 : i32 to vector<16xi32>
        %eq3A_1018 = arith.cmpi eq, %get3A_750, %eq3A_1017 : vector<16xi32>
        %sub3A_1019 = arith.constant 1.024000e+03 : f32
        %sub3A_1020 = vector.broadcast %sub3A_1019 : f32 to vector<16xf32>
        %sub3A_1021 = arith.subf %sub3A_1020, %mul3A_1015 : vector<16xf32>
        %select_n3A_1022 = arith.select %eq3A_1018, %sub3A_1021, %mul3A_1015 : vector<16xi1>, vector<16xf32>
        %convert_element_type3A_1023 = arith.fptosi %select_n3A_1022 : vector<16xf32> to vector<16xi32>
        %add3A_1024 = arith.addi %convert_element_type3A_1023, %add3A_526 : vector<16xi32>
        tpu.vector_store_idx %arg9[%add3A_1024], %broadcast_in_dim3A_35 {add = true} : memref<4096xi32, #tpu.memory_space<vmem>>[vector<16xi32>], vector<16xi32>,
        %mul3A_1025 = arith.mulf %exp3A_678, %div3A_792 : vector<16xf32>
        %eq3A_1026 = arith.constant 2 : i32
        %eq3A_1027 = vector.broadcast %eq3A_1026 : i32 to vector<16xi32>
        %eq3A_1028 = arith.cmpi eq, %get3A_750, %eq3A_1027 : vector<16xi32>
        %sub3A_1029 = arith.constant 1.024000e+03 : f32
        %sub3A_1030 = vector.broadcast %sub3A_1029 : f32 to vector<16xf32>
        %sub3A_1031 = arith.subf %sub3A_1030, %mul3A_1025 : vector<16xf32>
        %select_n3A_1032 = arith.select %eq3A_1028, %sub3A_1031, %mul3A_1025 : vector<16xi1>, vector<16xf32>
        %convert_element_type3A_1033 = arith.fptosi %select_n3A_1032 : vector<16xf32> to vector<16xi32>
        %add3A_1034 = arith.addi %convert_element_type3A_1033, %add3A_529 : vector<16xi32>
        tpu.vector_store_idx %arg9[%add3A_1034], %broadcast_in_dim3A_35 {add = true} : memref<4096xi32, #tpu.memory_space<vmem>>[vector<16xi32>], vector<16xi32>,
        %mul3A_1035 = arith.mulf %exp3A_684, %div3A_792 : vector<16xf32>
        %eq3A_1036 = arith.constant 3 : i32
        %eq3A_1037 = vector.broadcast %eq3A_1036 : i32 to vector<16xi32>
        %eq3A_1038 = arith.cmpi eq, %get3A_750, %eq3A_1037 : vector<16xi32>
        %sub3A_1039 = arith.constant 1.024000e+03 : f32
        %sub3A_1040 = vector.broadcast %sub3A_1039 : f32 to vector<16xf32>
        %sub3A_1041 = arith.subf %sub3A_1040, %mul3A_1035 : vector<16xf32>
        %select_n3A_1042 = arith.select %eq3A_1038, %sub3A_1041, %mul3A_1035 : vector<16xi1>, vector<16xf32>
        %convert_element_type3A_1043 = arith.fptosi %select_n3A_1042 : vector<16xf32> to vector<16xi32>
        %add3A_1044 = arith.addi %convert_element_type3A_1043, %add3A_532 : vector<16xi32>
        tpu.vector_store_idx %arg9[%add3A_1044], %broadcast_in_dim3A_35 {add = true} : memref<4096xi32, #tpu.memory_space<vmem>>[vector<16xi32>], vector<16xi32>,
        %mul3A_1045 = arith.mulf %exp3A_690, %div3A_798 : vector<16xf32>
        %eq3A_1046 = arith.constant 0 : i32
        %eq3A_1047 = vector.broadcast %eq3A_1046 : i32 to vector<16xi32>
        %eq3A_1048 = arith.cmpi eq, %get3A_753, %eq3A_1047 : vector<16xi32>
        %sub3A_1049 = arith.constant 1.024000e+03 : f32
        %sub3A_1050 = vector.broadcast %sub3A_1049 : f32 to vector<16xf32>
        %sub3A_1051 = arith.subf %sub3A_1050, %mul3A_1045 : vector<16xf32>
        %select_n3A_1052 = arith.select %eq3A_1048, %sub3A_1051, %mul3A_1045 : vector<16xi1>, vector<16xf32>
        %convert_element_type3A_1053 = arith.fptosi %select_n3A_1052 : vector<16xf32> to vector<16xi32>
        %add3A_1054 = arith.addi %convert_element_type3A_1053, %add3A_523 : vector<16xi32>
        tpu.vector_store_idx %arg9[%add3A_1054], %broadcast_in_dim3A_35 {add = true} : memref<4096xi32, #tpu.memory_space<vmem>>[vector<16xi32>], vector<16xi32>,
        %mul3A_1055 = arith.mulf %exp3A_696, %div3A_798 : vector<16xf32>
        %eq3A_1056 = arith.constant 1 : i32
        %eq3A_1057 = vector.broadcast %eq3A_1056 : i32 to vector<16xi32>
        %eq3A_1058 = arith.cmpi eq, %get3A_753, %eq3A_1057 : vector<16xi32>
        %sub3A_1059 = arith.constant 1.024000e+03 : f32
        %sub3A_1060 = vector.broadcast %sub3A_1059 : f32 to vector<16xf32>
        %sub3A_1061 = arith.subf %sub3A_1060, %mul3A_1055 : vector<16xf32>
        %select_n3A_1062 = arith.select %eq3A_1058, %sub3A_1061, %mul3A_1055 : vector<16xi1>, vector<16xf32>
        %convert_element_type3A_1063 = arith.fptosi %select_n3A_1062 : vector<16xf32> to vector<16xi32>
        %add3A_1064 = arith.addi %convert_element_type3A_1063, %add3A_526 : vector<16xi32>
        tpu.vector_store_idx %arg9[%add3A_1064], %broadcast_in_dim3A_35 {add = true} : memref<4096xi32, #tpu.memory_space<vmem>>[vector<16xi32>], vector<16xi32>,
        %mul3A_1065 = arith.mulf %exp3A_702, %div3A_798 : vector<16xf32>
        %eq3A_1066 = arith.constant 2 : i32
        %eq3A_1067 = vector.broadcast %eq3A_1066 : i32 to vector<16xi32>
        %eq3A_1068 = arith.cmpi eq, %get3A_753, %eq3A_1067 : vector<16xi32>
        %sub3A_1069 = arith.constant 1.024000e+03 : f32
        %sub3A_1070 = vector.broadcast %sub3A_1069 : f32 to vector<16xf32>
        %sub3A_1071 = arith.subf %sub3A_1070, %mul3A_1065 : vector<16xf32>
        %select_n3A_1072 = arith.select %eq3A_1068, %sub3A_1071, %mul3A_1065 : vector<16xi1>, vector<16xf32>
        %convert_element_type3A_1073 = arith.fptosi %select_n3A_1072 : vector<16xf32> to vector<16xi32>
        %add3A_1074 = arith.addi %convert_element_type3A_1073, %add3A_529 : vector<16xi32>
        tpu.vector_store_idx %arg9[%add3A_1074], %broadcast_in_dim3A_35 {add = true} : memref<4096xi32, #tpu.memory_space<vmem>>[vector<16xi32>], vector<16xi32>,
        %mul3A_1075 = arith.mulf %exp3A_708, %div3A_798 : vector<16xf32>
        %eq3A_1076 = arith.constant 3 : i32
        %eq3A_1077 = vector.broadcast %eq3A_1076 : i32 to vector<16xi32>
        %eq3A_1078 = arith.cmpi eq, %get3A_753, %eq3A_1077 : vector<16xi32>
        %sub3A_1079 = arith.constant 1.024000e+03 : f32
        %sub3A_1080 = vector.broadcast %sub3A_1079 : f32 to vector<16xf32>
        %sub3A_1081 = arith.subf %sub3A_1080, %mul3A_1075 : vector<16xf32>
        %select_n3A_1082 = arith.select %eq3A_1078, %sub3A_1081, %mul3A_1075 : vector<16xi1>, vector<16xf32>
        %convert_element_type3A_1083 = arith.fptosi %select_n3A_1082 : vector<16xf32> to vector<16xi32>
        %add3A_1084 = arith.addi %convert_element_type3A_1083, %add3A_532 : vector<16xi32>
        tpu.vector_store_idx %arg9[%add3A_1084], %broadcast_in_dim3A_35 {add = true} : memref<4096xi32, #tpu.memory_space<vmem>>[vector<16xi32>], vector<16xi32>,
        %mul3A_1085 = arith.mulf %exp3A_714, %div3A_804 : vector<16xf32>
        %eq3A_1086 = arith.constant 0 : i32
        %eq3A_1087 = vector.broadcast %eq3A_1086 : i32 to vector<16xi32>
        %eq3A_1088 = arith.cmpi eq, %get3A_756, %eq3A_1087 : vector<16xi32>
        %sub3A_1089 = arith.constant 1.024000e+03 : f32
        %sub3A_1090 = vector.broadcast %sub3A_1089 : f32 to vector<16xf32>
        %sub3A_1091 = arith.subf %sub3A_1090, %mul3A_1085 : vector<16xf32>
        %select_n3A_1092 = arith.select %eq3A_1088, %sub3A_1091, %mul3A_1085 : vector<16xi1>, vector<16xf32>
        %convert_element_type3A_1093 = arith.fptosi %select_n3A_1092 : vector<16xf32> to vector<16xi32>
        %add3A_1094 = arith.addi %convert_element_type3A_1093, %add3A_523 : vector<16xi32>
        tpu.vector_store_idx %arg9[%add3A_1094], %broadcast_in_dim3A_35 {add = true} : memref<4096xi32, #tpu.memory_space<vmem>>[vector<16xi32>], vector<16xi32>,
        %mul3A_1095 = arith.mulf %exp3A_720, %div3A_804 : vector<16xf32>
        %eq3A_1096 = arith.constant 1 : i32
        %eq3A_1097 = vector.broadcast %eq3A_1096 : i32 to vector<16xi32>
        %eq3A_1098 = arith.cmpi eq, %get3A_756, %eq3A_1097 : vector<16xi32>
        %sub3A_1099 = arith.constant 1.024000e+03 : f32
        %sub3A_1100 = vector.broadcast %sub3A_1099 : f32 to vector<16xf32>
        %sub3A_1101 = arith.subf %sub3A_1100, %mul3A_1095 : vector<16xf32>
        %select_n3A_1102 = arith.select %eq3A_1098, %sub3A_1101, %mul3A_1095 : vector<16xi1>, vector<16xf32>
        %convert_element_type3A_1103 = arith.fptosi %select_n3A_1102 : vector<16xf32> to vector<16xi32>
        %add3A_1104 = arith.addi %convert_element_type3A_1103, %add3A_526 : vector<16xi32>
        tpu.vector_store_idx %arg9[%add3A_1104], %broadcast_in_dim3A_35 {add = true} : memref<4096xi32, #tpu.memory_space<vmem>>[vector<16xi32>], vector<16xi32>,
        %mul3A_1105 = arith.mulf %exp3A_726, %div3A_804 : vector<16xf32>
        %eq3A_1106 = arith.constant 2 : i32
        %eq3A_1107 = vector.broadcast %eq3A_1106 : i32 to vector<16xi32>
        %eq3A_1108 = arith.cmpi eq, %get3A_756, %eq3A_1107 : vector<16xi32>
        %sub3A_1109 = arith.constant 1.024000e+03 : f32
        %sub3A_1110 = vector.broadcast %sub3A_1109 : f32 to vector<16xf32>
        %sub3A_1111 = arith.subf %sub3A_1110, %mul3A_1105 : vector<16xf32>
        %select_n3A_1112 = arith.select %eq3A_1108, %sub3A_1111, %mul3A_1105 : vector<16xi1>, vector<16xf32>
        %convert_element_type3A_1113 = arith.fptosi %select_n3A_1112 : vector<16xf32> to vector<16xi32>
        %add3A_1114 = arith.addi %convert_element_type3A_1113, %add3A_529 : vector<16xi32>
        tpu.vector_store_idx %arg9[%add3A_1114], %broadcast_in_dim3A_35 {add = true} : memref<4096xi32, #tpu.memory_space<vmem>>[vector<16xi32>], vector<16xi32>,
        %mul3A_1115 = arith.mulf %exp3A_732, %div3A_804 : vector<16xf32>
        %eq3A_1116 = arith.constant 3 : i32
        %eq3A_1117 = vector.broadcast %eq3A_1116 : i32 to vector<16xi32>
        %eq3A_1118 = arith.cmpi eq, %get3A_756, %eq3A_1117 : vector<16xi32>
        %sub3A_1119 = arith.constant 1.024000e+03 : f32
        %sub3A_1120 = vector.broadcast %sub3A_1119 : f32 to vector<16xf32>
        %sub3A_1121 = arith.subf %sub3A_1120, %mul3A_1115 : vector<16xf32>
        %select_n3A_1122 = arith.select %eq3A_1118, %sub3A_1121, %mul3A_1115 : vector<16xi1>, vector<16xf32>
        %convert_element_type3A_1123 = arith.fptosi %select_n3A_1122 : vector<16xf32> to vector<16xi32>
        %add3A_1124 = arith.addi %convert_element_type3A_1123, %add3A_532 : vector<16xi32>
        tpu.vector_store_idx %arg9[%add3A_1124], %broadcast_in_dim3A_35 {add = true} : memref<4096xi32, #tpu.memory_space<vmem>>[vector<16xi32>], vector<16xi32>,
        %scan3A_1125 = arith.constant 0 : i32
        scf.yield %scan3A_1125 : i32
      }
      %scan3A_539 = arith.constant 32 : i32
      %scan3A_540 = arith.constant 0 : i32
      scf.yield %scan3A_540 : i32
    }
    %scan3A_158 = arith.constant 8 : i32
    %run_scoped3A = arith.constant 0 : i32
    "tpu.region"() ({
      %run_scoped3A_162 = tpu.sem_alloc : memref<!tpu.dma_semaphore, #tpu.memory_space<semaphore_mem>>
      %dma_start3A_163 = arith.constant 0 : i32
      %dma_start3A_164 = tpu.memref_slice %arg9[%dma_start3A_163] : memref<4096xi32, #tpu.memory_space<vmem>> -> memref<1024xi32, #tpu.memory_space<vmem>>
      %dma_start3A_165 = arith.constant 0 : i32
      %dma_start3A_166 = tpu.memref_slice %arg4[%add3A, %run_scoped3A, %dma_start3A_165] : memref<32x4x1024xi32, #tpu.memory_space<hbm>> -> memref<1x1x1024xi32, #tpu.memory_space<hbm>>
      %dma_start3A_167 = tpu.memref_squeeze %dma_start3A_166 : memref<1x1x1024xi32, #tpu.memory_space<hbm>> -> memref<1024xi32, #tpu.memory_space<hbm>>
      %dma_start3A_168 = arith.constant 0 : i32
      %dma_start3A_169 = tpu.memref_slice %arg4[%add3A, %run_scoped3A, %dma_start3A_168] : memref<32x4x1024xi32, #tpu.memory_space<hbm>> -> memref<1x1x1024xi32, #tpu.memory_space<hbm>>
      %dma_start3A_170 = tpu.memref_squeeze %dma_start3A_169 : memref<1x1x1024xi32, #tpu.memory_space<hbm>> -> memref<1024xi32, #tpu.memory_space<hbm>>
      %dma_start3A_171 = arith.constant 0 : i32
      %dma_start3A_172 = tpu.memref_slice %arg9[%dma_start3A_171] : memref<4096xi32, #tpu.memory_space<vmem>> -> memref<1024xi32, #tpu.memory_space<vmem>>
      tpu.enqueue_dma source(%dma_start3A_172 : memref<1024xi32, #tpu.memory_space<vmem>>) target(%dma_start3A_170 : memref<1024xi32, #tpu.memory_space<hbm>>) target_semaphore(%run_scoped3A_162 : memref<!tpu.dma_semaphore, #tpu.memory_space<semaphore_mem>>)
      %dma_wait3A = arith.constant 0 : i32
      %dma_wait3A_173 = tpu.memref_slice %arg9[%dma_wait3A] : memref<4096xi32, #tpu.memory_space<vmem>> -> memref<1024xi32, #tpu.memory_space<vmem>>
      %dma_wait3A_174 = arith.constant 0 : i32
      %dma_wait3A_175 = tpu.memref_slice %arg4[%add3A, %run_scoped3A, %dma_wait3A_174] : memref<32x4x1024xi32, #tpu.memory_space<hbm>> -> memref<1x1x1024xi32, #tpu.memory_space<hbm>>
      %dma_wait3A_176 = tpu.memref_squeeze %dma_wait3A_175 : memref<1x1x1024xi32, #tpu.memory_space<hbm>> -> memref<1024xi32, #tpu.memory_space<hbm>>
      %dma_wait3A_177 = arith.constant 0 : i32
      %dma_wait3A_178 = tpu.memref_slice %arg4[%add3A, %run_scoped3A, %dma_wait3A_177] : memref<32x4x1024xi32, #tpu.memory_space<hbm>> -> memref<1x1x1024xi32, #tpu.memory_space<hbm>>
      %dma_wait3A_179 = tpu.memref_squeeze %dma_wait3A_178 : memref<1x1x1024xi32, #tpu.memory_space<hbm>> -> memref<1024xi32, #tpu.memory_space<hbm>>
      %dma_wait3A_180 = arith.constant 0 : i32
      %dma_wait3A_181 = tpu.memref_slice %arg9[%dma_wait3A_180] : memref<4096xi32, #tpu.memory_space<vmem>> -> memref<1024xi32, #tpu.memory_space<vmem>>
      tpu.wait_dma2 semaphore(%run_scoped3A_162 : memref<!tpu.dma_semaphore, #tpu.memory_space<semaphore_mem>>) src(%dma_wait3A_181 : memref<1024xi32, #tpu.memory_space<vmem>>) dst(%dma_wait3A_179 : memref<1024xi32, #tpu.memory_space<hbm>>)
      tpu.yield
    }) : () -> ()
    %run_scoped3A_159 = arith.constant 1 : i32
    "tpu.region"() ({
      %run_scoped3A_162 = tpu.sem_alloc : memref<!tpu.dma_semaphore, #tpu.memory_space<semaphore_mem>>
      %dma_start3A_163 = arith.constant 1024 : i32
      %dma_start3A_164 = tpu.memref_slice %arg9[%dma_start3A_163] : memref<4096xi32, #tpu.memory_space<vmem>> -> memref<1024xi32, #tpu.memory_space<vmem>>
      %dma_start3A_165 = arith.constant 0 : i32
      %dma_start3A_166 = tpu.memref_slice %arg4[%add3A, %run_scoped3A_159, %dma_start3A_165] : memref<32x4x1024xi32, #tpu.memory_space<hbm>> -> memref<1x1x1024xi32, #tpu.memory_space<hbm>>
      %dma_start3A_167 = tpu.memref_squeeze %dma_start3A_166 : memref<1x1x1024xi32, #tpu.memory_space<hbm>> -> memref<1024xi32, #tpu.memory_space<hbm>>
      %dma_start3A_168 = arith.constant 0 : i32
      %dma_start3A_169 = tpu.memref_slice %arg4[%add3A, %run_scoped3A_159, %dma_start3A_168] : memref<32x4x1024xi32, #tpu.memory_space<hbm>> -> memref<1x1x1024xi32, #tpu.memory_space<hbm>>
      %dma_start3A_170 = tpu.memref_squeeze %dma_start3A_169 : memref<1x1x1024xi32, #tpu.memory_space<hbm>> -> memref<1024xi32, #tpu.memory_space<hbm>>
      %dma_start3A_171 = arith.constant 1024 : i32
      %dma_start3A_172 = tpu.memref_slice %arg9[%dma_start3A_171] : memref<4096xi32, #tpu.memory_space<vmem>> -> memref<1024xi32, #tpu.memory_space<vmem>>
      tpu.enqueue_dma source(%dma_start3A_172 : memref<1024xi32, #tpu.memory_space<vmem>>) target(%dma_start3A_170 : memref<1024xi32, #tpu.memory_space<hbm>>) target_semaphore(%run_scoped3A_162 : memref<!tpu.dma_semaphore, #tpu.memory_space<semaphore_mem>>)
      %dma_wait3A = arith.constant 1024 : i32
      %dma_wait3A_173 = tpu.memref_slice %arg9[%dma_wait3A] : memref<4096xi32, #tpu.memory_space<vmem>> -> memref<1024xi32, #tpu.memory_space<vmem>>
      %dma_wait3A_174 = arith.constant 0 : i32
      %dma_wait3A_175 = tpu.memref_slice %arg4[%add3A, %run_scoped3A_159, %dma_wait3A_174] : memref<32x4x1024xi32, #tpu.memory_space<hbm>> -> memref<1x1x1024xi32, #tpu.memory_space<hbm>>
      %dma_wait3A_176 = tpu.memref_squeeze %dma_wait3A_175 : memref<1x1x1024xi32, #tpu.memory_space<hbm>> -> memref<1024xi32, #tpu.memory_space<hbm>>
      %dma_wait3A_177 = arith.constant 0 : i32
      %dma_wait3A_178 = tpu.memref_slice %arg4[%add3A, %run_scoped3A_159, %dma_wait3A_177] : memref<32x4x1024xi32, #tpu.memory_space<hbm>> -> memref<1x1x1024xi32, #tpu.memory_space<hbm>>
      %dma_wait3A_179 = tpu.memref_squeeze %dma_wait3A_178 : memref<1x1x1024xi32, #tpu.memory_space<hbm>> -> memref<1024xi32, #tpu.memory_space<hbm>>
      %dma_wait3A_180 = arith.constant 1024 : i32
      %dma_wait3A_181 = tpu.memref_slice %arg9[%dma_wait3A_180] : memref<4096xi32, #tpu.memory_space<vmem>> -> memref<1024xi32, #tpu.memory_space<vmem>>
      tpu.wait_dma2 semaphore(%run_scoped3A_162 : memref<!tpu.dma_semaphore, #tpu.memory_space<semaphore_mem>>) src(%dma_wait3A_181 : memref<1024xi32, #tpu.memory_space<vmem>>) dst(%dma_wait3A_179 : memref<1024xi32, #tpu.memory_space<hbm>>)
      tpu.yield
    }) : () -> ()
    %run_scoped3A_160 = arith.constant 2 : i32
    "tpu.region"() ({
      %run_scoped3A_162 = tpu.sem_alloc : memref<!tpu.dma_semaphore, #tpu.memory_space<semaphore_mem>>
      %dma_start3A_163 = arith.constant 2048 : i32
      %dma_start3A_164 = tpu.memref_slice %arg9[%dma_start3A_163] : memref<4096xi32, #tpu.memory_space<vmem>> -> memref<1024xi32, #tpu.memory_space<vmem>>
      %dma_start3A_165 = arith.constant 0 : i32
      %dma_start3A_166 = tpu.memref_slice %arg4[%add3A, %run_scoped3A_160, %dma_start3A_165] : memref<32x4x1024xi32, #tpu.memory_space<hbm>> -> memref<1x1x1024xi32, #tpu.memory_space<hbm>>
      %dma_start3A_167 = tpu.memref_squeeze %dma_start3A_166 : memref<1x1x1024xi32, #tpu.memory_space<hbm>> -> memref<1024xi32, #tpu.memory_space<hbm>>
      %dma_start3A_168 = arith.constant 0 : i32
      %dma_start3A_169 = tpu.memref_slice %arg4[%add3A, %run_scoped3A_160, %dma_start3A_168] : memref<32x4x1024xi32, #tpu.memory_space<hbm>> -> memref<1x1x1024xi32, #tpu.memory_space<hbm>>
      %dma_start3A_170 = tpu.memref_squeeze %dma_start3A_169 : memref<1x1x1024xi32, #tpu.memory_space<hbm>> -> memref<1024xi32, #tpu.memory_space<hbm>>
      %dma_start3A_171 = arith.constant 2048 : i32
      %dma_start3A_172 = tpu.memref_slice %arg9[%dma_start3A_171] : memref<4096xi32, #tpu.memory_space<vmem>> -> memref<1024xi32, #tpu.memory_space<vmem>>
      tpu.enqueue_dma source(%dma_start3A_172 : memref<1024xi32, #tpu.memory_space<vmem>>) target(%dma_start3A_170 : memref<1024xi32, #tpu.memory_space<hbm>>) target_semaphore(%run_scoped3A_162 : memref<!tpu.dma_semaphore, #tpu.memory_space<semaphore_mem>>)
      %dma_wait3A = arith.constant 2048 : i32
      %dma_wait3A_173 = tpu.memref_slice %arg9[%dma_wait3A] : memref<4096xi32, #tpu.memory_space<vmem>> -> memref<1024xi32, #tpu.memory_space<vmem>>
      %dma_wait3A_174 = arith.constant 0 : i32
      %dma_wait3A_175 = tpu.memref_slice %arg4[%add3A, %run_scoped3A_160, %dma_wait3A_174] : memref<32x4x1024xi32, #tpu.memory_space<hbm>> -> memref<1x1x1024xi32, #tpu.memory_space<hbm>>
      %dma_wait3A_176 = tpu.memref_squeeze %dma_wait3A_175 : memref<1x1x1024xi32, #tpu.memory_space<hbm>> -> memref<1024xi32, #tpu.memory_space<hbm>>
      %dma_wait3A_177 = arith.constant 0 : i32
      %dma_wait3A_178 = tpu.memref_slice %arg4[%add3A, %run_scoped3A_160, %dma_wait3A_177] : memref<32x4x1024xi32, #tpu.memory_space<hbm>> -> memref<1x1x1024xi32, #tpu.memory_space<hbm>>
      %dma_wait3A_179 = tpu.memref_squeeze %dma_wait3A_178 : memref<1x1x1024xi32, #tpu.memory_space<hbm>> -> memref<1024xi32, #tpu.memory_space<hbm>>
      %dma_wait3A_180 = arith.constant 2048 : i32
      %dma_wait3A_181 = tpu.memref_slice %arg9[%dma_wait3A_180] : memref<4096xi32, #tpu.memory_space<vmem>> -> memref<1024xi32, #tpu.memory_space<vmem>>
      tpu.wait_dma2 semaphore(%run_scoped3A_162 : memref<!tpu.dma_semaphore, #tpu.memory_space<semaphore_mem>>) src(%dma_wait3A_181 : memref<1024xi32, #tpu.memory_space<vmem>>) dst(%dma_wait3A_179 : memref<1024xi32, #tpu.memory_space<hbm>>)
      tpu.yield
    }) : () -> ()
    %run_scoped3A_161 = arith.constant 3 : i32
    "tpu.region"() ({
      %run_scoped3A_162 = tpu.sem_alloc : memref<!tpu.dma_semaphore, #tpu.memory_space<semaphore_mem>>
      %dma_start3A_163 = arith.constant 3072 : i32
      %dma_start3A_164 = tpu.memref_slice %arg9[%dma_start3A_163] : memref<4096xi32, #tpu.memory_space<vmem>> -> memref<1024xi32, #tpu.memory_space<vmem>>
      %dma_start3A_165 = arith.constant 0 : i32
      %dma_start3A_166 = tpu.memref_slice %arg4[%add3A, %run_scoped3A_161, %dma_start3A_165] : memref<32x4x1024xi32, #tpu.memory_space<hbm>> -> memref<1x1x1024xi32, #tpu.memory_space<hbm>>
      %dma_start3A_167 = tpu.memref_squeeze %dma_start3A_166 : memref<1x1x1024xi32, #tpu.memory_space<hbm>> -> memref<1024xi32, #tpu.memory_space<hbm>>
      %dma_start3A_168 = arith.constant 0 : i32
      %dma_start3A_169 = tpu.memref_slice %arg4[%add3A, %run_scoped3A_161, %dma_start3A_168] : memref<32x4x1024xi32, #tpu.memory_space<hbm>> -> memref<1x1x1024xi32, #tpu.memory_space<hbm>>
      %dma_start3A_170 = tpu.memref_squeeze %dma_start3A_169 : memref<1x1x1024xi32, #tpu.memory_space<hbm>> -> memref<1024xi32, #tpu.memory_space<hbm>>
      %dma_start3A_171 = arith.constant 3072 : i32
      %dma_start3A_172 = tpu.memref_slice %arg9[%dma_start3A_171] : memref<4096xi32, #tpu.memory_space<vmem>> -> memref<1024xi32, #tpu.memory_space<vmem>>
      tpu.enqueue_dma source(%dma_start3A_172 : memref<1024xi32, #tpu.memory_space<vmem>>) target(%dma_start3A_170 : memref<1024xi32, #tpu.memory_space<hbm>>) target_semaphore(%run_scoped3A_162 : memref<!tpu.dma_semaphore, #tpu.memory_space<semaphore_mem>>)
      %dma_wait3A = arith.constant 3072 : i32
      %dma_wait3A_173 = tpu.memref_slice %arg9[%dma_wait3A] : memref<4096xi32, #tpu.memory_space<vmem>> -> memref<1024xi32, #tpu.memory_space<vmem>>
      %dma_wait3A_174 = arith.constant 0 : i32
      %dma_wait3A_175 = tpu.memref_slice %arg4[%add3A, %run_scoped3A_161, %dma_wait3A_174] : memref<32x4x1024xi32, #tpu.memory_space<hbm>> -> memref<1x1x1024xi32, #tpu.memory_space<hbm>>
      %dma_wait3A_176 = tpu.memref_squeeze %dma_wait3A_175 : memref<1x1x1024xi32, #tpu.memory_space<hbm>> -> memref<1024xi32, #tpu.memory_space<hbm>>
      %dma_wait3A_177 = arith.constant 0 : i32
      %dma_wait3A_178 = tpu.memref_slice %arg4[%add3A, %run_scoped3A_161, %dma_wait3A_177] : memref<32x4x1024xi32, #tpu.memory_space<hbm>> -> memref<1x1x1024xi32, #tpu.memory_space<hbm>>
      %dma_wait3A_179 = tpu.memref_squeeze %dma_wait3A_178 : memref<1x1x1024xi32, #tpu.memory_space<hbm>> -> memref<1024xi32, #tpu.memory_space<hbm>>
      %dma_wait3A_180 = arith.constant 3072 : i32
      %dma_wait3A_181 = tpu.memref_slice %arg9[%dma_wait3A_180] : memref<4096xi32, #tpu.memory_space<vmem>> -> memref<1024xi32, #tpu.memory_space<vmem>>
      tpu.wait_dma2 semaphore(%run_scoped3A_162 : memref<!tpu.dma_semaphore, #tpu.memory_space<semaphore_mem>>) src(%dma_wait3A_181 : memref<1024xi32, #tpu.memory_space<vmem>>) dst(%dma_wait3A_179 : memref<1024xi32, #tpu.memory_space<hbm>>)
      tpu.yield
    }) : () -> ()
    return
  }
}

module attributes {stable_mosaic.version = 14 : i64} {
  func.func @_tc_finish_body(%arg0: memref<128x1024xi32, #tpu.memory_space<vmem>>, %arg1: memref<1x1xf32, #tpu.memory_space<vmem>>) attributes {dimension_semantics = [], scalar_prefetch = 0 : i64, scratch_operands = 0 : i64, tpu.core_type = #tpu.core_type<tc>} {
    %get3A = arith.constant 0 : index
    %get3A_0 = arith.constant 0 : index
    %get3A_1 = vector.load %arg0[%get3A, %get3A_0] : memref<128x1024xi32, #tpu.memory_space<vmem>>, vector<128x1024xi32>
    %convert_element_type3A = arith.sitofp %get3A_1 : vector<128x1024xi32> to vector<128x1024xf32>
    %reshape3A = vector.shape_cast %convert_element_type3A : vector<128x1024xf32> to vector<2x16x4x1024xf32>
    %reduce_sum3A = arith.constant dense<0.000000e+00> : vector<2x4x1024xf32>
    %reduce_sum3A_2 = vector.multi_reduction <add>, %reshape3A, %reduce_sum3A [1] : vector<2x16x4x1024xf32> to vector<2x4x1024xf32>
    %slice3A = vector.extract_strided_slice %reduce_sum3A_2 {offsets = [0, 0, 512], sizes = [2, 4, 512], strides = [1, 1, 1]} : vector<2x4x1024xf32> to vector<2x4x512xf32>
    %reshape3A_3 = vector.shape_cast %slice3A : vector<2x4x512xf32> to vector<8x512xf32>
    %slice3A_4 = vector.extract_strided_slice %reduce_sum3A_2 {offsets = [0, 0, 0], sizes = [2, 4, 512], strides = [1, 1, 1]} : vector<2x4x1024xf32> to vector<2x4x512xf32>
    %reshape3A_5 = vector.shape_cast %slice3A_4 : vector<2x4x512xf32> to vector<8x512xf32>
    %add3A = arith.addf %reshape3A_5, %reshape3A_3 : vector<8x512xf32>
    %iota3A = tpu.iota {dimensions = array<i32: 0>} : vector<512x512xi32>
    %iota3A_6 = tpu.iota {dimensions = array<i32: 1>} : vector<512x512xi32>
    %ge3A = arith.cmpi sge, %iota3A, %iota3A_6 : vector<512x512xi32>
    %convert_element_type3A_7 = arith.extui %ge3A : vector<512x512xi1> to vector<512x512xi32>
    %convert_element_type3A_8 = arith.sitofp %convert_element_type3A_7 : vector<512x512xi32> to vector<512x512xf32>
    %concatenate3A = tpu.concatenate %add3A, %reshape3A_3 in 0 : vector<8x512xf32>, vector<8x512xf32> -> vector<16x512xf32>
    %dot_general3A = arith.constant dense<0.000000e+00> : vector<16x512xf32>
    %dot_general3A_9 = tpu.matmul %concatenate3A, %convert_element_type3A_8, %dot_general3A {dimension_numbers = #tpu.dot_dimension_numbers<[1], [0], [0], [1], [0, 0, 1, 1], [], []>, transpose_lhs_hint = false} : vector<16x512xf32>, vector<512x512xf32>, vector<16x512xf32> -> vector<16x512xf32>
    %slice3A_10 = vector.extract_strided_slice %dot_general3A_9 {offsets = [0, 0], sizes = [8, 512], strides = [1, 1]} : vector<16x512xf32> to vector<8x512xf32>
    %slice3A_11 = vector.extract_strided_slice %dot_general3A_9 {offsets = [8, 0], sizes = [8, 512], strides = [1, 1]} : vector<16x512xf32> to vector<8x512xf32>
    %slice3A_12 = vector.extract_strided_slice %slice3A_11 {offsets = [0, 0], sizes = [8, 1], strides = [1, 1]} : vector<8x512xf32> to vector<8x1xf32>
    %add3A_13 = vector.broadcast %slice3A_12 : vector<8x1xf32> to vector<8x512xf32>
    %add3A_14 = arith.addf %add3A_13, %slice3A_10 : vector<8x512xf32>
    %sub3A = arith.subf %add3A_14, %slice3A_11 : vector<8x512xf32>
    %max3A = arith.constant 1.000000e+00 : f32
    %max3A_15 = vector.broadcast %max3A : f32 to vector<8x512xf32>
    %max3A_16 = arith.maximumf %sub3A, %max3A_15 : vector<8x512xf32>
    %sub3A_17 = vector.broadcast %slice3A_12 : vector<8x1xf32> to vector<8x512xf32>
    %sub3A_18 = arith.subf %sub3A_17, %slice3A_11 : vector<8x512xf32>
    %div3A = arith.divf %sub3A_18, %max3A_16 : vector<8x512xf32>
    %sub3A_19 = arith.constant 1.000000e+00 : f32
    %sub3A_20 = vector.broadcast %sub3A_19 : f32 to vector<8x512xf32>
    %sub3A_21 = arith.subf %sub3A_20, %div3A : vector<8x512xf32>
    %max3A_22 = arith.constant 1.000000e+00 : f32
    %max3A_23 = vector.broadcast %max3A_22 : f32 to vector<8x1xf32>
    %max3A_24 = arith.maximumf %slice3A_12, %max3A_23 : vector<8x1xf32>
    %div3A_25 = arith.divf %slice3A_12, %max3A_24 : vector<8x1xf32>
    %sub3A_26 = arith.constant 1.000000e+00 : f32
    %sub3A_27 = vector.broadcast %sub3A_26 : f32 to vector<8x1xf32>
    %sub3A_28 = arith.subf %sub3A_27, %div3A_25 : vector<8x1xf32>
    %slice3A_29 = vector.extract_strided_slice %sub3A_21 {offsets = [0, 0], sizes = [8, 1], strides = [1, 1]} : vector<8x512xf32> to vector<8x1xf32>
    %reduce_sum3A_30 = arith.constant dense<0.000000e+00> : vector<8xf32>
    %reduce_sum3A_31 = vector.multi_reduction <add>, %sub3A_21, %reduce_sum3A_30 [1] : vector<8x512xf32> to vector<8xf32>
    %broadcast_in_dim3A = vector.shape_cast %reduce_sum3A_31 : vector<8xf32> to vector<8x1xf32>
    %add3A_32 = arith.addf %broadcast_in_dim3A, %sub3A_28 : vector<8x1xf32>
    %add3A_33 = arith.addf %slice3A_29, %sub3A_28 : vector<8x1xf32>
    %mul3A = arith.constant 5.000000e-01 : f32
    %mul3A_34 = vector.broadcast %mul3A : f32 to vector<8x1xf32>
    %mul3A_35 = arith.mulf %mul3A_34, %add3A_33 : vector<8x1xf32>
    %sub3A_36 = arith.subf %add3A_32, %mul3A_35 : vector<8x1xf32>
    %div3A_37 = arith.constant 5.120000e+02 : f32
    %div3A_38 = vector.broadcast %div3A_37 : f32 to vector<8x1xf32>
    %div3A_39 = arith.divf %sub3A_36, %div3A_38 : vector<8x1xf32>
    %gt3A = arith.constant 0.000000e+00 : f32
    %gt3A_40 = vector.broadcast %gt3A : f32 to vector<8x1xf32>
    %gt3A_41 = arith.cmpf ogt, %slice3A_12, %gt3A_40 : vector<8x1xf32>
    %convert_element_type3A_42 = arith.extui %gt3A_41 : vector<8x1xi1> to vector<8x1xi32>
    %convert_element_type3A_43 = arith.sitofp %convert_element_type3A_42 : vector<8x1xi32> to vector<8x1xf32>
    %reshape3A_44 = vector.shape_cast %div3A_39 : vector<8x1xf32> to vector<2x4xf32>
    %reshape3A_45 = vector.shape_cast %convert_element_type3A_43 : vector<8x1xf32> to vector<2x4xf32>
    %mul3A_46 = arith.mulf %reshape3A_44, %reshape3A_45 : vector<2x4xf32>
    %reduce_sum3A_47 = arith.constant dense<0.000000e+00> : vector<2xf32>
    %reduce_sum3A_48 = vector.multi_reduction <add>, %mul3A_46, %reduce_sum3A_47 [1] : vector<2x4xf32> to vector<2xf32>
    %reduce_sum3A_49 = arith.constant dense<0.000000e+00> : vector<2xf32>
    %reduce_sum3A_50 = vector.multi_reduction <add>, %reshape3A_45, %reduce_sum3A_49 [1] : vector<2x4xf32> to vector<2xf32>
    %max3A_51 = arith.constant 1.000000e+00 : f32
    %max3A_52 = vector.broadcast %max3A_51 : f32 to vector<2xf32>
    %max3A_53 = arith.maximumf %reduce_sum3A_50, %max3A_52 : vector<2xf32>
    %div3A_54 = arith.divf %reduce_sum3A_48, %max3A_53 : vector<2xf32>
    %slice3A_55 = vector.extract_strided_slice %div3A_54 {offsets = [0], sizes = [1], strides = [1]} : vector<2xf32> to vector<1xf32>
    %squeeze3A = vector.extract %slice3A_55[0] : f32 from vector<1xf32>
    %slice3A_56 = vector.extract_strided_slice %div3A_54 {offsets = [1], sizes = [1], strides = [1]} : vector<2xf32> to vector<1xf32>
    %squeeze3A_57 = vector.extract %slice3A_56[0] : f32 from vector<1xf32>
    %add3A_58 = arith.addf %squeeze3A, %squeeze3A_57 : f32
    %mul3A_59 = arith.constant 5.000000e-01 : f32
    %mul3A_60 = arith.mulf %mul3A_59, %add3A_58 : f32
    %reshape3A_61 = vector.broadcast %mul3A_60 : f32 to vector<1x1xf32>
    %swap3A = arith.constant 0 : index
    %swap3A_62 = arith.constant 0 : index
    %swap3A_63 = vector.load %arg1[%swap3A, %swap3A_62] : memref<1x1xf32, #tpu.memory_space<vmem>>, vector<1x1xf32>
    tpu.vector_store %arg1[%swap3A, %swap3A_62], %reshape3A_61 {strides = array<i32>} : memref<1x1xf32, #tpu.memory_space<vmem>>, vector<1x1xf32>,
    return
  }
}

</mosaic_0001>

<sc_bundles>
// kernel: kernel.4.cloned.1.call-start
scs
__scs_entry_jumppad:
0x0: {  	(pc) =	sbr.rel $0x88, $3  }
0x1: {  	(tag) =	ssettag $0x0;
	lr =	simm.s32 $0x1  }
0x2: {  	[smem:$0x3F9F] =	sst lr;
	_ =	strace $0xD0000000  }
0x3: {  	_ = 	snop  }
0x4: {  	_ = 	snop  }
0x5: {  	_ = 	snop  }
0x6: {  	_ = 	snop  }
0x7: {  	_ = 	snop  }
__scs_overlays_trampoline_lowered:
0x8: {  	[smem:$0x3FAE] =	sst s0  }
0x9: {  	[smem:$0x3FAF] =	sst s1  }
0xa: {  	[smem:$0x3FB0] =	sst s2  }
0xb: {  	[smem:$0x3FB1] =	sst s3  }
0xc: {  	[smem:$0x3FB2] =	sst s4  }
0xd: {  	[smem:$0x3FB3] =	sst s5  }
0xe: {  	[smem:$0x3FB4] =	sst s6  }
0xf: {  	[smem:$0x3FB5] =	sst s7  }
0x10: {  	[smem:$0x3FB6] =	sst s8  }
0x11: {  	[smem:$0x3FB7] =	sst s9;
	s0 =	simm.s32 @!p0 $0x0  }
0x12: {  	s1 =	sld [smem:$0x3F9D];
	s0 =	simm.s32 @p0 $0x1  }
0x13: {  	[smem:$0x3FB8] =	sst s0;
	s0 =	simm.s32 @!p1 $0x0  }
0x14: {  	s2 =	sld [smem:$0x3F9C];
	s0 =	simm.s32 @p1 $0x1  }
0x15: {  	[smem:$0x3FB9] =	sst s0;
	s0 =	simm.s32 @!p2 $0x0  }
0x16: {  	s3 =	sld [smem:$0x3FDB];
	s0 =	simm.s32 @p2 $0x1  }
0x17: {  	s4 =	simm.s32 $0x1BF5;
	[smem:$0x3FBB] =	sst s0  }
0x18: {  	s0 =	sld [smem:$0x3F9E];
	_ =	swait.ge [sflag:s4], $0x0  }
0x19: {  	s7 =	sld [smem:$0x3F9F]  }
0x1a: {  	s8 =	sadd.s32 $0xFFFFE003, lr  }
0x1b: {  	s9 =	sadd.s32 $0xFFFFFEF7, lr;
	s5 =	simm.s32 $0xFFFFFFFF;
	p2 =	slt.u32 s8, $0xFFFFF086  }
0x1c: {  	p1 =	slt.u32 s9, $0xF7A;
	s5 =	simm.s32 @!p2 $0x0  }
0x1d: {  	s5 =	simm.s32 @p1 $0x1;
	p0 =	seq.s32 s7, s2  }
0x1e: {  	s7 =	smul.u32 @!p0 $0xF7A, s2;
	p2 =	seq.s32 @!p0 s5, $0x0  }
0x1f: {  	s9 =	smul.u32 $0xF7A, s1;
	s8 =	simm.s32 @!p0 $0x1BF5;
	p2 =	por !p2, p0  }
0x20: {  	[sflag:s8] =	ssyncset.s32 @!p0 $0xFFFFF086;
	s6 =	sadd.s32 @!p0 s3, s7;
	s7 =	simm.s32 @!p0 $0x108  }
0x21: {  	s3 =	sadd.s32 s3, s9;
	s6 =	sadd.s32 @!p0 $0x88, s6;
	s7 =	simm.s32 @p2 $0x1082  }
0x22: {  	[simem:s7], [sflag:s8] =	dma.local @!p0 [hbm:s6], $0xF7A  }
0x23: {  	s9 =	sor.u32 $0xD0000000, s2;
	s6 =	simm.s32 $0x108;
	_ =	swait.ge @!p0 [sflag:s8], $0x0  }
0x24: {  	s3 =	sadd.s32 $0x88, s3;
	s6 =	simm.s32 @!p1 $0x1082;
	[sflag:s4] =	ssyncset.s32 $0xFFFFF086  }
0x25: {  	[simem:s6], [sflag:s4] =	dma.local [hbm:s3], $0xF7A  }
0x26: {  	[smem:$0x3F9F] =	sst s1;
	(tag) =	ssettag s2;
	_ =	strace s9  }
0x27: {  	s1 =	sld [smem:$0x3FAF]  }
0x28: {  	s2 =	sld [smem:$0x3FB0]  }
0x29: {  	s4 =	sld [smem:$0x3FB2]  }
0x2a: {  	p0 =	seq.s32 s5, $0x0;
	s5 =	sld [smem:$0x3FB3]  }
0x2b: {  	s6 =	sld [smem:$0x3FB4]  }
0x2c: {  	s7 =	sld [smem:$0x3FB5]  }
0x2d: {  	s3 =	simm.s32 $0x108;
	s8 =	sld [smem:$0x3FB6]  }
0x2e: {  	s3 =	simm.s32 @!p0 $0x1082;
	s9 =	sld [smem:$0x3FB7]  }
0x2f: {  	lr =	sadd.s32 s0, s3;
	s0 =	sld [smem:$0x3FAE]  }
0x30: {  	s3 =	sld [smem:$0x3FB1]  }
0x31: {  	[smem:$0x3FBA] =	sst s10  }
0x32: {  	s10 =	sld [smem:$0x3FB8];
	_ =	sdelay $0x3  }
0x33: {  	p0 =	seq.s32 s10, $0x1;
	s10 =	sld [smem:$0x3FBA];
	_ =	sdelay $0x3  }
0x34: {  	[smem:$0x3FBA] =	sst s10  }
0x35: {  	s10 =	sld [smem:$0x3FB9];
	_ =	sdelay $0x3  }
0x36: {  	p1 =	seq.s32 s10, $0x1;
	s10 =	sld [smem:$0x3FBA];
	_ =	sdelay $0x3  }
0x37: {  	[smem:$0x3FBA] =	sst s10  }
0x38: {  	s10 =	sld [smem:$0x3FBB]  }
0x39: {  	_ = 	snop;
	(pc) =	sbr.ind lr, $3  }
0x3a: {  	_ = 	snop  }
0x3b: {  	_ = 	snop  }
0x3c: {  	p2 =	seq.s32 s10, $0x1;
	s10 =	sld [smem:$0x3FBA]  }
0x3d: {  	_ =	shalt  }
0x3e: {  	_ =	shalt  }
0x3f: {  	_ =	shalt  }
0x40: {  	_ =	shalt  }
0x41: {  	_ =	shalt  }
0x42: {  	_ =	shalt  }
0x43: {  	_ =	shalt  }
0x44: {  	_ =	shalt  }
0x45: {  	_ =	shalt  }
0x46: {  	_ =	shalt  }
0x47: {  	_ =	shalt  }
0x48: {  	_ =	shalt  }
0x49: {  	_ =	shalt  }
0x4a: {  	_ =	shalt  }
0x4b: {  	_ =	shalt  }
0x4c: {  	_ =	shalt  }
0x4d: {  	_ =	shalt  }
0x4e: {  	_ =	shalt  }
0x4f: {  	_ =	shalt  }
0x50: {  	_ =	shalt  }
0x51: {  	_ =	shalt  }
0x52: {  	_ =	shalt  }
0x53: {  	_ =	shalt  }
0x54: {  	_ =	shalt  }
0x55: {  	_ =	shalt  }
0x56: {  	_ =	shalt  }
0x57: {  	_ =	shalt  }
0x58: {  	_ =	shalt  }
0x59: {  	_ =	shalt  }
0x5a: {  	_ =	shalt  }
0x5b: {  	_ =	shalt  }
0x5c: {  	_ =	shalt  }
0x5d: {  	_ =	shalt  }
0x5e: {  	_ =	shalt  }
0x5f: {  	_ =	shalt  }
0x60: {  	_ =	shalt  }
0x61: {  	_ =	shalt  }
0x62: {  	_ =	shalt  }
0x63: {  	_ =	shalt  }
0x64: {  	_ =	shalt  }
0x65: {  	_ =	shalt  }
0x66: {  	_ =	shalt  }
0x67: {  	_ =	shalt  }
0x68: {  	_ =	shalt  }
0x69: {  	_ =	shalt  }
0x6a: {  	_ =	shalt  }
0x6b: {  	_ =	shalt  }
0x6c: {  	_ =	shalt  }
0x6d: {  	_ =	shalt  }
0x6e: {  	_ =	shalt  }
0x6f: {  	_ =	shalt  }
0x70: {  	_ =	shalt  }
0x71: {  	_ =	shalt  }
0x72: {  	_ =	shalt  }
0x73: {  	_ =	shalt  }
0x74: {  	_ =	shalt  }
0x75: {  	_ =	shalt  }
0x76: {  	_ =	shalt  }
0x77: {  	_ =	shalt  }
0x78: {  	_ =	shalt  }
0x79: {  	_ =	shalt  }
0x7a: {  	_ =	shalt  }
0x7b: {  	_ =	shalt  }
0x7c: {  	_ =	shalt  }
0x7d: {  	_ =	shalt  }
0x7e: {  	_ =	shalt  }
0x7f: {  	_ =	shalt  }
0x80: {  	_ =	shalt  }
0x81: {  	_ =	shalt  }
0x82: {  	_ =	shalt  }
0x83: {  	_ =	shalt  }
0x84: {  	_ =	shalt  }
0x85: {  	_ =	shalt  }
0x86: {  	_ =	shalt  }
0x87: {  	_ =	shalt  }
.Lfunc_end0:
.L_simem_size_0:
called_computation_lowered:
.L_overlay_start_0:
0x88: {  	s2 =	sld [smem:$0x3FD9]  }
0x89: {  	s3 =	sld [smem:$0x3FFE];
	_ =	sdelay $0x1  }
0x8a: {  	s1 =	srdreg.scid  }
0x8b: {  	s0 =	sand.u32 $0x1, s1  }
0x8c: {  	s17 =	sshll.u32 s0, $0xA;
	s2 =	sadd.s32 s3, s2  }
0x8d: {  	s2 =	sadd.s32 s2, s17  }
0x8e: {  	[smem:$0x3FC6] =	sst s2  }
0x8f: {  	_ = 	snop  }
0x90: {  	s2 =	sld [smem:$0x3FC9]  }
0x91: {  	s18 =	sld [smem:$0x3FC8];
	(tm) =	ssettm $0x1  }
0x92: {  	s4 =	sld [smem:$0x3FFB];
	_ =	sdelay $0x3  }
0x93: {  	_ =	strace s4  }
0x94: {  	s4 =	sld [smem:$0x3FFC];
	_ =	sdelay $0x3  }
0x95: {  	_ =	strace s4  }
0x96: {  	s4 =	sld [smem:$0x3FFD];
	_ =	sdelay $0x3  }
0x97: {  	_ =	strace s4  }
0x98: {  	_ =	strace $0x8FFFFFFF  }
0x99: {  	s19 =	sld [smem:$0x3FDB];
	_ =	sdelay $0x1  }
0x9a: {  	s5 =	simm.s32 $_scs_section_size  }
0x9b: {  	s6 =	simm.s32 $_size__tile_overlayer_lowered;
	s7 =	simm.s32 $_tile_overlayer_lowered  }
0x9c: {  	s22 =	simm.s32 $0x1BFF;
	s21 =	sshll.u32 s7, $0x1;
	s4 =	sadd.s32 s5, s19  }
0x9d: {  	s8 =	simm.s32 $0x0;
	s20 =	sshll.u32 s6, $0x1;
	s6 =	sadd.s32 s21, s4  }
0x9e: {  	[timem:s8], [sflag:s22] =	dma.local [hbm:s6], s20  }
0x9f: {  	_ =	swait.ge [sflag:s22], s20  }
0xa0: {  	s5 =	ssub.s32 $0x0, s20;
	[sflag:s22] =	ssyncset.done $0x0  }
0xa1: {  	[sflag:s22] =	ssyncadd.s32 s5;
	_ =	sdelay $0x1  }
0xa2: {  	s23 =	simm.s32 $0x1B8B  }
0xa3: {  	_ =	swait.ge [sflag:s23], $0x1  }
0xa4: {  	[sflag:s23] =	ssyncset.done $0x0  }
0xa5: {  	s25 =	simm.s32 $0x1B8E;
	s24 =	sld [smem:$0x3FFE];
	[sflag:s23] =	ssyncadd.s32 $0xFFFFFFFF  }
0xa6: {  	s26 =	simm.s32 $execute0_lowered;
	[smem:$0x3FD2] =	sst s25  }
0xa7: {  	s6 =	sshll.u32 s26, $0x1;
	_ =	strace $0x80000046;
	[dreg:$0x1] =	wrdreg $0xFFFFFFFF  }
0xa8: {  	s28 =	simm.s32 $_size_execute0_lowered;
	s4 =	sadd.s32 s4, s6;
	[dreg:$0x0] =	wrdreg $0x0  }
0xa9: {  	s6 =	sshll.u32 s28, $0x1;
	[dreg:$0x2] =	wrdreg s4  }
0xaa: {  	[dreg:$0x3] =	wrdreg s6  }
0xab: {  	[dreg:$0x4] =	wrdreg $0xC0  }
0xac: {  	_ =	task [dreg:s8], $0x5FFFF  }
0xad: {  	[dreg:$0x1] =	wrdreg $0xFFFFFFFF  }
0xae: {  	[dreg:$0x0] =	wrdreg $0x60  }
0xaf: {  	[dreg:$0x2] =	wrdreg s2  }
0xb0: {  	[dreg:$0x3] =	wrdreg s18  }
0xb1: {  	[dreg:$0x4] =	wrdreg s24  }
0xb2: {  	[dreg:$0x5] =	wrdreg $0x9  }
0xb3: {  	_ =	task.clear_ibuf [dreg:s8], $0x6FFFF;
	_ =	strace $0x90000046  }
0xb4: {  	s29 =	simm.s32 $0x9;
	_ =	strace $0x80000048  }
0xb5: {  	_ =	swait.ge [sflag:s29], $0x1  }
0xb6: {  	[sflag:s29] =	ssyncadd.s32 $0xFFFFFFFF  }
0xb7: {  	_ =	strace $0x90000048  }
0xb8: {  	_ =	sfence  }
0xb9: {  	s30 =	sld [smem:$0x0];
	_ =	sdelay $0x2  }
0xba: {  	s31 =	sshll.u32 s1, $0xD;
	s1 =	sshrl.u32 s1, $0x2  }
0xbb: {  	s3 =	sand.u32 $0x4000, s31;
	s1 =	sadd.s32 s1, s30  }
0xbc: {  	s0 =	sor.u32 s3, s0;
	s1 =	sshll.u32 s1, $0x11  }
0xbd: {  	s0 =	sor.u32 s1, s0  }
0xbe: {  	s0 =	sadd.s32 $0x8F2B, s0  }
0xbf: {  	[sflag:s0] =	ssyncadd.remote.s32 $0x1  }
0xc0: {  	_ =	sfence.sel $0xFFFF  }
0xc1: {  	[dreg:$0x0] =	wrdreg $0xFFFFFFFF;
	(pc) =	sbr.abs _section_cstart, $3  }
0xc2: {  	[dreg:$0x1] =	wrdreg $0xFFFFFFFF  }
0xc3: {  	_ =	task.clear_ibuf [dreg:s8], $0x2FFFF;
	_ =	strace $0x9FFFFFFF  }
0xc4: {  	(tm) =	ssettm $0x7FFFFFFF  }
0xc5: {  	_ =	shalt  }
tec
execute0_lowered:
.L_overlay_start_1:
0x0: {  	(tag) =	ssettag $0x1  }
0x1: {  	s1 =	rddreg [dreg:$0x0]  }
0x2: {  	s3 =	rddreg [dreg:$0x1]  }
0x3: {  	s0 =	rddreg [dreg:$0x2]  }
0x4: {  	s2 =	srdreg.scid;
	s7 =	stileid.u32;
	s4 =	simm.s32 $0x0  }
0x5: {  	s28 =	simm.s32 $0x4000;
	s29 =	simm.s32 $0x5000;
	s30 =	simm.s32 $0x6000  }
0x6: {  	s31 =	simm.s32 $0x7000;
	s2 =	sand.u32 $0x1, s2;
	s5 =	sshll.u32 s7, $0x1  }
0x7: {  	[smem:$0x7FF] =	sst s4;
	s7 =	sshrl.u32 s7, $0x3;
	s5 =	sor.u32 s2, s5  }
0x8: {  	_ =	strace $0x80000047;
	s2 =	ssub.s32 $0x2, s2;
	s6 =	sshll.u32 s5, $0x9  }
0x9: {  	s8 =	sshll.u32 s5, $0x10;
	s5 =	sshll.u32 s7, $0x16;
	s9 =	sshrl.u32 s2, $0x1  }
0xa: {  	s0 =	sadd.s32 s6, s0;
	s12 =	sand.u32 $0xF0000, s8;
	s6 =	sor.u32 $0x100000, s5  }
0xb: {  	s2 =	ssub.s32 s2, s9;
	s10 =	sor.u32 s5, s12;
	s11 =	sor.u32 s6, s8  }
0xc: {  	s15 =	sor.u32 $0x2000, s12;
	s26 =	sadd.s32 $0x400, s0;
	s17 =	sadd.s32 $0x410, s0  }
0xd: {  	s18 =	sshrl.u32 s10, $0x3;
	s19 =	sshrl.u32 s11, $0x3;
	s10 =	sor.u32 $0x300000, s5  }
0xe: {  	s11 =	sshll.u32 s7, $0x14;
	[dreg:$0x9] =	wrdreg s26;
	s26 =	simm.s32 $0x1  }
0xf: {  	s9 =	sadd.s32 s1, s18;
	s20 =	sadd.s32 s1, s19;
	s8 =	sor.u32 s10, s8  }
0x10: {  	s22 =	sor.u32 s11, s12;
	s18 =	sadd.s32 $0x420, s0;
	[dreg:$0x4] =	wrdreg s9  }
0x11: {  	s19 =	sadd.s32 $0x430, s0;
	s0 =	simm.s32 $0x9000;
	[dreg:$0x5] =	wrdreg s20  }
0x12: {  	s9 =	sor.u32 $0x200000, s5;
	s23 =	sshrl.u32 s8, $0x3;
	s24 =	sshrl.u32 s22, $0x3  }
0x13: {  	s20 =	smax.u32 s2, $0x1;
	s2 =	simm.s32 $0xA000;
	s13 =	sor.u32 s9, s12  }
0x14: {  	s22 =	simm.s32 $0x2;
	s25 =	sadd.s32 s3, s24;
	s21 =	sshrl.u32 s13, $0x3  }
0x15: {  	s24 =	simm.s32 $0x200;
	[dreg:$0x8] =	wrdreg s25;
	s7 =	sadd.s32 s1, s21  }
0x16: {  	s25 =	simm.s32 $0x3;
	[dreg:$0x6] =	wrdreg s7;
	s7 =	sadd.s32 s1, s23  }
0x17: {  	v0 =	vimm.s32 $0x0;
	v1 =	vimm.s32 $0x1;
	s21 =	sor.u32 $0x1000, s12;
	s23 =	simm.s32 $0x80;
	[dreg:$0x7] =	wrdreg s7  }
.LBB2_1:
0x18: {  	s7 =	simm.s32 $0x0;
	s8 =	simm.s32 $0x200  }
.LBB2_2:
0x19: {  	p0 =	sne.s32 s8, $0x3E00;
	[tilespmem:s7+$0xA070] =	vst v0  }
0x1a: {  	[tilespmem:s7+$0xA000] =	vst v0  }
0x1b: {  	[tilespmem:s7+$0xA010] =	vst v0  }
.Ltmp0:
0x1c: {  	[tilespmem:s7+$0xA020] =	vst v0;
	(pc) =	sbr.rel @p0 .LBB2_2-.Ltmp0, $4  }
0x1d: {  	[tilespmem:s7+$0xA030] =	vst v0  }
0x1e: {  	[tilespmem:s7+$0xA040] =	vst v0  }
0x1f: {  	[tilespmem:s7+$0xA050] =	vst v0  }
0x20: {  	[tilespmem:s7+$0xA060] =	vst v0;
	s7 =	sshra.s32 s8, $0x2;
	s8 =	sadd.s32 $0x200, s8  }
0x21: {  	[tilespmem:s7+$0xA070] =	vst v0  }
0x22: {  	[tilespmem:s7+$0xA000] =	vst v0  }
0x23: {  	[tilespmem:s7+$0xA010] =	vst v0  }
0x24: {  	[tilespmem:s7+$0xA020] =	vst v0  }
0x25: {  	[tilespmem:s7+$0xA030] =	vst v0  }
0x26: {  	[tilespmem:s7+$0xA040] =	vst v0  }
0x27: {  	[tilespmem:s7+$0xA050] =	vst v0  }
0x28: {  	[tilespmem:s7+$0xA060] =	vst v0;
	s7 =	simm.s32 $0x0;
	s8 =	rddreg [dreg:$0x4]  }
0x29: {  	[tilespmem:s7], [sflag:$0x1] =	stream.linear.gather [hbm4b:s8+s7], $0x1000, $0x38;
	[tilespmem:$0xB000] =	vst v63  }
0x2a: {  	s13 =	rddreg [dreg:$0x5];
	s12 =	simm.s32 $0x1000  }
0x2b: {  	[tilespmem:s12], [sflag:$0x1] =	stream.linear.gather [hbm4b:s13+s7], $0x1000, $0x38;
	[tilespmem:$0xB000] =	vst v63  }
0x2c: {  	s14 =	rddreg [dreg:$0x6];
	s16 =	simm.s32 $0x2000  }
0x2d: {  	[tilespmem:s16], [sflag:$0x1] =	stream.linear.gather [hbm4b:s14+s7], $0x1000, $0x38;
	[tilespmem:$0xB000] =	vst v63  }
0x2e: {  	s12 =	rddreg [dreg:$0x7];
	s13 =	simm.s32 $0x3000  }
0x2f: {  	[tilespmem:s13], [sflag:$0x1] =	stream.linear.gather [hbm4b:s12+s7], $0x1000, $0x38;
	[tilespmem:$0xB000] =	vst v63  }
0x30: {  	s8 =	simm.s32 $0x0;
	s14 =	rddreg [dreg:$0x8];
	s16 =	simm.s32 $0x8000  }
0x31: {  	[tilespmem:s16], [sflag:$0x1] =	stream.linear.gather [hbm4b:s14+s7], $0x1000, $0x38;
	[tilespmem:$0xB000] =	vst v63  }
.LBB2_4:
0x32: {  	_ =	swait.ge [sflag:s26], $0x1000  }
0x33: {  	[sflag:s26] =	ssyncset.done $0x0  }
0x34: {  	[sflag:s26] =	ssyncadd.s32 $0xFFFFF000  }
0x35: {  	_ =	swait.ge [sflag:s26], $0x1000  }
0x36: {  	[sflag:s26] =	ssyncset.done $0x0  }
0x37: {  	[sflag:s26] =	ssyncadd.s32 $0xFFFFF000  }
0x38: {  	_ =	swait.ge [sflag:s26], $0x1000  }
0x39: {  	[sflag:s26] =	ssyncset.done $0x0  }
0x3a: {  	[sflag:s26] =	ssyncadd.s32 $0xFFFFF000  }
0x3b: {  	_ =	swait.ge [sflag:s26], $0x1000  }
0x3c: {  	s12 =	sshll.u32 s8, $0xD;
	[sflag:s26] =	ssyncset.done $0x0  }
0x3d: {  	s13 =	sor.u32 s21, s12;
	[sflag:s26] =	ssyncadd.s32 $0xFFFFF000  }
0x3e: {  	s14 =	sor.u32 s5, s13;
	_ =	swait.ge [sflag:s26], $0x1000  }
0x3f: {  	s14 =	sshrl.u32 s14, $0x3;
	[sflag:s26] =	ssyncset.done $0x0  }
0x40: {  	s16 =	sor.u32 s6, s13;
	s14 =	sadd.s32 s1, s14;
	[sflag:s26] =	ssyncadd.s32 $0xFFFFF000  }
0x41: {  	[tilespmem:s28], [sflag:$0x2] =	stream.linear.gather [hbm4b:s14+s7], $0x1000, $0x38;
	[tilespmem:$0xB000] =	vst v63  }
0x42: {  	s14 =	sshrl.u32 s16, $0x3  }
0x43: {  	s16 =	sor.u32 s9, s13;
	s14 =	sadd.s32 s1, s14  }
0x44: {  	[tilespmem:s29], [sflag:$0x2] =	stream.linear.gather [hbm4b:s14+s7], $0x1000, $0x38;
	[tilespmem:$0xB000] =	vst v63  }
0x45: {  	s14 =	sshrl.u32 s16, $0x3  }
0x46: {  	s16 =	sor.u32 s10, s13;
	s14 =	sadd.s32 s1, s14  }
0x47: {  	[tilespmem:s30], [sflag:$0x2] =	stream.linear.gather [hbm4b:s14+s7], $0x1000, $0x38;
	[tilespmem:$0xB000] =	vst v63  }
0x48: {  	s13 =	sor.u32 s11, s13;
	s14 =	sshrl.u32 s16, $0x3  }
0x49: {  	s13 =	sshrl.u32 s13, $0x3;
	s14 =	sadd.s32 s1, s14  }
0x4a: {  	[tilespmem:s31], [sflag:$0x2] =	stream.linear.gather [hbm4b:s14+s7], $0x1000, $0x38;
	[tilespmem:$0xB000] =	vst v63  }
0x4b: {  	s13 =	sadd.s32 s3, s13  }
0x4c: {  	[tilespmem:s0], [sflag:$0x2] =	stream.linear.gather [hbm4b:s13+s7], $0x1000, $0x38;
	[tilespmem:$0xB000] =	vst v63  }
0x4d: {  	s13 =	simm.s32 $0x0  }
.LBB2_5:
0x4e: {  	s14 =	sshra.s32 s13, $0x2  }
0x4f: {  	v2 =	vld [tilespmem:s14+$0x0]  }
0x50: {  	v3 =	vld [tilespmem:s14+$0x1000]  }
0x51: {  	v4 =	vld [tilespmem:s14+$0x2000]  }
0x52: {  	v5 =	vld [tilespmem:s14+$0x3000]  }
0x53: {  	v6 =	vld [tilespmem:s14+$0x10]  }
0x54: {  	v7 =	vld [tilespmem:s14+$0x1010];
	v2 =	vmul.f32 $1.442695020e+00, v2  }
0x55: {  	v8 =	vld [tilespmem:s14+$0x2010];
	v3 =	vmul.f32 $1.442695020e+00, v3  }
0x56: {  	v57 =	vld [tilespmem:s14+$0x3010];
	(erf) = vpow2.f32 v2;
	v2 =	vmul.f32 $1.442695020e+00, v4  }
0x57: {  	v58 =	vld [tilespmem:s14+$0x20];
	(erf) = vpow2.f32 v3;
	v3 =	vmul.f32 $1.442695020e+00, v5  }
0x58: {  	v59 =	vld [tilespmem:s14+$0x1020];
	(erf) = vpow2.f32 v2;
	v2 =	vmul.f32 $1.442695020e+00, v6  }
0x59: {  	v60 =	vld [tilespmem:s14+$0x2020];
	(erf) = vpow2.f32 v3;
	v3 =	vmul.f32 $1.442695020e+00, v7  }
0x5a: {  	v61 =	vld [tilespmem:s14+$0x3020];
	(erf) = vpow2.f32 v2;
	v2 =	vmul.f32 $1.442695020e+00, v8  }
0x5b: {  	v62 =	vld [tilespmem:s14+$0x30];
	(erf) = vpow2.f32 v3;
	v3 =	vmul.f32 $1.442695020e+00, v57  }
0x5c: {  	v63 =	vld [tilespmem:s14+$0x1030];
	(erf) = vpow2.f32 v2;
	v2 =	vmul.f32 $1.442695020e+00, v58  }
0x5d: {  	v12 =	vld [tilespmem:s14+$0x2030];
	(erf) = vpow2.f32 v3;
	v3 =	vmul.f32 $1.442695020e+00, v59  }
0x5e: {  	v13 =	vld [tilespmem:s14+$0x3030];
	(erf) = vpow2.f32 v2;
	v2 =	vmul.f32 $1.442695020e+00, v60  }
0x5f: {  	v14 =	vld [tilespmem:s14+$0x40];
	v28 =	vpop (erf);
	(erf) = vpow2.f32 v3;
	v3 =	vmul.f32 $1.442695020e+00, v61  }
0x60: {  	v18 =	vld [tilespmem:s14+$0x1040];
	v17 =	vpop (erf);
	(erf) = vpow2.f32 v2;
	v2 =	vmul.f32 $1.442695020e+00, v62  }
0x61: {  	v19 =	vld [tilespmem:s14+$0x2040];
	v10 =	vpop (erf);
	(erf) = vpow2.f32 v3;
	v3 =	vmul.f32 $1.442695020e+00, v63  }
0x62: {  	v20 =	vld [tilespmem:s14+$0x3040];
	v33 =	vpop (erf);
	(erf) = vpow2.f32 v2;
	v2 =	vmul.f32 $1.442695020e+00, v12  }
0x63: {  	v21 =	vld [tilespmem:s14+$0x50];
	v32 =	vpop (erf);
	(erf) = vpow2.f32 v3;
	v3 =	vmul.f32 $1.442695020e+00, v13  }
0x64: {  	v22 =	vld [tilespmem:s14+$0x1050];
	v31 =	vpop (erf);
	(erf) = vpow2.f32 v2;
	v2 =	vmul.f32 $1.442695020e+00, v14  }
0x65: {  	v23 =	vld [tilespmem:s14+$0x2050];
	v30 =	vpop (erf);
	(erf) = vpow2.f32 v3;
	v3 =	vmul.f32 $1.442695020e+00, v18  }
0x66: {  	v34 =	vld [tilespmem:s14+$0x3050];
	v29 =	vpop (erf);
	(erf) = vpow2.f32 v2;
	v2 =	vmul.f32 $1.442695020e+00, v19  }
0x67: {  	v35 =	vld [tilespmem:s14+$0x60];
	v27 =	vpop (erf);
	(erf) = vpow2.f32 v3;
	v3 =	vmul.f32 $1.442695020e+00, v20  }
0x68: {  	v36 =	vld [tilespmem:s14+$0x1060];
	v26 =	vpop (erf);
	(erf) = vpow2.f32 v2;
	v2 =	vmul.f32 $1.442695020e+00, v21  }
0x69: {  	v37 =	vld [tilespmem:s14+$0x2060];
	v25 =	vpop (erf);
	(erf) = vpow2.f32 v3;
	v3 =	vmul.f32 $1.442695020e+00, v22  }
0x6a: {  	v38 =	vld [tilespmem:s14+$0x3060];
	v24 =	vpop (erf);
	(erf) = vpow2.f32 v2;
	v2 =	vmul.f32 $1.442695020e+00, v23  }
0x6b: {  	v39 =	vld [tilespmem:s14+$0x70];
	v23 =	vpop (erf);
	(erf) = vpow2.f32 v3;
	v3 =	vmul.f32 $1.442695020e+00, v34  }
0x6c: {  	v40 =	vld [tilespmem:s14+$0x1070];
	v22 =	vpop (erf);
	(erf) = vpow2.f32 v2;
	v2 =	vmul.f32 $1.442695020e+00, v35  }
0x6d: {  	v21 =	vpop (erf);
	(erf) = vpow2.f32 v3;
	v3 =	vmul.f32 $1.442695020e+00, v36  }
0x6e: {  	v41 =	vld [tilespmem:s14+$0x2070];
	v20 =	vpop (erf);
	(erf) = vpow2.f32 v2;
	v2 =	vmul.f32 $1.442695020e+00, v37  }
0x6f: {  	v42 =	vld [tilespmem:s14+$0x3070];
	v19 =	vpop (erf);
	(erf) = vpow2.f32 v3;
	v3 =	vmul.f32 $1.442695020e+00, v38  }
0x70: {  	v18 =	vpop (erf);
	(erf) = vpow2.f32 v2;
	v2 =	vmul.f32 $1.442695020e+00, v39  }
0x71: {  	v16 =	vpop (erf);
	(erf) = vpow2.f32 v3;
	v3 =	vmul.f32 $1.442695020e+00, v40  }
0x72: {  	v15 =	vpop (erf);
	(erf) = vpow2.f32 v2  }
0x73: {  	v2 =	vmul.f32 $1.442695020e+00, v41;
	v14 =	vpop (erf);
	(erf) = vpow2.f32 v3  }
0x74: {  	v3 =	vmul.f32 $1.442695020e+00, v42;
	v13 =	vpop (erf)  }
0x75: {  	v43 =	vadd.f32 v33, v10;
	v44 =	vadd.f32 v29, v30;
	(erf) = vpow2.f32 v2;
	v12 =	vpop (erf)  }
0x76: {  	v45 =	vadd.f32 v26, v27;
	v2 =	vadd.f32 v17, v28;
	(erf) = vpow2.f32 v3;
	v11 =	vpop (erf)  }
0x77: {  	v34 =	vadd.f32 v24, v25;
	v3 =	vadd.f32 v31, v32;
	v9 =	vpop (erf)  }
0x78: {  	v35 =	vadd.f32 v22, v23;
	v2 =	vadd.f32 v43, v2;
	v8 =	vpop (erf)  }
0x79: {  	v36 =	vadd.f32 v20, v21;
	v46 =	vadd.f32 v44, v3;
	v7 =	vpop (erf)  }
0x7a: {  	v34 =	vadd.f32 v34, v45;
	v6 =	vpop (erf);
	(erf) = vrcp.f32 v2  }
0x7b: {  	v35 =	vadd.f32 v36, v35;
	v5 =	vpop (erf);
	(erf) = vrcp.f32 v46  }
0x7c: {  	v47 =	vadd.f32 v18, v19;
	v37 =	vadd.f32 v15, v16;
	v3 =	vpop (erf);
	(erf) = vrcp.f32 v34  }
0x7d: {  	v38 =	vadd.f32 v13, v14;
	v39 =	vadd.f32 v11, v12  }
0x7e: {  	v48 =	vadd.f32 v37, v47;
	v40 =	vadd.f32 v8, v9;
	v4 =	vpop (erf);
	(erf) = vrcp.f32 v35  }
0x7f: {  	v56 =	vld [tilespmem:s14+$0x8000];
	v49 =	vadd.f32 v39, v38;
	v41 =	vadd.f32 v6, v7;
	v2 =	vpop (erf)  }
0x80: {  	v51 =	vadd.f32 v3, v5;
	v52 =	vadd.f32 v2, v4  }
0x81: {  	v50 =	vadd.f32 v41, v40;
	(erf) = vrcp.f32 v48  }
0x82: {  	v48 =	vld [tilespmem:s14+$0x8010];
	(erf) = vrcp.f32 v49;
	v34 =	vadd.f32 v52, v51  }
0x83: {  	(erf) = vrcp.f32 v50;
	v53 =	vpop (erf)  }
0x84: {  	vm0 =	veq.s32 v56, $0x0;
	(erf) = vrcp.f32 v34;
	v54 =	vpop (erf);
	v34 =	vmul.f32 $5.120000000e+02, v53  }
0x85: {  	vm9 =	veq.s32 v56, $0x1;
	vm10 =	veq.s32 v56, $0x2;
	v55 =	vpop (erf);
	v35 =	vmul.f32 $5.120000000e+02, v54  }
0x86: {  	vm11 =	veq.s32 v56, $0x3;
	v59 =	vmul.f32 v34, v28;
	v36 =	vmul.f32 $5.120000000e+02, v55  }
0x87: {  	vm12 =	veq.s32 v48, $0x0;
	v57 =	vpop (erf);
	v43 =	vmul.f32 v34, v17;
	v44 =	vmul.f32 v34, v10  }
0x88: {  	vm13 =	veq.s32 v48, $0x1;
	v34 =	vmul.f32 v34, v33;
	v38 =	vmul.f32 $5.120000000e+02, v57  }
0x89: {  	vm14 =	veq.s32 v48, $0x2;
	v52 =	vmul.f32 v35, v32;
	v31 =	vmul.f32 v35, v31  }
0x8a: {  	vm15 =	veq.s32 v48, $0x3;
	v58 =	vpop (erf);
	v30 =	vmul.f32 v35, v30;
	v29 =	vmul.f32 v35, v29  }
0x8b: {  	v39 =	vmul.f32 $5.120000000e+02, v58;
	v42 =	vsub.f32 $1.024000000e+03, v59;
	v63 =	vsub.f32 $1.024000000e+03, v43  }
0x8c: {  	v47 =	vsub.f32 $1.024000000e+03, v44;
	v27 =	vmul.f32 v36, v27;
	v26 =	vmul.f32 v36, v26  }
0x8d: {  	v60 =	vpop (erf);
	v51 =	vsub.f32 $1.024000000e+03, v34;
	v25 =	vmul.f32 v36, v25;
	v24 =	vmul.f32 v36, v24  }
0x8e: {  	v28 =	vmul.f32 $5.120000000e+02, v60;
	v54 =	vsub.f32 $1.024000000e+03, v52;
	v55 =	vsub.f32 $1.024000000e+03, v31  }
0x8f: {  	v56 =	vsub.f32 $1.024000000e+03, v30;
	v23 =	vmul.f32 v38, v23;
	v22 =	vmul.f32 v38, v22  }
0x90: {  	v61 =	vpop (erf);
	v58 =	vsub.f32 $1.024000000e+03, v29;
	v21 =	vmul.f32 v38, v21;
	v20 =	vmul.f32 v38, v20  }
0x91: {  	v17 =	vmul.f32 $5.120000000e+02, v61;
	v40 =	vsel vm0, v42, v59;
	v46 =	vsel vm9, v63, v43  }
0x92: {  	v50 =	vsel vm10, v47, v44;
	v34 =	vsel vm11, v51, v34;
	v59 =	vsub.f32 $1.024000000e+03, v27  }
0x93: {  	v60 =	vsub.f32 $1.024000000e+03, v26;
	v19 =	vmul.f32 v39, v19;
	v18 =	vmul.f32 v39, v18  }
0x94: {  	v61 =	vsub.f32 $1.024000000e+03, v25;
	v16 =	vmul.f32 v39, v16;
	v15 =	vmul.f32 v39, v15  }
0x95: {  	v63 =	vsub.f32 $1.024000000e+03, v24;
	v40 =	vtrunc.f32 v40;
	v49 =	vtrunc.f32 v46  }
0x96: {  	v41 =	vtrunc.f32 v50;
	v34 =	vtrunc.f32 v34;
	v37 =	vsel vm12, v54, v52  }
0x97: {  	v31 =	vsel vm13, v55, v31;
	v14 =	vmul.f32 v28, v14;
	v13 =	vmul.f32 v28, v13  }
0x98: {  	v57 =	vld [tilespmem:s14+$0x8020];
	v30 =	vsel vm14, v56, v30;
	v12 =	vmul.f32 v28, v12;
	v11 =	vmul.f32 v28, v11  }
0x99: {  	v29 =	vsel vm15, v58, v29;
	v33 =	vcvt.f32.s32 v40;
	v40 =	vcvt.f32.s32 v49  }
0x9a: {  	v42 =	vsub.f32 $1.024000000e+03, v22;
	v53 =	vcvt.f32.s32 v41;
	v34 =	vcvt.f32.s32 v34  }
0x9b: {  	v43 =	vsub.f32 $1.024000000e+03, v21;
	v37 =	vtrunc.f32 v37;
	v31 =	vtrunc.f32 v31  }
0x9c: {  	v45 =	vsub.f32 $1.024000000e+03, v20;
	v30 =	vtrunc.f32 v30;
	v29 =	vtrunc.f32 v29  }
0x9d: {  	vm4 =	veq.s32 v57, $0x0;
	vm5 =	veq.s32 v57, $0x1;
	vm6 =	veq.s32 v57, $0x2  }
0x9e: {  	vm7 =	veq.s32 v57, $0x3;
	v41 =	vsub.f32 $1.024000000e+03, v23;
	v9 =	vmul.f32 v17, v9  }
0x9f: {  	v62 =	vpop (erf);
	v46 =	vsub.f32 $1.024000000e+03, v19;
	v8 =	vmul.f32 v17, v8;
	v7 =	vmul.f32 v17, v7  }
0xa0: {  	v47 =	vsub.f32 $1.024000000e+03, v18;
	v6 =	vmul.f32 v17, v6;
	v10 =	vmul.f32 $5.120000000e+02, v62  }
0xa1: {  	v48 =	vsub.f32 $1.024000000e+03, v16;
	v37 =	vcvt.f32.s32 v37;
	v31 =	vcvt.f32.s32 v31  }
0xa2: {  	v50 =	vsub.f32 $1.024000000e+03, v15;
	v30 =	vcvt.f32.s32 v30;
	v29 =	vcvt.f32.s32 v29  }
0xa3: {  	v27 =	vsel vm4, v59, v27;
	v26 =	vsel vm5, v60, v26;
	v25 =	vsel vm6, v61, v25  }
0xa4: {  	v24 =	vsel vm7, v63, v24;
	v51 =	vsub.f32 $1.024000000e+03, v14;
	v54 =	vsub.f32 $1.024000000e+03, v13  }
0xa5: {  	v55 =	vsub.f32 $1.024000000e+03, v12;
	v28 =	vsub.f32 $1.024000000e+03, v11;
	v32 =	vadd.s32 $0x400, v40  }
0xa6: {  	v44 =	vld [tilespmem:s14+$0x8040];
	v40 =	vadd.s32 $0x800, v53;
	v34 =	vadd.s32 $0xC00, v34;
	v27 =	vtrunc.f32 v27  }
0xa7: {  	v26 =	vtrunc.f32 v26;
	v25 =	vtrunc.f32 v25;
	v56 =	vsub.f32 $1.024000000e+03, v9  }
0xa8: {  	v24 =	vtrunc.f32 v24;
	v57 =	vsub.f32 $1.024000000e+03, v8;
	v58 =	vsub.f32 $1.024000000e+03, v7  }
0xa9: {  	v59 =	vsub.f32 $1.024000000e+03, v6;
	v31 =	vadd.s32 $0x400, v31;
	v30 =	vadd.s32 $0x800, v30  }
0xaa: {  	v29 =	vadd.s32 $0xC00, v29;
	v27 =	vcvt.f32.s32 v27;
	v26 =	vcvt.f32.s32 v26  }
0xab: {  	v25 =	vcvt.f32.s32 v25;
	v24 =	vcvt.f32.s32 v24;
	vm12 =	veq.s32 v44, $0x0  }
0xac: {  	vm13 =	veq.s32 v44, $0x1;
	vm14 =	veq.s32 v44, $0x2;
	v5 =	vmul.f32 v10, v5  }
0xad: {  	v49 =	vld [tilespmem:s14+$0x8050];
	vm15 =	veq.s32 v44, $0x3;
	v3 =	vmul.f32 v10, v3;
	v4 =	vmul.f32 v10, v4  }
0xae: {  	v2 =	vmul.f32 v10, v2;
	v19 =	vsel vm12, v46, v19;
	v18 =	vsel vm13, v47, v18  }
0xaf: {  	v62 =	vld [tilespmem:s14+$0x8030];
	v16 =	vsel vm14, v48, v16;
	v15 =	vsel vm15, v50, v15;
	v26 =	vadd.s32 $0x400, v26  }
0xb0: {  	v25 =	vadd.s32 $0x800, v25;
	v19 =	vtrunc.f32 v19;
	v18 =	vtrunc.f32 v18  }
0xb1: {  	v24 =	vadd.s32 $0xC00, v24;
	v16 =	vtrunc.f32 v16;
	v15 =	vtrunc.f32 v15  }
0xb2: {  	vm4 =	veq.s32 v49, $0x0;
	vm5 =	veq.s32 v49, $0x1;
	vm6 =	veq.s32 v49, $0x2  }
0xb3: {  	vm7 =	veq.s32 v49, $0x3;
	v60 =	vsub.f32 $1.024000000e+03, v5;
	v61 =	vsub.f32 $1.024000000e+03, v3  }
0xb4: {  	v52 =	vld [tilespmem:s14+$0x8060];
	v63 =	vsub.f32 $1.024000000e+03, v2;
	vm8 =	veq.s32 v62, $0x0;
	vm9 =	veq.s32 v62, $0x1  }
0xb5: {  	v53 =	vld [tilespmem:s14+$0x8070];
	vm10 =	veq.s32 v62, $0x2;
	vm11 =	veq.s32 v62, $0x3;
	v19 =	vcvt.f32.s32 v19  }
0xb6: {  	v18 =	vcvt.f32.s32 v18;
	v16 =	vcvt.f32.s32 v16;
	v14 =	vsel vm4, v51, v14;
	[tilespmem:v33+s2+$0x0] =	vst.idx.add.s32.msk $0xffff, v1  }
0xb7: {  	v15 =	vcvt.f32.s32 v15;
	v13 =	vsel vm5, v54, v13;
	v12 =	vsel vm6, v55, v12;
	[tilespmem:v32+s2+$0x0] =	vst.idx.add.s32.msk $0xffff, v1  }
0xb8: {  	v11 =	vsel vm7, v28, v11;
	v23 =	vsel vm8, v41, v23;
	v14 =	vtrunc.f32 v14;
	[tilespmem:v40+s2+$0x0] =	vst.idx.add.s32.msk $0xffff, v1  }
0xb9: {  	v22 =	vsel vm9, v42, v22;
	v13 =	vtrunc.f32 v13;
	v12 =	vtrunc.f32 v12;
	[tilespmem:v34+s2+$0x0] =	vst.idx.add.s32.msk $0xffff, v1  }
0xba: {  	v21 =	vsel vm10, v43, v21;
	v11 =	vtrunc.f32 v11;
	v23 =	vtrunc.f32 v23;
	[tilespmem:v37+s2+$0x0] =	vst.idx.add.s32.msk $0xffff, v1  }
0xbb: {  	v62 =	vsub.f32 $1.024000000e+03, v4;
	v22 =	vtrunc.f32 v22;
	v21 =	vtrunc.f32 v21;
	[tilespmem:v31+s2+$0x0] =	vst.idx.add.s32.msk $0xffff, v1  }
0xbc: {  	v20 =	vsel vm11, v45, v20;
	v23 =	vcvt.f32.s32 v23;
	v22 =	vcvt.f32.s32 v22;
	[tilespmem:v30+s2+$0x0] =	vst.idx.add.s32.msk $0xffff, v1  }
0xbd: {  	vm8 =	veq.s32 v52, $0x0;
	v20 =	vtrunc.f32 v20;
	v21 =	vcvt.f32.s32 v21;
	[tilespmem:v29+s2+$0x0] =	vst.idx.add.s32.msk $0xffff, v1  }
0xbe: {  	vm9 =	veq.s32 v52, $0x1;
	v20 =	vcvt.f32.s32 v20;
	v22 =	vadd.s32 $0x400, v22;
	[tilespmem:v27+s2+$0x0] =	vst.idx.add.s32.msk $0xffff, v1  }
0xbf: {  	vm10 =	veq.s32 v52, $0x2;
	vm11 =	veq.s32 v52, $0x3;
	v21 =	vadd.s32 $0x800, v21;
	[tilespmem:v26+s2+$0x0] =	vst.idx.add.s32.msk $0xffff, v1  }
0xc0: {  	vm12 =	veq.s32 v53, $0x0;
	vm13 =	veq.s32 v53, $0x1;
	v20 =	vadd.s32 $0xC00, v20;
	[tilespmem:v25+s2+$0x0] =	vst.idx.add.s32.msk $0xffff, v1  }
0xc1: {  	vm14 =	veq.s32 v53, $0x2;
	vm15 =	veq.s32 v53, $0x3;
	v18 =	vadd.s32 $0x400, v18;
	[tilespmem:v24+s2+$0x0] =	vst.idx.add.s32.msk $0xffff, v1  }
0xc2: {  	v16 =	vadd.s32 $0x800, v16;
	v15 =	vadd.s32 $0xC00, v15;
	v14 =	vcvt.f32.s32 v14;
	[tilespmem:v23+s2+$0x0] =	vst.idx.add.s32.msk $0xffff, v1  }
0xc3: {  	v13 =	vcvt.f32.s32 v13;
	v9 =	vsel vm8, v56, v9;
	v8 =	vsel vm9, v57, v8;
	[tilespmem:v22+s2+$0x0] =	vst.idx.add.s32.msk $0xffff, v1  }
0xc4: {  	v12 =	vcvt.f32.s32 v12;
	v7 =	vsel vm10, v58, v7;
	v6 =	vsel vm11, v59, v6;
	[tilespmem:v21+s2+$0x0] =	vst.idx.add.s32.msk $0xffff, v1  }
0xc5: {  	v11 =	vcvt.f32.s32 v11;
	v5 =	vsel vm12, v60, v5;
	v3 =	vsel vm13, v61, v3;
	[tilespmem:v20+s2+$0x0] =	vst.idx.add.s32.msk $0xffff, v1  }
0xc6: {  	v4 =	vsel vm14, v62, v4;
	v9 =	vtrunc.f32 v9;
	v13 =	vadd.s32 $0x400, v13;
	[tilespmem:v19+s2+$0x0] =	vst.idx.add.s32.msk $0xffff, v1  }
0xc7: {  	v8 =	vtrunc.f32 v8;
	v7 =	vtrunc.f32 v7;
	v12 =	vadd.s32 $0x800, v12;
	[tilespmem:v18+s2+$0x0] =	vst.idx.add.s32.msk $0xffff, v1  }
0xc8: {  	v9 =	vcvt.f32.s32 v9;
	v8 =	vcvt.f32.s32 v8;
	v11 =	vadd.s32 $0xC00, v11;
	[tilespmem:v16+s2+$0x0] =	vst.idx.add.s32.msk $0xffff, v1  }
0xc9: {  	v2 =	vsel vm15, v63, v2;
	v6 =	vtrunc.f32 v6;
	v7 =	vcvt.f32.s32 v7;
	[tilespmem:v15+s2+$0x0] =	vst.idx.add.s32.msk $0xffff, v1  }
0xca: {  	v5 =	vtrunc.f32 v5;
	v6 =	vcvt.f32.s32 v6;
	v8 =	vadd.s32 $0x400, v8;
	[tilespmem:v14+s2+$0x0] =	vst.idx.add.s32.msk $0xffff, v1  }
0xcb: {  	v3 =	vtrunc.f32 v3;
	v4 =	vtrunc.f32 v4;
	v7 =	vadd.s32 $0x800, v7;
	[tilespmem:v13+s2+$0x0] =	vst.idx.add.s32.msk $0xffff, v1  }
0xcc: {  	v5 =	vcvt.f32.s32 v5;
	v3 =	vcvt.f32.s32 v3;
	v6 =	vadd.s32 $0xC00, v6;
	[tilespmem:v12+s2+$0x0] =	vst.idx.add.s32.msk $0xffff, v1  }
0xcd: {  	v2 =	vtrunc.f32 v2;
	v4 =	vcvt.f32.s32 v4;
	[tilespmem:v11+s2+$0x0] =	vst.idx.add.s32.msk $0xffff, v1  }
0xce: {  	v2 =	vcvt.f32.s32 v2;
	v3 =	vadd.s32 $0x400, v3;
	[tilespmem:v9+s2+$0x0] =	vst.idx.add.s32.msk $0xffff, v1  }
0xcf: {  	v4 =	vadd.s32 $0x800, v4;
	[tilespmem:v8+s2+$0x0] =	vst.idx.add.s32.msk $0xffff, v1  }
0xd0: {  	p0 =	sne.s32 s13, $0x3E00;
	v2 =	vadd.s32 $0xC00, v2;
	[tilespmem:v7+s2+$0x0] =	vst.idx.add.s32.msk $0xffff, v1  }
.Ltmp1:
0xd1: {  	[tilespmem:v6+s2+$0x0] =	vst.idx.add.s32.msk $0xffff, v1;
	(pc) =	sbr.rel @p0 .LBB2_5-.Ltmp1, $4  }
0xd2: {  	[tilespmem:v5+s2+$0x0] =	vst.idx.add.s32.msk $0xffff, v1  }
0xd3: {  	[tilespmem:v3+s2+$0x0] =	vst.idx.add.s32.msk $0xffff, v1  }
0xd4: {  	[tilespmem:v4+s2+$0x0] =	vst.idx.add.s32.msk $0xffff, v1  }
0xd5: {  	s13 =	sadd.s32 $0x200, s13;
	[tilespmem:v2+s2+$0x0] =	vst.idx.add.s32.msk $0xffff, v1  }
0xd6: {  	_ =	swait.ge [sflag:s22], $0x1000  }
0xd7: {  	[sflag:s22] =	ssyncset.done $0x0  }
0xd8: {  	[sflag:s22] =	ssyncadd.s32 $0xFFFFF000  }
0xd9: {  	_ =	swait.ge [sflag:s22], $0x1000  }
0xda: {  	[sflag:s22] =	ssyncset.done $0x0  }
0xdb: {  	[sflag:s22] =	ssyncadd.s32 $0xFFFFF000  }
0xdc: {  	_ =	swait.ge [sflag:s22], $0x1000  }
0xdd: {  	[sflag:s22] =	ssyncset.done $0x0  }
0xde: {  	[sflag:s22] =	ssyncadd.s32 $0xFFFFF000  }
0xdf: {  	_ =	swait.ge [sflag:s22], $0x1000  }
0xe0: {  	p0 =	seq.s32 s8, $0x7;
	[sflag:s22] =	ssyncset.done $0x0  }
0xe1: {  	s12 =	sadd.s32 @!p0 s12, s15;
	[sflag:s22] =	ssyncadd.s32 $0xFFFFF000  }
0xe2: {  	s13 =	sor.u32 @!p0 s5, s12;
	_ =	swait.ge [sflag:s22], $0x1000  }
0xe3: {  	s13 =	sshrl.u32 @!p0 s13, $0x3;
	[sflag:s22] =	ssyncset.done $0x0  }
0xe4: {  	s14 =	simm.s32 @!p0 $0x0;
	s13 =	sadd.s32 @!p0 s1, s13;
	[sflag:s22] =	ssyncadd.s32 $0xFFFFF000  }
0xe5: {  	[tilespmem:s14], [sflag:$0x1] =	stream.linear.gather @!p0 [hbm4b:s13+s14], $0x1000, $0x38;
	[tilespmem:$0xB000] =	vst v63  }
0xe6: {  	s13 =	sadd.s32 @!p0 s6, s12  }
0xe7: {  	s13 =	sshrl.u32 @!p0 s13, $0x3  }
0xe8: {  	s16 =	simm.s32 @!p0 $0x1000;
	s13 =	sadd.s32 @!p0 s1, s13  }
0xe9: {  	[tilespmem:s16], [sflag:$0x1] =	stream.linear.gather @!p0 [hbm4b:s13+s14], $0x1000, $0x38;
	[tilespmem:$0xB000] =	vst v63  }
0xea: {  	s13 =	sor.u32 @!p0 s9, s12  }
0xeb: {  	s13 =	sshrl.u32 @!p0 s13, $0x3  }
0xec: {  	s16 =	simm.s32 @!p0 $0x2000;
	s13 =	sadd.s32 @!p0 s1, s13  }
0xed: {  	[tilespmem:s16], [sflag:$0x1] =	stream.linear.gather @!p0 [hbm4b:s13+s14], $0x1000, $0x38;
	[tilespmem:$0xB000] =	vst v63  }
0xee: {  	s13 =	sadd.s32 @!p0 s10, s12  }
0xef: {  	s12 =	sadd.s32 @!p0 s11, s12;
	s13 =	sshrl.u32 @!p0 s13, $0x3  }
0xf0: {  	s16 =	simm.s32 @!p0 $0x3000;
	s12 =	sshrl.u32 @!p0 s12, $0x3;
	s13 =	sadd.s32 @!p0 s1, s13  }
0xf1: {  	[tilespmem:s16], [sflag:$0x1] =	stream.linear.gather @!p0 [hbm4b:s13+s14], $0x1000, $0x38;
	[tilespmem:$0xB000] =	vst v63  }
0xf2: {  	s12 =	sadd.s32 @!p0 s3, s12;
	s13 =	simm.s32 @!p0 $0x8000  }
0xf3: {  	[tilespmem:s13], [sflag:$0x1] =	stream.linear.gather @!p0 [hbm4b:s12+s14], $0x1000, $0x38;
	[tilespmem:$0xB000] =	vst v63  }
0xf4: {  	s12 =	simm.s32 $0x0  }
.LBB2_7:
0xf5: {  	s13 =	sshra.s32 s12, $0x2  }
0xf6: {  	v2 =	vld [tilespmem:s13+$0x4000]  }
0xf7: {  	v3 =	vld [tilespmem:s13+$0x5000]  }
0xf8: {  	v4 =	vld [tilespmem:s13+$0x6000]  }
0xf9: {  	v5 =	vld [tilespmem:s13+$0x7000]  }
0xfa: {  	v6 =	vld [tilespmem:s13+$0x4010]  }
0xfb: {  	v7 =	vld [tilespmem:s13+$0x5010];
	v2 =	vmul.f32 $1.442695020e+00, v2  }
0xfc: {  	v8 =	vld [tilespmem:s13+$0x6010];
	v3 =	vmul.f32 $1.442695020e+00, v3  }
0xfd: {  	v57 =	vld [tilespmem:s13+$0x7010];
	(erf) = vpow2.f32 v2;
	v2 =	vmul.f32 $1.442695020e+00, v4  }
0xfe: {  	v58 =	vld [tilespmem:s13+$0x4020];
	(erf) = vpow2.f32 v3;
	v3 =	vmul.f32 $1.442695020e+00, v5  }
0xff: {  	v59 =	vld [tilespmem:s13+$0x5020];
	(erf) = vpow2.f32 v2;
	v2 =	vmul.f32 $1.442695020e+00, v6  }
0x100: {  	v60 =	vld [tilespmem:s13+$0x6020];
	(erf) = vpow2.f32 v3;
	v3 =	vmul.f32 $1.442695020e+00, v7  }
0x101: {  	v61 =	vld [tilespmem:s13+$0x7020];
	(erf) = vpow2.f32 v2;
	v2 =	vmul.f32 $1.442695020e+00, v8  }
0x102: {  	v62 =	vld [tilespmem:s13+$0x4030];
	(erf) = vpow2.f32 v3;
	v3 =	vmul.f32 $1.442695020e+00, v57  }
0x103: {  	v63 =	vld [tilespmem:s13+$0x5030];
	(erf) = vpow2.f32 v2;
	v2 =	vmul.f32 $1.442695020e+00, v58  }
0x104: {  	v12 =	vld [tilespmem:s13+$0x6030];
	(erf) = vpow2.f32 v3;
	v3 =	vmul.f32 $1.442695020e+00, v59  }
0x105: {  	v13 =	vld [tilespmem:s13+$0x7030];
	(erf) = vpow2.f32 v2;
	v2 =	vmul.f32 $1.442695020e+00, v60  }
0x106: {  	v14 =	vld [tilespmem:s13+$0x4040];
	v28 =	vpop (erf);
	(erf) = vpow2.f32 v3;
	v3 =	vmul.f32 $1.442695020e+00, v61  }
0x107: {  	v18 =	vld [tilespmem:s13+$0x5040];
	v17 =	vpop (erf);
	(erf) = vpow2.f32 v2;
	v2 =	vmul.f32 $1.442695020e+00, v62  }
0x108: {  	v19 =	vld [tilespmem:s13+$0x6040];
	v10 =	vpop (erf);
	(erf) = vpow2.f32 v3;
	v3 =	vmul.f32 $1.442695020e+00, v63  }
0x109: {  	v20 =	vld [tilespmem:s13+$0x7040];
	v33 =	vpop (erf);
	(erf) = vpow2.f32 v2;
	v2 =	vmul.f32 $1.442695020e+00, v12  }
0x10a: {  	v21 =	vld [tilespmem:s13+$0x4050];
	v32 =	vpop (erf);
	(erf) = vpow2.f32 v3;
	v3 =	vmul.f32 $1.442695020e+00, v13  }
0x10b: {  	v22 =	vld [tilespmem:s13+$0x5050];
	v31 =	vpop (erf);
	(erf) = vpow2.f32 v2;
	v2 =	vmul.f32 $1.442695020e+00, v14  }
0x10c: {  	v23 =	vld [tilespmem:s13+$0x6050];
	v30 =	vpop (erf);
	(erf) = vpow2.f32 v3;
	v3 =	vmul.f32 $1.442695020e+00, v18  }
0x10d: {  	v34 =	vld [tilespmem:s13+$0x7050];
	v29 =	vpop (erf);
	(erf) = vpow2.f32 v2;
	v2 =	vmul.f32 $1.442695020e+00, v19  }
0x10e: {  	v35 =	vld [tilespmem:s13+$0x4060];
	v27 =	vpop (erf);
	(erf) = vpow2.f32 v3;
	v3 =	vmul.f32 $1.442695020e+00, v20  }
0x10f: {  	v36 =	vld [tilespmem:s13+$0x5060];
	v26 =	vpop (erf);
	(erf) = vpow2.f32 v2;
	v2 =	vmul.f32 $1.442695020e+00, v21  }
0x110: {  	v37 =	vld [tilespmem:s13+$0x6060];
	v25 =	vpop (erf);
	(erf) = vpow2.f32 v3;
	v3 =	vmul.f32 $1.442695020e+00, v22  }
0x111: {  	v38 =	vld [tilespmem:s13+$0x7060];
	v24 =	vpop (erf);
	(erf) = vpow2.f32 v2;
	v2 =	vmul.f32 $1.442695020e+00, v23  }
0x112: {  	v39 =	vld [tilespmem:s13+$0x4070];
	v23 =	vpop (erf);
	(erf) = vpow2.f32 v3;
	v3 =	vmul.f32 $1.442695020e+00, v34  }
0x113: {  	v40 =	vld [tilespmem:s13+$0x5070];
	v22 =	vpop (erf);
	(erf) = vpow2.f32 v2;
	v2 =	vmul.f32 $1.442695020e+00, v35  }
0x114: {  	v21 =	vpop (erf);
	(erf) = vpow2.f32 v3;
	v3 =	vmul.f32 $1.442695020e+00, v36  }
0x115: {  	v41 =	vld [tilespmem:s13+$0x6070];
	v20 =	vpop (erf);
	(erf) = vpow2.f32 v2;
	v2 =	vmul.f32 $1.442695020e+00, v37  }
0x116: {  	v42 =	vld [tilespmem:s13+$0x7070];
	v19 =	vpop (erf);
	(erf) = vpow2.f32 v3;
	v3 =	vmul.f32 $1.442695020e+00, v38  }
0x117: {  	v18 =	vpop (erf);
	(erf) = vpow2.f32 v2;
	v2 =	vmul.f32 $1.442695020e+00, v39  }
0x118: {  	v16 =	vpop (erf);
	(erf) = vpow2.f32 v3;
	v3 =	vmul.f32 $1.442695020e+00, v40  }
0x119: {  	v15 =	vpop (erf);
	(erf) = vpow2.f32 v2  }
0x11a: {  	v2 =	vmul.f32 $1.442695020e+00, v41;
	v14 =	vpop (erf);
	(erf) = vpow2.f32 v3  }
0x11b: {  	v3 =	vmul.f32 $1.442695020e+00, v42;
	v13 =	vpop (erf)  }
0x11c: {  	v43 =	vadd.f32 v33, v10;
	v44 =	vadd.f32 v29, v30;
	(erf) = vpow2.f32 v2;
	v12 =	vpop (erf)  }
0x11d: {  	v45 =	vadd.f32 v26, v27;
	v2 =	vadd.f32 v17, v28;
	(erf) = vpow2.f32 v3;
	v11 =	vpop (erf)  }
0x11e: {  	v34 =	vadd.f32 v24, v25;
	v3 =	vadd.f32 v31, v32;
	v9 =	vpop (erf)  }
0x11f: {  	v35 =	vadd.f32 v22, v23;
	v2 =	vadd.f32 v43, v2;
	v8 =	vpop (erf)  }
0x120: {  	v36 =	vadd.f32 v20, v21;
	v46 =	vadd.f32 v44, v3;
	v7 =	vpop (erf)  }
0x121: {  	v34 =	vadd.f32 v34, v45;
	v6 =	vpop (erf);
	(erf) = vrcp.f32 v2  }
0x122: {  	v35 =	vadd.f32 v36, v35;
	v5 =	vpop (erf);
	(erf) = vrcp.f32 v46  }
0x123: {  	v47 =	vadd.f32 v18, v19;
	v37 =	vadd.f32 v15, v16;
	v3 =	vpop (erf);
	(erf) = vrcp.f32 v34  }
0x124: {  	v38 =	vadd.f32 v13, v14;
	v39 =	vadd.f32 v11, v12  }
0x125: {  	v48 =	vadd.f32 v37, v47;
	v40 =	vadd.f32 v8, v9;
	v4 =	vpop (erf);
	(erf) = vrcp.f32 v35  }
0x126: {  	v56 =	vld [tilespmem:s13+$0x9000];
	v49 =	vadd.f32 v39, v38;
	v41 =	vadd.f32 v6, v7;
	v2 =	vpop (erf)  }
0x127: {  	v51 =	vadd.f32 v3, v5;
	v52 =	vadd.f32 v2, v4  }
0x128: {  	v50 =	vadd.f32 v41, v40;
	(erf) = vrcp.f32 v48  }
0x129: {  	v48 =	vld [tilespmem:s13+$0x9010];
	(erf) = vrcp.f32 v49;
	v34 =	vadd.f32 v52, v51  }
0x12a: {  	(erf) = vrcp.f32 v50;
	v53 =	vpop (erf)  }
0x12b: {  	vm0 =	veq.s32 v56, $0x0;
	(erf) = vrcp.f32 v34;
	v54 =	vpop (erf);
	v34 =	vmul.f32 $5.120000000e+02, v53  }
0x12c: {  	vm9 =	veq.s32 v56, $0x1;
	vm10 =	veq.s32 v56, $0x2;
	v55 =	vpop (erf);
	v35 =	vmul.f32 $5.120000000e+02, v54  }
0x12d: {  	vm11 =	veq.s32 v56, $0x3;
	v59 =	vmul.f32 v34, v28;
	v36 =	vmul.f32 $5.120000000e+02, v55  }
0x12e: {  	vm12 =	veq.s32 v48, $0x0;
	v57 =	vpop (erf);
	v43 =	vmul.f32 v34, v17;
	v44 =	vmul.f32 v34, v10  }
0x12f: {  	vm13 =	veq.s32 v48, $0x1;
	v34 =	vmul.f32 v34, v33;
	v38 =	vmul.f32 $5.120000000e+02, v57  }
0x130: {  	vm14 =	veq.s32 v48, $0x2;
	v52 =	vmul.f32 v35, v32;
	v31 =	vmul.f32 v35, v31  }
0x131: {  	vm15 =	veq.s32 v48, $0x3;
	v58 =	vpop (erf);
	v30 =	vmul.f32 v35, v30;
	v29 =	vmul.f32 v35, v29  }
0x132: {  	v39 =	vmul.f32 $5.120000000e+02, v58;
	v42 =	vsub.f32 $1.024000000e+03, v59;
	v63 =	vsub.f32 $1.024000000e+03, v43  }
0x133: {  	v47 =	vsub.f32 $1.024000000e+03, v44;
	v27 =	vmul.f32 v36, v27;
	v26 =	vmul.f32 v36, v26  }
0x134: {  	v60 =	vpop (erf);
	v51 =	vsub.f32 $1.024000000e+03, v34;
	v25 =	vmul.f32 v36, v25;
	v24 =	vmul.f32 v36, v24  }
0x135: {  	v28 =	vmul.f32 $5.120000000e+02, v60;
	v54 =	vsub.f32 $1.024000000e+03, v52;
	v55 =	vsub.f32 $1.024000000e+03, v31  }
0x136: {  	v56 =	vsub.f32 $1.024000000e+03, v30;
	v23 =	vmul.f32 v38, v23;
	v22 =	vmul.f32 v38, v22  }
0x137: {  	v61 =	vpop (erf);
	v58 =	vsub.f32 $1.024000000e+03, v29;
	v21 =	vmul.f32 v38, v21;
	v20 =	vmul.f32 v38, v20  }
0x138: {  	v17 =	vmul.f32 $5.120000000e+02, v61;
	v40 =	vsel vm0, v42, v59;
	v46 =	vsel vm9, v63, v43  }
0x139: {  	v50 =	vsel vm10, v47, v44;
	v34 =	vsel vm11, v51, v34;
	v59 =	vsub.f32 $1.024000000e+03, v27  }
0x13a: {  	v60 =	vsub.f32 $1.024000000e+03, v26;
	v19 =	vmul.f32 v39, v19;
	v18 =	vmul.f32 v39, v18  }
0x13b: {  	v61 =	vsub.f32 $1.024000000e+03, v25;
	v16 =	vmul.f32 v39, v16;
	v15 =	vmul.f32 v39, v15  }
0x13c: {  	v63 =	vsub.f32 $1.024000000e+03, v24;
	v40 =	vtrunc.f32 v40;
	v49 =	vtrunc.f32 v46  }
0x13d: {  	v41 =	vtrunc.f32 v50;
	v34 =	vtrunc.f32 v34;
	v37 =	vsel vm12, v54, v52  }
0x13e: {  	v31 =	vsel vm13, v55, v31;
	v14 =	vmul.f32 v28, v14;
	v13 =	vmul.f32 v28, v13  }
0x13f: {  	v57 =	vld [tilespmem:s13+$0x9020];
	v30 =	vsel vm14, v56, v30;
	v12 =	vmul.f32 v28, v12;
	v11 =	vmul.f32 v28, v11  }
0x140: {  	v29 =	vsel vm15, v58, v29;
	v33 =	vcvt.f32.s32 v40;
	v40 =	vcvt.f32.s32 v49  }
0x141: {  	v42 =	vsub.f32 $1.024000000e+03, v22;
	v53 =	vcvt.f32.s32 v41;
	v34 =	vcvt.f32.s32 v34  }
0x142: {  	v43 =	vsub.f32 $1.024000000e+03, v21;
	v37 =	vtrunc.f32 v37;
	v31 =	vtrunc.f32 v31  }
0x143: {  	v45 =	vsub.f32 $1.024000000e+03, v20;
	v30 =	vtrunc.f32 v30;
	v29 =	vtrunc.f32 v29  }
0x144: {  	vm4 =	veq.s32 v57, $0x0;
	vm5 =	veq.s32 v57, $0x1;
	vm6 =	veq.s32 v57, $0x2  }
0x145: {  	vm7 =	veq.s32 v57, $0x3;
	v41 =	vsub.f32 $1.024000000e+03, v23;
	v9 =	vmul.f32 v17, v9  }
0x146: {  	v62 =	vpop (erf);
	v46 =	vsub.f32 $1.024000000e+03, v19;
	v8 =	vmul.f32 v17, v8;
	v7 =	vmul.f32 v17, v7  }
0x147: {  	v47 =	vsub.f32 $1.024000000e+03, v18;
	v6 =	vmul.f32 v17, v6;
	v10 =	vmul.f32 $5.120000000e+02, v62  }
0x148: {  	v48 =	vsub.f32 $1.024000000e+03, v16;
	v37 =	vcvt.f32.s32 v37;
	v31 =	vcvt.f32.s32 v31  }
0x149: {  	v50 =	vsub.f32 $1.024000000e+03, v15;
	v30 =	vcvt.f32.s32 v30;
	v29 =	vcvt.f32.s32 v29  }
0x14a: {  	v27 =	vsel vm4, v59, v27;
	v26 =	vsel vm5, v60, v26;
	v25 =	vsel vm6, v61, v25  }
0x14b: {  	v24 =	vsel vm7, v63, v24;
	v51 =	vsub.f32 $1.024000000e+03, v14;
	v54 =	vsub.f32 $1.024000000e+03, v13  }
0x14c: {  	v55 =	vsub.f32 $1.024000000e+03, v12;
	v28 =	vsub.f32 $1.024000000e+03, v11;
	v32 =	vadd.s32 $0x400, v40  }
0x14d: {  	v44 =	vld [tilespmem:s13+$0x9040];
	v40 =	vadd.s32 $0x800, v53;
	v34 =	vadd.s32 $0xC00, v34;
	v27 =	vtrunc.f32 v27  }
0x14e: {  	v26 =	vtrunc.f32 v26;
	v25 =	vtrunc.f32 v25;
	v56 =	vsub.f32 $1.024000000e+03, v9  }
0x14f: {  	v24 =	vtrunc.f32 v24;
	v57 =	vsub.f32 $1.024000000e+03, v8;
	v58 =	vsub.f32 $1.024000000e+03, v7  }
0x150: {  	v59 =	vsub.f32 $1.024000000e+03, v6;
	v31 =	vadd.s32 $0x400, v31;
	v30 =	vadd.s32 $0x800, v30  }
0x151: {  	v29 =	vadd.s32 $0xC00, v29;
	v27 =	vcvt.f32.s32 v27;
	v26 =	vcvt.f32.s32 v26  }
0x152: {  	v25 =	vcvt.f32.s32 v25;
	v24 =	vcvt.f32.s32 v24;
	vm12 =	veq.s32 v44, $0x0  }
0x153: {  	vm13 =	veq.s32 v44, $0x1;
	vm14 =	veq.s32 v44, $0x2;
	v5 =	vmul.f32 v10, v5  }
0x154: {  	v49 =	vld [tilespmem:s13+$0x9050];
	vm15 =	veq.s32 v44, $0x3;
	v3 =	vmul.f32 v10, v3;
	v4 =	vmul.f32 v10, v4  }
0x155: {  	v2 =	vmul.f32 v10, v2;
	v19 =	vsel vm12, v46, v19;
	v18 =	vsel vm13, v47, v18  }
0x156: {  	v62 =	vld [tilespmem:s13+$0x9030];
	v16 =	vsel vm14, v48, v16;
	v15 =	vsel vm15, v50, v15;
	v26 =	vadd.s32 $0x400, v26  }
0x157: {  	v25 =	vadd.s32 $0x800, v25;
	v19 =	vtrunc.f32 v19;
	v18 =	vtrunc.f32 v18  }
0x158: {  	v24 =	vadd.s32 $0xC00, v24;
	v16 =	vtrunc.f32 v16;
	v15 =	vtrunc.f32 v15  }
0x159: {  	vm4 =	veq.s32 v49, $0x0;
	vm5 =	veq.s32 v49, $0x1;
	vm6 =	veq.s32 v49, $0x2  }
0x15a: {  	vm7 =	veq.s32 v49, $0x3;
	v60 =	vsub.f32 $1.024000000e+03, v5;
	v61 =	vsub.f32 $1.024000000e+03, v3  }
0x15b: {  	v52 =	vld [tilespmem:s13+$0x9060];
	v63 =	vsub.f32 $1.024000000e+03, v2;
	vm8 =	veq.s32 v62, $0x0;
	vm9 =	veq.s32 v62, $0x1  }
0x15c: {  	v53 =	vld [tilespmem:s13+$0x9070];
	vm10 =	veq.s32 v62, $0x2;
	vm11 =	veq.s32 v62, $0x3;
	v19 =	vcvt.f32.s32 v19  }
0x15d: {  	v18 =	vcvt.f32.s32 v18;
	v16 =	vcvt.f32.s32 v16;
	v14 =	vsel vm4, v51, v14;
	[tilespmem:v33+s2+$0x0] =	vst.idx.add.s32.msk $0xffff, v1  }
0x15e: {  	v15 =	vcvt.f32.s32 v15;
	v13 =	vsel vm5, v54, v13;
	v12 =	vsel vm6, v55, v12;
	[tilespmem:v32+s2+$0x0] =	vst.idx.add.s32.msk $0xffff, v1  }
0x15f: {  	v11 =	vsel vm7, v28, v11;
	v23 =	vsel vm8, v41, v23;
	v14 =	vtrunc.f32 v14;
	[tilespmem:v40+s2+$0x0] =	vst.idx.add.s32.msk $0xffff, v1  }
0x160: {  	v22 =	vsel vm9, v42, v22;
	v13 =	vtrunc.f32 v13;
	v12 =	vtrunc.f32 v12;
	[tilespmem:v34+s2+$0x0] =	vst.idx.add.s32.msk $0xffff, v1  }
0x161: {  	v21 =	vsel vm10, v43, v21;
	v11 =	vtrunc.f32 v11;
	v23 =	vtrunc.f32 v23;
	[tilespmem:v37+s2+$0x0] =	vst.idx.add.s32.msk $0xffff, v1  }
0x162: {  	v62 =	vsub.f32 $1.024000000e+03, v4;
	v22 =	vtrunc.f32 v22;
	v21 =	vtrunc.f32 v21;
	[tilespmem:v31+s2+$0x0] =	vst.idx.add.s32.msk $0xffff, v1  }
0x163: {  	v20 =	vsel vm11, v45, v20;
	v23 =	vcvt.f32.s32 v23;
	v22 =	vcvt.f32.s32 v22;
	[tilespmem:v30+s2+$0x0] =	vst.idx.add.s32.msk $0xffff, v1  }
0x164: {  	vm8 =	veq.s32 v52, $0x0;
	v20 =	vtrunc.f32 v20;
	v21 =	vcvt.f32.s32 v21;
	[tilespmem:v29+s2+$0x0] =	vst.idx.add.s32.msk $0xffff, v1  }
0x165: {  	vm9 =	veq.s32 v52, $0x1;
	v20 =	vcvt.f32.s32 v20;
	v22 =	vadd.s32 $0x400, v22;
	[tilespmem:v27+s2+$0x0] =	vst.idx.add.s32.msk $0xffff, v1  }
0x166: {  	vm10 =	veq.s32 v52, $0x2;
	vm11 =	veq.s32 v52, $0x3;
	v21 =	vadd.s32 $0x800, v21;
	[tilespmem:v26+s2+$0x0] =	vst.idx.add.s32.msk $0xffff, v1  }
0x167: {  	vm12 =	veq.s32 v53, $0x0;
	vm13 =	veq.s32 v53, $0x1;
	v20 =	vadd.s32 $0xC00, v20;
	[tilespmem:v25+s2+$0x0] =	vst.idx.add.s32.msk $0xffff, v1  }
0x168: {  	vm14 =	veq.s32 v53, $0x2;
	vm15 =	veq.s32 v53, $0x3;
	v18 =	vadd.s32 $0x400, v18;
	[tilespmem:v24+s2+$0x0] =	vst.idx.add.s32.msk $0xffff, v1  }
0x169: {  	v16 =	vadd.s32 $0x800, v16;
	v15 =	vadd.s32 $0xC00, v15;
	v14 =	vcvt.f32.s32 v14;
	[tilespmem:v23+s2+$0x0] =	vst.idx.add.s32.msk $0xffff, v1  }
0x16a: {  	v13 =	vcvt.f32.s32 v13;
	v9 =	vsel vm8, v56, v9;
	v8 =	vsel vm9, v57, v8;
	[tilespmem:v22+s2+$0x0] =	vst.idx.add.s32.msk $0xffff, v1  }
0x16b: {  	v12 =	vcvt.f32.s32 v12;
	v7 =	vsel vm10, v58, v7;
	v6 =	vsel vm11, v59, v6;
	[tilespmem:v21+s2+$0x0] =	vst.idx.add.s32.msk $0xffff, v1  }
0x16c: {  	v11 =	vcvt.f32.s32 v11;
	v5 =	vsel vm12, v60, v5;
	v3 =	vsel vm13, v61, v3;
	[tilespmem:v20+s2+$0x0] =	vst.idx.add.s32.msk $0xffff, v1  }
0x16d: {  	v4 =	vsel vm14, v62, v4;
	v9 =	vtrunc.f32 v9;
	v13 =	vadd.s32 $0x400, v13;
	[tilespmem:v19+s2+$0x0] =	vst.idx.add.s32.msk $0xffff, v1  }
0x16e: {  	v8 =	vtrunc.f32 v8;
	v7 =	vtrunc.f32 v7;
	v12 =	vadd.s32 $0x800, v12;
	[tilespmem:v18+s2+$0x0] =	vst.idx.add.s32.msk $0xffff, v1  }
0x16f: {  	v9 =	vcvt.f32.s32 v9;
	v8 =	vcvt.f32.s32 v8;
	v11 =	vadd.s32 $0xC00, v11;
	[tilespmem:v16+s2+$0x0] =	vst.idx.add.s32.msk $0xffff, v1  }
0x170: {  	v2 =	vsel vm15, v63, v2;
	v6 =	vtrunc.f32 v6;
	v7 =	vcvt.f32.s32 v7;
	[tilespmem:v15+s2+$0x0] =	vst.idx.add.s32.msk $0xffff, v1  }
0x171: {  	v5 =	vtrunc.f32 v5;
	v6 =	vcvt.f32.s32 v6;
	v8 =	vadd.s32 $0x400, v8;
	[tilespmem:v14+s2+$0x0] =	vst.idx.add.s32.msk $0xffff, v1  }
0x172: {  	v3 =	vtrunc.f32 v3;
	v4 =	vtrunc.f32 v4;
	v7 =	vadd.s32 $0x800, v7;
	[tilespmem:v13+s2+$0x0] =	vst.idx.add.s32.msk $0xffff, v1  }
0x173: {  	v5 =	vcvt.f32.s32 v5;
	v3 =	vcvt.f32.s32 v3;
	v6 =	vadd.s32 $0xC00, v6;
	[tilespmem:v12+s2+$0x0] =	vst.idx.add.s32.msk $0xffff, v1  }
0x174: {  	v2 =	vtrunc.f32 v2;
	v4 =	vcvt.f32.s32 v4;
	[tilespmem:v11+s2+$0x0] =	vst.idx.add.s32.msk $0xffff, v1  }
0x175: {  	v2 =	vcvt.f32.s32 v2;
	v3 =	vadd.s32 $0x400, v3;
	[tilespmem:v9+s2+$0x0] =	vst.idx.add.s32.msk $0xffff, v1  }
0x176: {  	v4 =	vadd.s32 $0x800, v4;
	[tilespmem:v8+s2+$0x0] =	vst.idx.add.s32.msk $0xffff, v1  }
0x177: {  	p0 =	sne.s32 s12, $0x3E00;
	v2 =	vadd.s32 $0xC00, v2;
	[tilespmem:v7+s2+$0x0] =	vst.idx.add.s32.msk $0xffff, v1  }
.Ltmp2:
0x178: {  	[tilespmem:v6+s2+$0x0] =	vst.idx.add.s32.msk $0xffff, v1;
	(pc) =	sbr.rel @p0 .LBB2_7-.Ltmp2, $4  }
0x179: {  	[tilespmem:v5+s2+$0x0] =	vst.idx.add.s32.msk $0xffff, v1  }
0x17a: {  	[tilespmem:v3+s2+$0x0] =	vst.idx.add.s32.msk $0xffff, v1  }
0x17b: {  	[tilespmem:v4+s2+$0x0] =	vst.idx.add.s32.msk $0xffff, v1  }
0x17c: {  	s12 =	sadd.s32 $0x200, s12;
	[tilespmem:v2+s2+$0x0] =	vst.idx.add.s32.msk $0xffff, v1  }
0x17d: {  	s8 =	sadd.s32 $0x1, s8  }
0x17e: {  	p0 =	sne.s32 s8, $0x8  }
.Ltmp3:
0x17f: {  	_ = 	snop;
	(pc) =	sbr.rel @p0 .LBB2_4-.Ltmp3, $1  }
0x180: {  	_ =	sdelay $0x3  }
0x181: {  	s7 =	rddreg [dreg:$0x9]  }
0x182: {  	[hbm4b:s7+s23] =	stream.strided.scatter [tilespmem:s2], [sflag:$0x3], $0x400, s24, s23, $0x38;
	[tilespmem:$0xB000] =	vst v63  }
0x183: {  	_ =	swait.ge [sflag:s25], $0x400  }
0x184: {  	[sflag:s25] =	ssyncset.done $0x0  }
0x185: {  	s13 =	simm.s32 $0xA400;
	[sflag:s25] =	ssyncadd.s32 $0xFFFFFC00  }
0x186: {  	[hbm4b:s17+s23] =	stream.strided.scatter [tilespmem:s13], [sflag:$0x3], $0x400, s24, s23, $0x38;
	[tilespmem:$0xB000] =	vst v63  }
0x187: {  	_ =	swait.ge [sflag:s25], $0x400  }
0x188: {  	[sflag:s25] =	ssyncset.done $0x0  }
0x189: {  	s14 =	simm.s32 $0xA800;
	[sflag:s25] =	ssyncadd.s32 $0xFFFFFC00  }
0x18a: {  	[hbm4b:s18+s23] =	stream.strided.scatter [tilespmem:s14], [sflag:$0x3], $0x400, s24, s23, $0x38;
	[tilespmem:$0xB000] =	vst v63  }
0x18b: {  	s4 =	sadd.s32 $0x1, s4;
	_ =	swait.ge [sflag:s25], $0x400  }
0x18c: {  	p0 =	sne.s32 s4, s20;
	[sflag:s25] =	ssyncset.done $0x0  }
.Ltmp4:
0x18d: {  	s16 =	simm.s32 $0xAC00;
	[sflag:s25] =	ssyncadd.s32 $0xFFFFFC00;
	(pc) =	sbr.rel @p0 .LBB2_1-.Ltmp4, $4  }
0x18e: {  	[hbm4b:s19+s23] =	stream.strided.scatter [tilespmem:s16], [sflag:$0x3], $0x400, s24, s23, $0x38;
	[tilespmem:$0xB000] =	vst v63  }
0x18f: {  	_ =	swait.ge [sflag:s25], $0x400  }
0x190: {  	[sflag:s25] =	ssyncset.done $0x0  }
0x191: {  	[sflag:s25] =	ssyncadd.s32 $0xFFFFFC00  }
0x192: {  	_ =	sfence.sel $0x180000  }
0x193: {  	[bflag:$0x0] =	sbarrier.arrive $0xFFFF  }
0x194: {  	_ =	strace $0x90000047  }
0x195: {  	s0 =	stileid.u32;
	[bflag:$0x2] =	sbarrier.arrive $0xFFFF  }
0x196: {  	p0 =	sne.s32 s0, $0x0;
	s0 =	rddreg [dreg:$0x3]  }
0x197: {  	s0 =	sadd.s32 @!p0 $0x100000, s0  }
0x198: {  	[sflag:s0] =	ssyncadd.tile.s32 @!p0 $0x1;
	_ =	shalt  }
.Lfunc_end2:
_tile_overlayer_lowered:
.L_overlay_start_2:
0x199: {  	(tag) =	ssettag $0x2  }
0x19a: {  	s0 =	rddreg [dreg:$0x0];
	s2 =	stileid.u32  }
0x19b: {  	s1 =	rddreg [dreg:$0x1];
	p0 =	sne.s32 s2, $0x0  }
0x19c: {  	s3 =	rddreg [dreg:$0x2];
	[bflag:$0x3] =	sbarrier.arrive $0xFFFF;
	s2 =	simm.s32 @!p0 $0x1C03  }
0x19d: {  	[timem:s3], [sflag:s2] =	dma.local @!p0 [hbm:s0], s1  }
0x19e: {  	s0 =	simm.s32 @!p0 $0x3  }
0x19f: {  	_ =	swait.ge @!p0 [sflag:s0], s1  }
0x1a0: {  	s1 =	ssub.s32 @!p0 $0x0, s1;
	[sflag:s0] =	ssyncset.done @!p0 $0x0  }
0x1a1: {  	[sflag:s0] =	ssyncadd.s32 @!p0 s1  }
0x1a2: {  	[bflag:$0x3] =	sbarrier.arrive $0xFFFF  }
0x1a3: {  	_ =	shalt  }

</sc_bundles>
